<compile_context>
chip_gen: v7x
topology: tpu7x:2x2x1
jax: 0.10.2.dev20260603
libtpu: 0.0.44.dev20260713+nightly
codegen_flags: <defaults>
</compile_context>

<pallas_src>
import jax
import jax.numpy as jnp
from jax import lax
from jax.experimental import pallas as pl
from jax.experimental.pallas import tpu as pltpu
from jax.experimental.pallas import tpu_sc as plsc

N = 10000
F = 128
E = 320000

NTILE = 16
K = 128
EPT = 20480
E_PAD = EPT * NTILE
ACC_ROWS = 10240
ZROWS = ACC_ROWS // NTILE
WPT = 624

R_BLK = 2000


K2 = 64
CH = EPT // K2
G = 16
SG = CH // G
NBUF = 4


def _seg_kernel(table, src5, dst5, zeros, out,
                srcg, dstg, r0, r1, r2, r3,
                acc, g0, g1, g2, g3, semi_s, semi_d):
    c = lax.axis_index("c")
    s = lax.axis_index("s")
    rows = (r0, r1, r2, r3)
    gsem = (g0, g1, g2, g3)
    pltpu.sync_copy(zeros, acc.at[pl.ds(s * ZROWS, ZROWS)])
    pltpu.sync_copy(src5.at[c, s, 0], srcg.at[0])
    pltpu.sync_copy(dst5.at[c, s, 0], dstg.at[0])
    plsc.subcore_barrier()

    for j in range(NBUF):
        pltpu.async_copy(table.at[srcg.at[0, j]], rows[j], gsem[j])

    def super_body(g, carry):
        p = lax.rem(g, 2)

        @pl.when(g + 1 < SG)
        def _():
            pltpu.async_copy(src5.at[c, s, g + 1], srcg.at[1 - p], semi_s)
            pltpu.async_copy(dst5.at[c, s, g + 1], dstg.at[1 - p], semi_d)

        for j in range(G):
            b = j % NBUF
            pltpu.make_async_copy(table.at[srcg.at[p, j]],
                                  rows[b], gsem[b]).wait()
            pltpu.sync_copy(rows[b], acc.at[dstg.at[p, j]], add=True)
            if j + NBUF < G:
                pltpu.async_copy(table.at[srcg.at[p, j + NBUF]],
                                 rows[b], gsem[b])
            else:
                nj = j + NBUF - G

                @pl.when(g + 1 < SG)
                def _(nj=nj, b=b):
                    if nj == 0:
                        pltpu.make_async_copy(src5.at[c, s, g + 1],
                                              srcg.at[1 - p], semi_s).wait()
                        pltpu.make_async_copy(dst5.at[c, s, g + 1],
                                              dstg.at[1 - p], semi_d).wait()
                    pltpu.async_copy(table.at[srcg.at[1 - p, nj]],
                                     rows[b], gsem[b])
        return carry

    lax.fori_loop(0, SG, super_body, 0)
    plsc.subcore_barrier()

    @pl.when(s < NTILE - 1)
    def _():
        pltpu.sync_copy(acc.at[pl.ds(s * WPT, WPT)],
                        out.at[pl.ds(c * N + s * WPT, WPT)])

    @pl.when(s == NTILE - 1)
    def _():
        last = (NTILE - 1) * WPT
        pltpu.sync_copy(acc.at[pl.ds(last, N - last)],
                        out.at[pl.ds(c * N + last, N - last)])


def _seg_sum2(table, srcall, dstall, zeros):
    mesh = plsc.VectorSubcoreMesh(core_axis_name="c", subcore_axis_name="s")
    f = pl.kernel(
        _seg_kernel,
        out_type=jax.ShapeDtypeStruct((2 * N, F), jnp.float32),
        mesh=mesh,
        scratch_types=[
            pltpu.VMEM((2, G, K2), jnp.int32),
            pltpu.VMEM((2, G, K2), jnp.int32),
            pltpu.VMEM((K2, F), jnp.float32),
            pltpu.VMEM((K2, F), jnp.float32),
            pltpu.VMEM((K2, F), jnp.float32),
            pltpu.VMEM((K2, F), jnp.float32),
            pltpu.VMEM_SHARED((ACC_ROWS, F), jnp.float32),
            pltpu.SemaphoreType.DMA,
            pltpu.SemaphoreType.DMA,
            pltpu.SemaphoreType.DMA,
            pltpu.SemaphoreType.DMA,
            pltpu.SemaphoreType.DMA,
            pltpu.SemaphoreType.DMA,
        ],
    )
    return f(table, srcall, dstall, zeros)


def _conv1_body(x_ref, agg_ref, w1, b1, w2, b2, out_ref):
    z = x_ref[...] + agg_ref[...]
    a = jnp.maximum(jnp.dot(z, w1[...], preferred_element_type=jnp.float32) + b1[...], 0.0)
    h = jnp.maximum(jnp.dot(a, w2[...], preferred_element_type=jnp.float32) + b2[...], 0.0)
    out_ref[...] = h


def _head_body(hs, hf, ags, agf, w3, b3, w4, b4, wa, ba, wa2t, wm, bm,
               wd, bd, gscale, beta, wpi, bpi, wvar, bvar, wmean, bmean,
               e1o, e2o, embo, pio, varo, meano):
    def tail(z):
        a = jnp.maximum(jnp.dot(z, w3[...], preferred_element_type=jnp.float32) + b3[...], 0.0)
        return jnp.dot(a, w4[...], preferred_element_type=jnp.float32) + b4[...]

    e1 = tail(hs[...] + ags[...])
    e2 = tail(hf[...] + agf[...])
    com = (e1 + e2) * 0.5

    def score(e):
        t = jnp.tanh(jnp.dot(e, wa[...], preferred_element_type=jnp.float32) + ba[...])
        return jnp.sum(t * wa2t[...], axis=1, keepdims=True)

    s1 = score(e1)
    s2 = score(com)
    s3 = score(e2)
    m = jnp.maximum(jnp.maximum(s1, s2), s3)
    x1 = jnp.exp(s1 - m)
    x2 = jnp.exp(s2 - m)
    x3 = jnp.exp(s3 - m)
    emb = (x1 * e1 + x2 * com + x3 * e2) / (x1 + x2 + x3)
    emb = jnp.dot(emb, wm[...], preferred_element_type=jnp.float32) + bm[...]
    e1o[...] = e1
    e2o[...] = e2
    embo[...] = emb
    hd = jnp.dot(emb, wd[...], preferred_element_type=jnp.float32) + bd[...]
    hd = jnp.maximum(hd * gscale[...] + beta[...], 0.0)
    pio[...] = jax.nn.sigmoid(jnp.dot(hd, wpi[...], preferred_element_type=jnp.float32) + bpi[...])
    varo[...] = jnp.clip(jax.nn.softplus(jnp.dot(hd, wvar[...], preferred_element_type=jnp.float32) + bvar[...]), 1e-4, 1e4)
    meano[...] = jnp.clip(jnp.exp(jnp.dot(hd, wmean[...], preferred_element_type=jnp.float32) + bmean[...]), 1e-5, 1e6)


def _pad_idx(a, fill):
    return jnp.concatenate([a, fill])


def kernel(x, sadj, fadj, W1, b1, W2, b2, W3, b3, W4, b4, Wa, ba, Wa2, Wm, bm,
           Wd, bd, gamma, beta, Wpi, bpi, Wvar, bvar, Wmean, bmean):
    f32 = jnp.float32
    NB = N // R_BLK

    idx4 = (2, NTILE, SG, G, K2)
    npad = E_PAD - E
    pad_src = (jnp.arange(npad, dtype=jnp.int32) * 13) % N
    pad_dst = N + (jnp.arange(npad, dtype=jnp.int32) % (ACC_ROWS - N))
    src1 = jnp.concatenate([_pad_idx(sadj[0], pad_src), _pad_idx(fadj[0], pad_src)]).reshape(idx4)
    src2 = jnp.concatenate([_pad_idx(sadj[0], pad_src), _pad_idx(fadj[0], pad_src) + N]).reshape(idx4)
    dsta = jnp.concatenate([_pad_idx(sadj[1], pad_dst), _pad_idx(fadj[1], pad_dst)]).reshape(idx4)
    zeros = jnp.zeros((ZROWS, F), f32)

    b1r = b1.reshape(1, F)
    b2r = b2.reshape(1, F)
    b3r = b3.reshape(1, F)
    b4r = b4.reshape(1, F)
    bar = ba.reshape(1, -1)
    wa2t = Wa2.reshape(1, -1)
    bmr = bm.reshape(1, F)
    bdr = bd.reshape(1, F)
    gscale = (gamma / jnp.sqrt(1.0 + 1e-5)).reshape(1, F)
    betar = beta.reshape(1, F)
    bpir = bpi.reshape(1, F)
    bvarr = bvar.reshape(1, F)
    bmeanr = bmean.reshape(1, F)

    agg1 = _seg_sum2(x, src1, dsta, zeros)

    wspec = pl.BlockSpec((F, F), lambda g, b: (0, 0))
    bspec = pl.BlockSpec((1, F), lambda g, b: (0, 0))
    h2 = pl.pallas_call(
        _conv1_body,
        grid=(2, NB),
        in_specs=[
            pl.BlockSpec((R_BLK, F), lambda g, b: (b, 0)),
            pl.BlockSpec((R_BLK, F), lambda g, b: (g * NB + b, 0)),
            wspec, bspec, wspec, bspec,
        ],
        out_specs=pl.BlockSpec((R_BLK, F), lambda g, b: (g * NB + b, 0)),
        out_shape=jax.ShapeDtypeStruct((2 * N, F), f32),
    )(x, agg1, W1, b1r, W2, b2r)

    agg2 = _seg_sum2(h2, src2, dsta, zeros)

    rs = pl.BlockSpec((R_BLK, F), lambda b: (b, 0))
    rf = pl.BlockSpec((R_BLK, F), lambda b: (NB + b, 0))
    w_ = lambda shape: pl.BlockSpec(shape, lambda b: (0, 0))
    outs = pl.pallas_call(
        _head_body,
        grid=(NB,),
        in_specs=[
            rs, rf, rs, rf,
            w_((F, F)), w_((1, F)), w_((F, F)), w_((1, F)),
            w_(Wa.shape), w_((1, Wa.shape[1])), w_(wa2t.shape),
            w_((F, F)), w_((1, F)),
            w_((F, F)), w_((1, F)), w_((1, F)), w_((1, F)),
            w_((F, F)), w_((1, F)),
            w_((F, F)), w_((1, F)),
            w_((F, F)), w_((1, F)),
        ],
        out_specs=[pl.BlockSpec((R_BLK, F), lambda b: (b, 0))] * 6,
        out_shape=[jax.ShapeDtypeStruct((N, F), f32)] * 6,
    )(h2, h2, agg2, agg2, W3, b3r, W4, b4r, Wa, bar, wa2t, Wm, bmr,
      Wd, bdr, gscale, betar, Wpi, bpir, Wvar, bvarr, Wmean, bmeanr)

    emb1, emb2, emb, pi, var, mean = outs
    return (emb1, emb2, emb, pi, var, mean)

# --- scband reference (transcript-rebuilt; emitter-appended) ---
"""Pipeline reference for scband-con-mgin-27384711480023 (READ-ONLY COPY).

The authoritative reference and input builder live on the scoring server;
editing this copy changes nothing except your own understanding.
"""

import jax, jax.numpy as jnp
import numpy as np

N = 10000
E = 320000
NFEAT = 128
NHID1 = 128
NHID2 = 128
ATT_H = 16

def setup_inputs(seed: int = 0):
    key = jax.random.key(seed)
    ks = jax.random.split(key, 32)
    def w(i, shape):
        return jax.random.normal(ks[i], shape, dtype=jnp.float32) * 0.05
    inp = {}
    inp["x"] = jax.random.normal(ks[0], (N, NFEAT), dtype=jnp.float32)
    inp["sadj"] = jax.random.randint(ks[1], (2, E), 0, N, dtype=jnp.int32)
    inp["fadj"] = jax.random.randint(ks[2], (2, E), 0, N, dtype=jnp.int32)
    inp["W1"] = w(3, (NFEAT, NHID1)); inp["b1"] = jnp.zeros((NHID1,), jnp.float32)
    inp["W2"] = w(4, (NHID1, NHID1)); inp["b2"] = jnp.zeros((NHID1,), jnp.float32)
    inp["W3"] = w(5, (NHID1, NHID2)); inp["b3"] = jnp.zeros((NHID2,), jnp.float32)
    inp["W4"] = w(6, (NHID2, NHID2)); inp["b4"] = jnp.zeros((NHID2,), jnp.float32)
    inp["Wa"] = w(7, (NHID2, ATT_H)); inp["ba"] = jnp.zeros((ATT_H,), jnp.float32)
    inp["Wa2"] = w(8, (ATT_H, 1))
    inp["Wm"] = w(9, (NHID2, NHID2)); inp["bm"] = jnp.zeros((NHID2,), jnp.float32)
    inp["Wd"] = w(10, (NHID2, NHID1)); inp["bd"] = jnp.zeros((NHID1,), jnp.float32)
    inp["gamma"] = jnp.ones((NHID1,), jnp.float32); inp["beta"] = jnp.zeros((NHID1,), jnp.float32)
    inp["Wpi"] = w(11, (NHID1, NFEAT)); inp["bpi"] = jnp.zeros((NFEAT,), jnp.float32)
    inp["Wvar"] = w(12, (NHID1, NFEAT)); inp["bvar"] = jnp.zeros((NFEAT,), jnp.float32)
    inp["Wmean"] = w(13, (NHID1, NFEAT)); inp["bmean"] = jnp.zeros((NFEAT,), jnp.float32)
    return inp

def _gin(x, ei, W1, b1, W2, b2, W3, b3, W4, b4):
    # GINConv (eps=0): nn(x + sum_{j in N(i)} x_j), aggregation via scatter-add
    def conv(h, Wa_, ba_, Wb_, bb_):
        agg = jax.ops.segment_sum(h[ei[0]], ei[1], num_segments=h.shape[0])
        z = h + agg
        z = jnp.maximum(z @ Wa_ + ba_, 0.0)
        return z @ Wb_ + bb_
    h = jnp.maximum(conv(x, W1, b1, W2, b2), 0.0)
    # dropout is identity in eval mode
    h = conv(h, W3, b3, W4, b4)
    return h

def reference(x, sadj, fadj, W1, b1, W2, b2, W3, b3, W4, b4, Wa, ba, Wa2, Wm, bm, Wd, bd, gamma, beta, Wpi, bpi, Wvar, bvar, Wmean, bmean):
    emb1 = _gin(x, sadj, W1, b1, W2, b2, W3, b3, W4, b4)
    emb2 = _gin(x, fadj, W1, b1, W2, b2, W3, b3, W4, b4)
    com = (emb1 + emb2) / 2.0
    z = jnp.stack([emb1, com, emb2], axis=1)  # [N, 3, NHID2]
    wscore = jnp.tanh(z @ Wa + ba) @ Wa2      # [N, 3, 1]
    betaw = jax.nn.softmax(wscore, axis=1)
    emb = (betaw * z).sum(axis=1)
    emb = emb @ Wm + bm
    # decoder: Linear -> BatchNorm1d (eval: running_mean=0, running_var=1) -> ReLU
    h = emb @ Wd + bd
    h = (h - 0.0) / jnp.sqrt(1.0 + 1e-5) * gamma + beta
    h = jnp.maximum(h, 0.0)
    pi = jax.nn.sigmoid(h @ Wpi + bpi)
    var = jnp.clip(jax.nn.softplus(h @ Wvar + bvar), 1e-4, 1e4)
    mean = jnp.clip(jnp.exp(h @ Wmean + bmean), 1e-5, 1e6)
    return (emb1, emb2, emb, pi, var, mean)

if __name__ == "__main__":
    import jax
    _d = setup_inputs()
    print(jax.jit(kernel)(*tuple(_d.values())))

</pallas_src>

<mosaic_0001>
#map = affine_map<(d0, d1) -> (0, 0)>
#map1 = affine_map<(d0, d1) -> (0, 0, 0, 0, 0)>
module attributes {stable_mosaic.version = 14 : i64} {
  func.func @_seg_kernel(%arg0: i32, %arg1: i32, %arg2: memref<10000x128xf32, #tpu.memory_space<hbm>>, %arg3: memref<2x16x20x16x64xi32, #tpu.memory_space<hbm>>, %arg4: memref<2x16x20x16x64xi32, #tpu.memory_space<hbm>>, %arg5: memref<640x128xf32, #tpu.memory_space<hbm>>, %arg6: memref<20000x128xf32, #tpu.memory_space<hbm>>, %arg7: memref<2x16x64xi32, #tpu.memory_space<vmem>>, %arg8: memref<2x16x64xi32, #tpu.memory_space<vmem>>, %arg9: memref<64x128xf32, #tpu.memory_space<vmem>>, %arg10: memref<64x128xf32, #tpu.memory_space<vmem>>, %arg11: memref<64x128xf32, #tpu.memory_space<vmem>>, %arg12: memref<64x128xf32, #tpu.memory_space<vmem>>, %arg13: memref<10240x128xf32, #tpu.memory_space<vmem_shared>>, %arg14: memref<!tpu.dma_semaphore, #tpu.memory_space<semaphore_mem>>, %arg15: memref<!tpu.dma_semaphore, #tpu.memory_space<semaphore_mem>>, %arg16: memref<!tpu.dma_semaphore, #tpu.memory_space<semaphore_mem>>, %arg17: memref<!tpu.dma_semaphore, #tpu.memory_space<semaphore_mem>>, %arg18: memref<!tpu.dma_semaphore, #tpu.memory_space<semaphore_mem>>, %arg19: memref<!tpu.dma_semaphore, #tpu.memory_space<semaphore_mem>>) attributes {dimension_semantics = [#tpu.dimension_semantics<core_parallel>, #tpu.dimension_semantics<subcore_parallel>], iteration_bounds = array<i64: 2, 16>, scalar_prefetch = 0 : i64, scratch_operands = 13 : i64, tpu.core_type = #tpu.core_type<sc_vector_subcore>, window_params = [{transform_indices = #map}, {transform_indices = #map1}, {transform_indices = #map1}, {transform_indices = #map}, {transform_indices = #map}]} {
    %mul3A = arith.constant 640 : i32
    %mul3A_0 = arith.muli %arg1, %mul3A : i32
    "tpu.region"() ({
      %run_scoped3A_47 = tpu.sem_alloc : memref<!tpu.dma_semaphore, #tpu.memory_space<semaphore_mem>>
      %dma_start3A_48 = arith.constant 0 : i32
      %dma_start3A_49 = tpu.memref_slice %arg13[%mul3A_0, %dma_start3A_48] : memref<10240x128xf32, #tpu.memory_space<vmem_shared>> -> memref<640x128xf32, #tpu.memory_space<vmem_shared>>
      tpu.enqueue_dma source(%arg5 : memref<640x128xf32, #tpu.memory_space<hbm>>) target(%dma_start3A_49 : memref<640x128xf32, #tpu.memory_space<vmem_shared>>) target_semaphore(%run_scoped3A_47 : memref<!tpu.dma_semaphore, #tpu.memory_space<semaphore_mem>>)
      %dma_wait3A = arith.constant 0 : i32
      %dma_wait3A_50 = tpu.memref_slice %arg13[%mul3A_0, %dma_wait3A] : memref<10240x128xf32, #tpu.memory_space<vmem_shared>> -> memref<640x128xf32, #tpu.memory_space<vmem_shared>>
      tpu.wait_dma2 semaphore(%run_scoped3A_47 : memref<!tpu.dma_semaphore, #tpu.memory_space<semaphore_mem>>) src(%arg5 : memref<640x128xf32, #tpu.memory_space<hbm>>) dst(%dma_wait3A_50 : memref<640x128xf32, #tpu.memory_space<vmem_shared>>)
      tpu.yield
    }) : () -> ()
    %run_scoped3A = arith.constant 0 : i32
    %run_scoped3A_1 = arith.constant 0 : i32
    "tpu.region"() ({
      %run_scoped3A_47 = tpu.sem_alloc : memref<!tpu.dma_semaphore, #tpu.memory_space<semaphore_mem>>
      %dma_start3A_48 = arith.constant 0 : i32
      %dma_start3A_49 = arith.constant 0 : i32
      %dma_start3A_50 = tpu.memref_slice %arg7[%run_scoped3A_1, %dma_start3A_48, %dma_start3A_49] : memref<2x16x64xi32, #tpu.memory_space<vmem>> -> memref<1x16x64xi32, #tpu.memory_space<vmem>>
      %dma_start3A_51 = tpu.memref_squeeze %dma_start3A_50 : memref<1x16x64xi32, #tpu.memory_space<vmem>> -> memref<16x64xi32, #tpu.memory_space<vmem>>
      %dma_start3A_52 = arith.constant 0 : i32
      %dma_start3A_53 = arith.constant 0 : i32
      %dma_start3A_54 = tpu.memref_slice %arg3[%arg0, %arg1, %run_scoped3A, %dma_start3A_52, %dma_start3A_53] : memref<2x16x20x16x64xi32, #tpu.memory_space<hbm>> -> memref<1x1x1x16x64xi32, #tpu.memory_space<hbm>>
      %dma_start3A_55 = tpu.memref_squeeze %dma_start3A_54 : memref<1x1x1x16x64xi32, #tpu.memory_space<hbm>> -> memref<16x64xi32, #tpu.memory_space<hbm>>
      %dma_start3A_56 = arith.constant 0 : i32
      %dma_start3A_57 = arith.constant 0 : i32
      %dma_start3A_58 = tpu.memref_slice %arg7[%run_scoped3A_1, %dma_start3A_56, %dma_start3A_57] : memref<2x16x64xi32, #tpu.memory_space<vmem>> -> memref<1x16x64xi32, #tpu.memory_space<vmem>>
      %dma_start3A_59 = tpu.memref_squeeze %dma_start3A_58 : memref<1x16x64xi32, #tpu.memory_space<vmem>> -> memref<16x64xi32, #tpu.memory_space<vmem>>
      %dma_start3A_60 = arith.constant 0 : i32
      %dma_start3A_61 = arith.constant 0 : i32
      %dma_start3A_62 = tpu.memref_slice %arg3[%arg0, %arg1, %run_scoped3A, %dma_start3A_60, %dma_start3A_61] : memref<2x16x20x16x64xi32, #tpu.memory_space<hbm>> -> memref<1x1x1x16x64xi32, #tpu.memory_space<hbm>>
      %dma_start3A_63 = tpu.memref_squeeze %dma_start3A_62 : memref<1x1x1x16x64xi32, #tpu.memory_space<hbm>> -> memref<16x64xi32, #tpu.memory_space<hbm>>
      tpu.enqueue_dma source(%dma_start3A_63 : memref<16x64xi32, #tpu.memory_space<hbm>>) target(%dma_start3A_59 : memref<16x64xi32, #tpu.memory_space<vmem>>) target_semaphore(%run_scoped3A_47 : memref<!tpu.dma_semaphore, #tpu.memory_space<semaphore_mem>>)
      %dma_wait3A = arith.constant 0 : i32
      %dma_wait3A_64 = arith.constant 0 : i32
      %dma_wait3A_65 = tpu.memref_slice %arg7[%run_scoped3A_1, %dma_wait3A, %dma_wait3A_64] : memref<2x16x64xi32, #tpu.memory_space<vmem>> -> memref<1x16x64xi32, #tpu.memory_space<vmem>>
      %dma_wait3A_66 = tpu.memref_squeeze %dma_wait3A_65 : memref<1x16x64xi32, #tpu.memory_space<vmem>> -> memref<16x64xi32, #tpu.memory_space<vmem>>
      %dma_wait3A_67 = arith.constant 0 : i32
      %dma_wait3A_68 = arith.constant 0 : i32
      %dma_wait3A_69 = tpu.memref_slice %arg3[%arg0, %arg1, %run_scoped3A, %dma_wait3A_67, %dma_wait3A_68] : memref<2x16x20x16x64xi32, #tpu.memory_space<hbm>> -> memref<1x1x1x16x64xi32, #tpu.memory_space<hbm>>
      %dma_wait3A_70 = tpu.memref_squeeze %dma_wait3A_69 : memref<1x1x1x16x64xi32, #tpu.memory_space<hbm>> -> memref<16x64xi32, #tpu.memory_space<hbm>>
      %dma_wait3A_71 = arith.constant 0 : i32
      %dma_wait3A_72 = arith.constant 0 : i32
      %dma_wait3A_73 = tpu.memref_slice %arg7[%run_scoped3A_1, %dma_wait3A_71, %dma_wait3A_72] : memref<2x16x64xi32, #tpu.memory_space<vmem>> -> memref<1x16x64xi32, #tpu.memory_space<vmem>>
      %dma_wait3A_74 = tpu.memref_squeeze %dma_wait3A_73 : memref<1x16x64xi32, #tpu.memory_space<vmem>> -> memref<16x64xi32, #tpu.memory_space<vmem>>
      %dma_wait3A_75 = arith.constant 0 : i32
      %dma_wait3A_76 = arith.constant 0 : i32
      %dma_wait3A_77 = tpu.memref_slice %arg3[%arg0, %arg1, %run_scoped3A, %dma_wait3A_75, %dma_wait3A_76] : memref<2x16x20x16x64xi32, #tpu.memory_space<hbm>> -> memref<1x1x1x16x64xi32, #tpu.memory_space<hbm>>
      %dma_wait3A_78 = tpu.memref_squeeze %dma_wait3A_77 : memref<1x1x1x16x64xi32, #tpu.memory_space<hbm>> -> memref<16x64xi32, #tpu.memory_space<hbm>>
      tpu.wait_dma2 semaphore(%run_scoped3A_47 : memref<!tpu.dma_semaphore, #tpu.memory_space<semaphore_mem>>) src(%dma_wait3A_78 : memref<16x64xi32, #tpu.memory_space<hbm>>) dst(%dma_wait3A_74 : memref<16x64xi32, #tpu.memory_space<vmem>>)
      tpu.yield
    }) : () -> ()
    %run_scoped3A_2 = arith.constant 0 : i32
    %run_scoped3A_3 = arith.constant 0 : i32
    "tpu.region"() ({
      %run_scoped3A_47 = tpu.sem_alloc : memref<!tpu.dma_semaphore, #tpu.memory_space<semaphore_mem>>
      %dma_start3A_48 = arith.constant 0 : i32
      %dma_start3A_49 = arith.constant 0 : i32
      %dma_start3A_50 = tpu.memref_slice %arg8[%run_scoped3A_3, %dma_start3A_48, %dma_start3A_49] : memref<2x16x64xi32, #tpu.memory_space<vmem>> -> memref<1x16x64xi32, #tpu.memory_space<vmem>>
      %dma_start3A_51 = tpu.memref_squeeze %dma_start3A_50 : memref<1x16x64xi32, #tpu.memory_space<vmem>> -> memref<16x64xi32, #tpu.memory_space<vmem>>
      %dma_start3A_52 = arith.constant 0 : i32
      %dma_start3A_53 = arith.constant 0 : i32
      %dma_start3A_54 = tpu.memref_slice %arg4[%arg0, %arg1, %run_scoped3A_2, %dma_start3A_52, %dma_start3A_53] : memref<2x16x20x16x64xi32, #tpu.memory_space<hbm>> -> memref<1x1x1x16x64xi32, #tpu.memory_space<hbm>>
      %dma_start3A_55 = tpu.memref_squeeze %dma_start3A_54 : memref<1x1x1x16x64xi32, #tpu.memory_space<hbm>> -> memref<16x64xi32, #tpu.memory_space<hbm>>
      %dma_start3A_56 = arith.constant 0 : i32
      %dma_start3A_57 = arith.constant 0 : i32
      %dma_start3A_58 = tpu.memref_slice %arg8[%run_scoped3A_3, %dma_start3A_56, %dma_start3A_57] : memref<2x16x64xi32, #tpu.memory_space<vmem>> -> memref<1x16x64xi32, #tpu.memory_space<vmem>>
      %dma_start3A_59 = tpu.memref_squeeze %dma_start3A_58 : memref<1x16x64xi32, #tpu.memory_space<vmem>> -> memref<16x64xi32, #tpu.memory_space<vmem>>
      %dma_start3A_60 = arith.constant 0 : i32
      %dma_start3A_61 = arith.constant 0 : i32
      %dma_start3A_62 = tpu.memref_slice %arg4[%arg0, %arg1, %run_scoped3A_2, %dma_start3A_60, %dma_start3A_61] : memref<2x16x20x16x64xi32, #tpu.memory_space<hbm>> -> memref<1x1x1x16x64xi32, #tpu.memory_space<hbm>>
      %dma_start3A_63 = tpu.memref_squeeze %dma_start3A_62 : memref<1x1x1x16x64xi32, #tpu.memory_space<hbm>> -> memref<16x64xi32, #tpu.memory_space<hbm>>
      tpu.enqueue_dma source(%dma_start3A_63 : memref<16x64xi32, #tpu.memory_space<hbm>>) target(%dma_start3A_59 : memref<16x64xi32, #tpu.memory_space<vmem>>) target_semaphore(%run_scoped3A_47 : memref<!tpu.dma_semaphore, #tpu.memory_space<semaphore_mem>>)
      %dma_wait3A = arith.constant 0 : i32
      %dma_wait3A_64 = arith.constant 0 : i32
      %dma_wait3A_65 = tpu.memref_slice %arg8[%run_scoped3A_3, %dma_wait3A, %dma_wait3A_64] : memref<2x16x64xi32, #tpu.memory_space<vmem>> -> memref<1x16x64xi32, #tpu.memory_space<vmem>>
      %dma_wait3A_66 = tpu.memref_squeeze %dma_wait3A_65 : memref<1x16x64xi32, #tpu.memory_space<vmem>> -> memref<16x64xi32, #tpu.memory_space<vmem>>
      %dma_wait3A_67 = arith.constant 0 : i32
      %dma_wait3A_68 = arith.constant 0 : i32
      %dma_wait3A_69 = tpu.memref_slice %arg4[%arg0, %arg1, %run_scoped3A_2, %dma_wait3A_67, %dma_wait3A_68] : memref<2x16x20x16x64xi32, #tpu.memory_space<hbm>> -> memref<1x1x1x16x64xi32, #tpu.memory_space<hbm>>
      %dma_wait3A_70 = tpu.memref_squeeze %dma_wait3A_69 : memref<1x1x1x16x64xi32, #tpu.memory_space<hbm>> -> memref<16x64xi32, #tpu.memory_space<hbm>>
      %dma_wait3A_71 = arith.constant 0 : i32
      %dma_wait3A_72 = arith.constant 0 : i32
      %dma_wait3A_73 = tpu.memref_slice %arg8[%run_scoped3A_3, %dma_wait3A_71, %dma_wait3A_72] : memref<2x16x64xi32, #tpu.memory_space<vmem>> -> memref<1x16x64xi32, #tpu.memory_space<vmem>>
      %dma_wait3A_74 = tpu.memref_squeeze %dma_wait3A_73 : memref<1x16x64xi32, #tpu.memory_space<vmem>> -> memref<16x64xi32, #tpu.memory_space<vmem>>
      %dma_wait3A_75 = arith.constant 0 : i32
      %dma_wait3A_76 = arith.constant 0 : i32
      %dma_wait3A_77 = tpu.memref_slice %arg4[%arg0, %arg1, %run_scoped3A_2, %dma_wait3A_75, %dma_wait3A_76] : memref<2x16x20x16x64xi32, #tpu.memory_space<hbm>> -> memref<1x1x1x16x64xi32, #tpu.memory_space<hbm>>
      %dma_wait3A_78 = tpu.memref_squeeze %dma_wait3A_77 : memref<1x1x1x16x64xi32, #tpu.memory_space<hbm>> -> memref<16x64xi32, #tpu.memory_space<hbm>>
      tpu.wait_dma2 semaphore(%run_scoped3A_47 : memref<!tpu.dma_semaphore, #tpu.memory_space<semaphore_mem>>) src(%dma_wait3A_78 : memref<16x64xi32, #tpu.memory_space<hbm>>) dst(%dma_wait3A_74 : memref<16x64xi32, #tpu.memory_space<vmem>>)
      tpu.yield
    }) : () -> ()
    %barrier3A = arith.constant 0 : index
    tpu.barrier barrier_id(%barrier3A)
    %dma_start3A = arith.constant 0 : i32
    %dma_start3A_4 = arith.constant 0 : i32
    %dma_start3A_5 = arith.constant 0 : i32
    %dma_start3A_6 = tpu.memref_slice %arg7[%dma_start3A, %dma_start3A_4, %dma_start3A_5] : memref<2x16x64xi32, #tpu.memory_space<vmem>> -> memref<1x1x64xi32, #tpu.memory_space<vmem>>
    %dma_start3A_7 = tpu.memref_squeeze %dma_start3A_6 : memref<1x1x64xi32, #tpu.memory_space<vmem>> -> memref<64xi32, #tpu.memory_space<vmem>>
    %dma_start3A_8 = arith.constant 0 : i32
    %dma_start3A_9 = arith.constant 0 : i32
    %dma_start3A_10 = tpu.memref_slice %arg2[%dma_start3A_8, %dma_start3A_9] : memref<10000x128xf32, #tpu.memory_space<hbm>> -> memref<10000x128xf32, #tpu.memory_space<hbm>>
    tpu.enqueue_indirect_dma source(%dma_start3A_10 : memref<10000x128xf32, #tpu.memory_space<hbm>>) target(%arg9 : memref<64x128xf32, #tpu.memory_space<vmem>>) offsets(%dma_start3A_7 : memref<64xi32, #tpu.memory_space<vmem>>) semaphore(%arg14 : memref<!tpu.dma_semaphore, #tpu.memory_space<semaphore_mem>>)
    %dma_start3A_11 = arith.constant 0 : i32
    %dma_start3A_12 = arith.constant 1 : i32
    %dma_start3A_13 = arith.constant 0 : i32
    %dma_start3A_14 = tpu.memref_slice %arg7[%dma_start3A_11, %dma_start3A_12, %dma_start3A_13] : memref<2x16x64xi32, #tpu.memory_space<vmem>> -> memref<1x1x64xi32, #tpu.memory_space<vmem>>
    %dma_start3A_15 = tpu.memref_squeeze %dma_start3A_14 : memref<1x1x64xi32, #tpu.memory_space<vmem>> -> memref<64xi32, #tpu.memory_space<vmem>>
    %dma_start3A_16 = arith.constant 0 : i32
    %dma_start3A_17 = arith.constant 0 : i32
    %dma_start3A_18 = tpu.memref_slice %arg2[%dma_start3A_16, %dma_start3A_17] : memref<10000x128xf32, #tpu.memory_space<hbm>> -> memref<10000x128xf32, #tpu.memory_space<hbm>>
    tpu.enqueue_indirect_dma source(%dma_start3A_18 : memref<10000x128xf32, #tpu.memory_space<hbm>>) target(%arg10 : memref<64x128xf32, #tpu.memory_space<vmem>>) offsets(%dma_start3A_15 : memref<64xi32, #tpu.memory_space<vmem>>) semaphore(%arg15 : memref<!tpu.dma_semaphore, #tpu.memory_space<semaphore_mem>>)
    %dma_start3A_19 = arith.constant 0 : i32
    %dma_start3A_20 = arith.constant 2 : i32
    %dma_start3A_21 = arith.constant 0 : i32
    %dma_start3A_22 = tpu.memref_slice %arg7[%dma_start3A_19, %dma_start3A_20, %dma_start3A_21] : memref<2x16x64xi32, #tpu.memory_space<vmem>> -> memref<1x1x64xi32, #tpu.memory_space<vmem>>
    %dma_start3A_23 = tpu.memref_squeeze %dma_start3A_22 : memref<1x1x64xi32, #tpu.memory_space<vmem>> -> memref<64xi32, #tpu.memory_space<vmem>>
    %dma_start3A_24 = arith.constant 0 : i32
    %dma_start3A_25 = arith.constant 0 : i32
    %dma_start3A_26 = tpu.memref_slice %arg2[%dma_start3A_24, %dma_start3A_25] : memref<10000x128xf32, #tpu.memory_space<hbm>> -> memref<10000x128xf32, #tpu.memory_space<hbm>>
    tpu.enqueue_indirect_dma source(%dma_start3A_26 : memref<10000x128xf32, #tpu.memory_space<hbm>>) target(%arg11 : memref<64x128xf32, #tpu.memory_space<vmem>>) offsets(%dma_start3A_23 : memref<64xi32, #tpu.memory_space<vmem>>) semaphore(%arg16 : memref<!tpu.dma_semaphore, #tpu.memory_space<semaphore_mem>>)
    %dma_start3A_27 = arith.constant 0 : i32
    %dma_start3A_28 = arith.constant 3 : i32
    %dma_start3A_29 = arith.constant 0 : i32
    %dma_start3A_30 = tpu.memref_slice %arg7[%dma_start3A_27, %dma_start3A_28, %dma_start3A_29] : memref<2x16x64xi32, #tpu.memory_space<vmem>> -> memref<1x1x64xi32, #tpu.memory_space<vmem>>
    %dma_start3A_31 = tpu.memref_squeeze %dma_start3A_30 : memref<1x1x64xi32, #tpu.memory_space<vmem>> -> memref<64xi32, #tpu.memory_space<vmem>>
    %dma_start3A_32 = arith.constant 0 : i32
    %dma_start3A_33 = arith.constant 0 : i32
    %dma_start3A_34 = tpu.memref_slice %arg2[%dma_start3A_32, %dma_start3A_33] : memref<10000x128xf32, #tpu.memory_space<hbm>> -> memref<10000x128xf32, #tpu.memory_space<hbm>>
    tpu.enqueue_indirect_dma source(%dma_start3A_34 : memref<10000x128xf32, #tpu.memory_space<hbm>>) target(%arg12 : memref<64x128xf32, #tpu.memory_space<vmem>>) offsets(%dma_start3A_31 : memref<64xi32, #tpu.memory_space<vmem>>) semaphore(%arg17 : memref<!tpu.dma_semaphore, #tpu.memory_space<semaphore_mem>>)
    %scan3A = arith.constant 0 : i32
    %scan3A_35 = arith.constant 0 : i32
    %scan3A_36 = arith.constant 20 : i32
    %scan3A_37 = arith.addi %scan3A_35, %scan3A_36 : i32
    %scan3A_38 = arith.constant 1 : i32
    scf.for %scan3A_47 = %scan3A_35 to %scan3A_37 step %scan3A_38  : i32 {
      %rem3A = arith.constant 2 : i32
      %rem3A_48 = arith.remsi %scan3A_47, %rem3A : i32
      %add3A = arith.constant 1 : i32
      %add3A_49 = arith.addi %scan3A_47, %add3A : i32
      %lt3A_50 = arith.constant 20 : i32
      %lt3A_51 = arith.cmpi slt, %add3A_49, %lt3A_50 : i32
      %convert_element_type3A_52 = arith.extui %lt3A_51 : i1 to i32
      %cond3A_53 = arith.constant 0 : i32
      %cond3A_54 = arith.cmpi ne, %convert_element_type3A_52, %cond3A_53 : i32
      scf.if %cond3A_54 {
        %add3A_294 = arith.constant 1 : i32
        %add3A_295 = arith.addi %scan3A_47, %add3A_294 : i32
        %sub3A = arith.constant 1 : i32
        %sub3A_296 = arith.subi %sub3A, %rem3A_48 : i32
        %dma_start3A_297 = arith.constant 0 : i32
        %dma_start3A_298 = arith.constant 0 : i32
        %dma_start3A_299 = tpu.memref_slice %arg7[%sub3A_296, %dma_start3A_297, %dma_start3A_298] : memref<2x16x64xi32, #tpu.memory_space<vmem>> -> memref<1x16x64xi32, #tpu.memory_space<vmem>>
        %dma_start3A_300 = tpu.memref_squeeze %dma_start3A_299 : memref<1x16x64xi32, #tpu.memory_space<vmem>> -> memref<16x64xi32, #tpu.memory_space<vmem>>
        %dma_start3A_301 = arith.constant 0 : i32
        %dma_start3A_302 = arith.constant 0 : i32
        %dma_start3A_303 = tpu.memref_slice %arg3[%arg0, %arg1, %add3A_295, %dma_start3A_301, %dma_start3A_302] : memref<2x16x20x16x64xi32, #tpu.memory_space<hbm>> -> memref<1x1x1x16x64xi32, #tpu.memory_space<hbm>>
        %dma_start3A_304 = tpu.memref_squeeze %dma_start3A_303 : memref<1x1x1x16x64xi32, #tpu.memory_space<hbm>> -> memref<16x64xi32, #tpu.memory_space<hbm>>
        %dma_start3A_305 = arith.constant 0 : i32
        %dma_start3A_306 = arith.constant 0 : i32
        %dma_start3A_307 = tpu.memref_slice %arg7[%sub3A_296, %dma_start3A_305, %dma_start3A_306] : memref<2x16x64xi32, #tpu.memory_space<vmem>> -> memref<1x16x64xi32, #tpu.memory_space<vmem>>
        %dma_start3A_308 = tpu.memref_squeeze %dma_start3A_307 : memref<1x16x64xi32, #tpu.memory_space<vmem>> -> memref<16x64xi32, #tpu.memory_space<vmem>>
        %dma_start3A_309 = arith.constant 0 : i32
        %dma_start3A_310 = arith.constant 0 : i32
        %dma_start3A_311 = tpu.memref_slice %arg3[%arg0, %arg1, %add3A_295, %dma_start3A_309, %dma_start3A_310] : memref<2x16x20x16x64xi32, #tpu.memory_space<hbm>> -> memref<1x1x1x16x64xi32, #tpu.memory_space<hbm>>
        %dma_start3A_312 = tpu.memref_squeeze %dma_start3A_311 : memref<1x1x1x16x64xi32, #tpu.memory_space<hbm>> -> memref<16x64xi32, #tpu.memory_space<hbm>>
        tpu.enqueue_dma source(%dma_start3A_312 : memref<16x64xi32, #tpu.memory_space<hbm>>) target(%dma_start3A_308 : memref<16x64xi32, #tpu.memory_space<vmem>>) target_semaphore(%arg18 : memref<!tpu.dma_semaphore, #tpu.memory_space<semaphore_mem>>)
        %add3A_313 = arith.constant 1 : i32
        %add3A_314 = arith.addi %scan3A_47, %add3A_313 : i32
        %sub3A_315 = arith.constant 1 : i32
        %sub3A_316 = arith.subi %sub3A_315, %rem3A_48 : i32
        %dma_start3A_317 = arith.constant 0 : i32
        %dma_start3A_318 = arith.constant 0 : i32
        %dma_start3A_319 = tpu.memref_slice %arg8[%sub3A_316, %dma_start3A_317, %dma_start3A_318] : memref<2x16x64xi32, #tpu.memory_space<vmem>> -> memref<1x16x64xi32, #tpu.memory_space<vmem>>
        %dma_start3A_320 = tpu.memref_squeeze %dma_start3A_319 : memref<1x16x64xi32, #tpu.memory_space<vmem>> -> memref<16x64xi32, #tpu.memory_space<vmem>>
        %dma_start3A_321 = arith.constant 0 : i32
        %dma_start3A_322 = arith.constant 0 : i32
        %dma_start3A_323 = tpu.memref_slice %arg4[%arg0, %arg1, %add3A_314, %dma_start3A_321, %dma_start3A_322] : memref<2x16x20x16x64xi32, #tpu.memory_space<hbm>> -> memref<1x1x1x16x64xi32, #tpu.memory_space<hbm>>
        %dma_start3A_324 = tpu.memref_squeeze %dma_start3A_323 : memref<1x1x1x16x64xi32, #tpu.memory_space<hbm>> -> memref<16x64xi32, #tpu.memory_space<hbm>>
        %dma_start3A_325 = arith.constant 0 : i32
        %dma_start3A_326 = arith.constant 0 : i32
        %dma_start3A_327 = tpu.memref_slice %arg8[%sub3A_316, %dma_start3A_325, %dma_start3A_326] : memref<2x16x64xi32, #tpu.memory_space<vmem>> -> memref<1x16x64xi32, #tpu.memory_space<vmem>>
        %dma_start3A_328 = tpu.memref_squeeze %dma_start3A_327 : memref<1x16x64xi32, #tpu.memory_space<vmem>> -> memref<16x64xi32, #tpu.memory_space<vmem>>
        %dma_start3A_329 = arith.constant 0 : i32
        %dma_start3A_330 = arith.constant 0 : i32
        %dma_start3A_331 = tpu.memref_slice %arg4[%arg0, %arg1, %add3A_314, %dma_start3A_329, %dma_start3A_330] : memref<2x16x20x16x64xi32, #tpu.memory_space<hbm>> -> memref<1x1x1x16x64xi32, #tpu.memory_space<hbm>>
        %dma_start3A_332 = tpu.memref_squeeze %dma_start3A_331 : memref<1x1x1x16x64xi32, #tpu.memory_space<hbm>> -> memref<16x64xi32, #tpu.memory_space<hbm>>
        tpu.enqueue_dma source(%dma_start3A_332 : memref<16x64xi32, #tpu.memory_space<hbm>>) target(%dma_start3A_328 : memref<16x64xi32, #tpu.memory_space<vmem>>) target_semaphore(%arg19 : memref<!tpu.dma_semaphore, #tpu.memory_space<semaphore_mem>>)
      } else {
      }
      %dma_wait3A = arith.constant 0 : i32
      %dma_wait3A_55 = arith.constant 0 : i32
      %dma_wait3A_56 = tpu.memref_slice %arg7[%rem3A_48, %dma_wait3A, %dma_wait3A_55] : memref<2x16x64xi32, #tpu.memory_space<vmem>> -> memref<1x1x64xi32, #tpu.memory_space<vmem>>
      %dma_wait3A_57 = tpu.memref_squeeze %dma_wait3A_56 : memref<1x1x64xi32, #tpu.memory_space<vmem>> -> memref<64xi32, #tpu.memory_space<vmem>>
      %dma_wait3A_58 = arith.constant 0 : i32
      %dma_wait3A_59 = arith.constant 0 : i32
      %dma_wait3A_60 = tpu.memref_slice %arg2[%dma_wait3A_58, %dma_wait3A_59] : memref<10000x128xf32, #tpu.memory_space<hbm>> -> memref<10000x128xf32, #tpu.memory_space<hbm>>
      tpu.wait_indirect_dma semaphore(%arg14 : memref<!tpu.dma_semaphore, #tpu.memory_space<semaphore_mem>>) src(%dma_wait3A_60 : memref<10000x128xf32, #tpu.memory_space<hbm>>) dst(%arg9 : memref<64x128xf32, #tpu.memory_space<vmem>>)
      %run_scoped3A_61 = arith.constant 0 : i32
      "tpu.region"() ({
        %run_scoped3A_294 = tpu.sem_alloc : memref<!tpu.dma_semaphore, #tpu.memory_space<semaphore_mem>>
        %dma_start3A_295 = arith.constant 0 : i32
        %dma_start3A_296 = tpu.memref_slice %arg8[%rem3A_48, %run_scoped3A_61, %dma_start3A_295] : memref<2x16x64xi32, #tpu.memory_space<vmem>> -> memref<1x1x64xi32, #tpu.memory_space<vmem>>
        %dma_start3A_297 = tpu.memref_squeeze %dma_start3A_296 : memref<1x1x64xi32, #tpu.memory_space<vmem>> -> memref<64xi32, #tpu.memory_space<vmem>>
        %dma_start3A_298 = arith.constant 0 : i32
        %dma_start3A_299 = arith.constant 0 : i32
        %dma_start3A_300 = tpu.memref_slice %arg13[%dma_start3A_298, %dma_start3A_299] : memref<10240x128xf32, #tpu.memory_space<vmem_shared>> -> memref<10240x128xf32, #tpu.memory_space<vmem_shared>>
        tpu.enqueue_indirect_dma source(%arg9 : memref<64x128xf32, #tpu.memory_space<vmem>>) target(%dma_start3A_300 : memref<10240x128xf32, #tpu.memory_space<vmem_shared>>) offsets(%dma_start3A_297 : memref<64xi32, #tpu.memory_space<vmem>>) semaphore(%run_scoped3A_294 : memref<!tpu.dma_semaphore, #tpu.memory_space<semaphore_mem>>) {add = true}
        %dma_wait3A_301 = arith.constant 0 : i32
        %dma_wait3A_302 = tpu.memref_slice %arg8[%rem3A_48, %run_scoped3A_61, %dma_wait3A_301] : memref<2x16x64xi32, #tpu.memory_space<vmem>> -> memref<1x1x64xi32, #tpu.memory_space<vmem>>
        %dma_wait3A_303 = tpu.memref_squeeze %dma_wait3A_302 : memref<1x1x64xi32, #tpu.memory_space<vmem>> -> memref<64xi32, #tpu.memory_space<vmem>>
        %dma_wait3A_304 = arith.constant 0 : i32
        %dma_wait3A_305 = arith.constant 0 : i32
        %dma_wait3A_306 = tpu.memref_slice %arg13[%dma_wait3A_304, %dma_wait3A_305] : memref<10240x128xf32, #tpu.memory_space<vmem_shared>> -> memref<10240x128xf32, #tpu.memory_space<vmem_shared>>
        tpu.wait_indirect_dma semaphore(%run_scoped3A_294 : memref<!tpu.dma_semaphore, #tpu.memory_space<semaphore_mem>>) src(%arg9 : memref<64x128xf32, #tpu.memory_space<vmem>>) dst(%dma_wait3A_306 : memref<10240x128xf32, #tpu.memory_space<vmem_shared>>)
        tpu.yield
      }) : () -> ()
      %dma_start3A_62 = arith.constant 4 : i32
      %dma_start3A_63 = arith.constant 0 : i32
      %dma_start3A_64 = tpu.memref_slice %arg7[%rem3A_48, %dma_start3A_62, %dma_start3A_63] : memref<2x16x64xi32, #tpu.memory_space<vmem>> -> memref<1x1x64xi32, #tpu.memory_space<vmem>>
      %dma_start3A_65 = tpu.memref_squeeze %dma_start3A_64 : memref<1x1x64xi32, #tpu.memory_space<vmem>> -> memref<64xi32, #tpu.memory_space<vmem>>
      %dma_start3A_66 = arith.constant 0 : i32
      %dma_start3A_67 = arith.constant 0 : i32
      %dma_start3A_68 = tpu.memref_slice %arg2[%dma_start3A_66, %dma_start3A_67] : memref<10000x128xf32, #tpu.memory_space<hbm>> -> memref<10000x128xf32, #tpu.memory_space<hbm>>
      tpu.enqueue_indirect_dma source(%dma_start3A_68 : memref<10000x128xf32, #tpu.memory_space<hbm>>) target(%arg9 : memref<64x128xf32, #tpu.memory_space<vmem>>) offsets(%dma_start3A_65 : memref<64xi32, #tpu.memory_space<vmem>>) semaphore(%arg14 : memref<!tpu.dma_semaphore, #tpu.memory_space<semaphore_mem>>)
      %dma_wait3A_69 = arith.constant 1 : i32
      %dma_wait3A_70 = arith.constant 0 : i32
      %dma_wait3A_71 = tpu.memref_slice %arg7[%rem3A_48, %dma_wait3A_69, %dma_wait3A_70] : memref<2x16x64xi32, #tpu.memory_space<vmem>> -> memref<1x1x64xi32, #tpu.memory_space<vmem>>
      %dma_wait3A_72 = tpu.memref_squeeze %dma_wait3A_71 : memref<1x1x64xi32, #tpu.memory_space<vmem>> -> memref<64xi32, #tpu.memory_space<vmem>>
      %dma_wait3A_73 = arith.constant 0 : i32
      %dma_wait3A_74 = arith.constant 0 : i32
      %dma_wait3A_75 = tpu.memref_slice %arg2[%dma_wait3A_73, %dma_wait3A_74] : memref<10000x128xf32, #tpu.memory_space<hbm>> -> memref<10000x128xf32, #tpu.memory_space<hbm>>
      tpu.wait_indirect_dma semaphore(%arg15 : memref<!tpu.dma_semaphore, #tpu.memory_space<semaphore_mem>>) src(%dma_wait3A_75 : memref<10000x128xf32, #tpu.memory_space<hbm>>) dst(%arg10 : memref<64x128xf32, #tpu.memory_space<vmem>>)
      %run_scoped3A_76 = arith.constant 1 : i32
      "tpu.region"() ({
        %run_scoped3A_294 = tpu.sem_alloc : memref<!tpu.dma_semaphore, #tpu.memory_space<semaphore_mem>>
        %dma_start3A_295 = arith.constant 0 : i32
        %dma_start3A_296 = tpu.memref_slice %arg8[%rem3A_48, %run_scoped3A_76, %dma_start3A_295] : memref<2x16x64xi32, #tpu.memory_space<vmem>> -> memref<1x1x64xi32, #tpu.memory_space<vmem>>
        %dma_start3A_297 = tpu.memref_squeeze %dma_start3A_296 : memref<1x1x64xi32, #tpu.memory_space<vmem>> -> memref<64xi32, #tpu.memory_space<vmem>>
        %dma_start3A_298 = arith.constant 0 : i32
        %dma_start3A_299 = arith.constant 0 : i32
        %dma_start3A_300 = tpu.memref_slice %arg13[%dma_start3A_298, %dma_start3A_299] : memref<10240x128xf32, #tpu.memory_space<vmem_shared>> -> memref<10240x128xf32, #tpu.memory_space<vmem_shared>>
        tpu.enqueue_indirect_dma source(%arg10 : memref<64x128xf32, #tpu.memory_space<vmem>>) target(%dma_start3A_300 : memref<10240x128xf32, #tpu.memory_space<vmem_shared>>) offsets(%dma_start3A_297 : memref<64xi32, #tpu.memory_space<vmem>>) semaphore(%run_scoped3A_294 : memref<!tpu.dma_semaphore, #tpu.memory_space<semaphore_mem>>) {add = true}
        %dma_wait3A_301 = arith.constant 0 : i32
        %dma_wait3A_302 = tpu.memref_slice %arg8[%rem3A_48, %run_scoped3A_76, %dma_wait3A_301] : memref<2x16x64xi32, #tpu.memory_space<vmem>> -> memref<1x1x64xi32, #tpu.memory_space<vmem>>
        %dma_wait3A_303 = tpu.memref_squeeze %dma_wait3A_302 : memref<1x1x64xi32, #tpu.memory_space<vmem>> -> memref<64xi32, #tpu.memory_space<vmem>>
        %dma_wait3A_304 = arith.constant 0 : i32
        %dma_wait3A_305 = arith.constant 0 : i32
        %dma_wait3A_306 = tpu.memref_slice %arg13[%dma_wait3A_304, %dma_wait3A_305] : memref<10240x128xf32, #tpu.memory_space<vmem_shared>> -> memref<10240x128xf32, #tpu.memory_space<vmem_shared>>
        tpu.wait_indirect_dma semaphore(%run_scoped3A_294 : memref<!tpu.dma_semaphore, #tpu.memory_space<semaphore_mem>>) src(%arg10 : memref<64x128xf32, #tpu.memory_space<vmem>>) dst(%dma_wait3A_306 : memref<10240x128xf32, #tpu.memory_space<vmem_shared>>)
        tpu.yield
      }) : () -> ()
      %dma_start3A_77 = arith.constant 5 : i32
      %dma_start3A_78 = arith.constant 0 : i32
      %dma_start3A_79 = tpu.memref_slice %arg7[%rem3A_48, %dma_start3A_77, %dma_start3A_78] : memref<2x16x64xi32, #tpu.memory_space<vmem>> -> memref<1x1x64xi32, #tpu.memory_space<vmem>>
      %dma_start3A_80 = tpu.memref_squeeze %dma_start3A_79 : memref<1x1x64xi32, #tpu.memory_space<vmem>> -> memref<64xi32, #tpu.memory_space<vmem>>
      %dma_start3A_81 = arith.constant 0 : i32
      %dma_start3A_82 = arith.constant 0 : i32
      %dma_start3A_83 = tpu.memref_slice %arg2[%dma_start3A_81, %dma_start3A_82] : memref<10000x128xf32, #tpu.memory_space<hbm>> -> memref<10000x128xf32, #tpu.memory_space<hbm>>
      tpu.enqueue_indirect_dma source(%dma_start3A_83 : memref<10000x128xf32, #tpu.memory_space<hbm>>) target(%arg10 : memref<64x128xf32, #tpu.memory_space<vmem>>) offsets(%dma_start3A_80 : memref<64xi32, #tpu.memory_space<vmem>>) semaphore(%arg15 : memref<!tpu.dma_semaphore, #tpu.memory_space<semaphore_mem>>)
      %dma_wait3A_84 = arith.constant 2 : i32
      %dma_wait3A_85 = arith.constant 0 : i32
      %dma_wait3A_86 = tpu.memref_slice %arg7[%rem3A_48, %dma_wait3A_84, %dma_wait3A_85] : memref<2x16x64xi32, #tpu.memory_space<vmem>> -> memref<1x1x64xi32, #tpu.memory_space<vmem>>
      %dma_wait3A_87 = tpu.memref_squeeze %dma_wait3A_86 : memref<1x1x64xi32, #tpu.memory_space<vmem>> -> memref<64xi32, #tpu.memory_space<vmem>>
      %dma_wait3A_88 = arith.constant 0 : i32
      %dma_wait3A_89 = arith.constant 0 : i32
      %dma_wait3A_90 = tpu.memref_slice %arg2[%dma_wait3A_88, %dma_wait3A_89] : memref<10000x128xf32, #tpu.memory_space<hbm>> -> memref<10000x128xf32, #tpu.memory_space<hbm>>
      tpu.wait_indirect_dma semaphore(%arg16 : memref<!tpu.dma_semaphore, #tpu.memory_space<semaphore_mem>>) src(%dma_wait3A_90 : memref<10000x128xf32, #tpu.memory_space<hbm>>) dst(%arg11 : memref<64x128xf32, #tpu.memory_space<vmem>>)
      %run_scoped3A_91 = arith.constant 2 : i32
      "tpu.region"() ({
        %run_scoped3A_294 = tpu.sem_alloc : memref<!tpu.dma_semaphore, #tpu.memory_space<semaphore_mem>>
        %dma_start3A_295 = arith.constant 0 : i32
        %dma_start3A_296 = tpu.memref_slice %arg8[%rem3A_48, %run_scoped3A_91, %dma_start3A_295] : memref<2x16x64xi32, #tpu.memory_space<vmem>> -> memref<1x1x64xi32, #tpu.memory_space<vmem>>
        %dma_start3A_297 = tpu.memref_squeeze %dma_start3A_296 : memref<1x1x64xi32, #tpu.memory_space<vmem>> -> memref<64xi32, #tpu.memory_space<vmem>>
        %dma_start3A_298 = arith.constant 0 : i32
        %dma_start3A_299 = arith.constant 0 : i32
        %dma_start3A_300 = tpu.memref_slice %arg13[%dma_start3A_298, %dma_start3A_299] : memref<10240x128xf32, #tpu.memory_space<vmem_shared>> -> memref<10240x128xf32, #tpu.memory_space<vmem_shared>>
        tpu.enqueue_indirect_dma source(%arg11 : memref<64x128xf32, #tpu.memory_space<vmem>>) target(%dma_start3A_300 : memref<10240x128xf32, #tpu.memory_space<vmem_shared>>) offsets(%dma_start3A_297 : memref<64xi32, #tpu.memory_space<vmem>>) semaphore(%run_scoped3A_294 : memref<!tpu.dma_semaphore, #tpu.memory_space<semaphore_mem>>) {add = true}
        %dma_wait3A_301 = arith.constant 0 : i32
        %dma_wait3A_302 = tpu.memref_slice %arg8[%rem3A_48, %run_scoped3A_91, %dma_wait3A_301] : memref<2x16x64xi32, #tpu.memory_space<vmem>> -> memref<1x1x64xi32, #tpu.memory_space<vmem>>
        %dma_wait3A_303 = tpu.memref_squeeze %dma_wait3A_302 : memref<1x1x64xi32, #tpu.memory_space<vmem>> -> memref<64xi32, #tpu.memory_space<vmem>>
        %dma_wait3A_304 = arith.constant 0 : i32
        %dma_wait3A_305 = arith.constant 0 : i32
        %dma_wait3A_306 = tpu.memref_slice %arg13[%dma_wait3A_304, %dma_wait3A_305] : memref<10240x128xf32, #tpu.memory_space<vmem_shared>> -> memref<10240x128xf32, #tpu.memory_space<vmem_shared>>
        tpu.wait_indirect_dma semaphore(%run_scoped3A_294 : memref<!tpu.dma_semaphore, #tpu.memory_space<semaphore_mem>>) src(%arg11 : memref<64x128xf32, #tpu.memory_space<vmem>>) dst(%dma_wait3A_306 : memref<10240x128xf32, #tpu.memory_space<vmem_shared>>)
        tpu.yield
      }) : () -> ()
      %dma_start3A_92 = arith.constant 6 : i32
      %dma_start3A_93 = arith.constant 0 : i32
      %dma_start3A_94 = tpu.memref_slice %arg7[%rem3A_48, %dma_start3A_92, %dma_start3A_93] : memref<2x16x64xi32, #tpu.memory_space<vmem>> -> memref<1x1x64xi32, #tpu.memory_space<vmem>>
      %dma_start3A_95 = tpu.memref_squeeze %dma_start3A_94 : memref<1x1x64xi32, #tpu.memory_space<vmem>> -> memref<64xi32, #tpu.memory_space<vmem>>
      %dma_start3A_96 = arith.constant 0 : i32
      %dma_start3A_97 = arith.constant 0 : i32
      %dma_start3A_98 = tpu.memref_slice %arg2[%dma_start3A_96, %dma_start3A_97] : memref<10000x128xf32, #tpu.memory_space<hbm>> -> memref<10000x128xf32, #tpu.memory_space<hbm>>
      tpu.enqueue_indirect_dma source(%dma_start3A_98 : memref<10000x128xf32, #tpu.memory_space<hbm>>) target(%arg11 : memref<64x128xf32, #tpu.memory_space<vmem>>) offsets(%dma_start3A_95 : memref<64xi32, #tpu.memory_space<vmem>>) semaphore(%arg16 : memref<!tpu.dma_semaphore, #tpu.memory_space<semaphore_mem>>)
      %dma_wait3A_99 = arith.constant 3 : i32
      %dma_wait3A_100 = arith.constant 0 : i32
      %dma_wait3A_101 = tpu.memref_slice %arg7[%rem3A_48, %dma_wait3A_99, %dma_wait3A_100] : memref<2x16x64xi32, #tpu.memory_space<vmem>> -> memref<1x1x64xi32, #tpu.memory_space<vmem>>
      %dma_wait3A_102 = tpu.memref_squeeze %dma_wait3A_101 : memref<1x1x64xi32, #tpu.memory_space<vmem>> -> memref<64xi32, #tpu.memory_space<vmem>>
      %dma_wait3A_103 = arith.constant 0 : i32
      %dma_wait3A_104 = arith.constant 0 : i32
      %dma_wait3A_105 = tpu.memref_slice %arg2[%dma_wait3A_103, %dma_wait3A_104] : memref<10000x128xf32, #tpu.memory_space<hbm>> -> memref<10000x128xf32, #tpu.memory_space<hbm>>
      tpu.wait_indirect_dma semaphore(%arg17 : memref<!tpu.dma_semaphore, #tpu.memory_space<semaphore_mem>>) src(%dma_wait3A_105 : memref<10000x128xf32, #tpu.memory_space<hbm>>) dst(%arg12 : memref<64x128xf32, #tpu.memory_space<vmem>>)
      %run_scoped3A_106 = arith.constant 3 : i32
      "tpu.region"() ({
        %run_scoped3A_294 = tpu.sem_alloc : memref<!tpu.dma_semaphore, #tpu.memory_space<semaphore_mem>>
        %dma_start3A_295 = arith.constant 0 : i32
        %dma_start3A_296 = tpu.memref_slice %arg8[%rem3A_48, %run_scoped3A_106, %dma_start3A_295] : memref<2x16x64xi32, #tpu.memory_space<vmem>> -> memref<1x1x64xi32, #tpu.memory_space<vmem>>
        %dma_start3A_297 = tpu.memref_squeeze %dma_start3A_296 : memref<1x1x64xi32, #tpu.memory_space<vmem>> -> memref<64xi32, #tpu.memory_space<vmem>>
        %dma_start3A_298 = arith.constant 0 : i32
        %dma_start3A_299 = arith.constant 0 : i32
        %dma_start3A_300 = tpu.memref_slice %arg13[%dma_start3A_298, %dma_start3A_299] : memref<10240x128xf32, #tpu.memory_space<vmem_shared>> -> memref<10240x128xf32, #tpu.memory_space<vmem_shared>>
        tpu.enqueue_indirect_dma source(%arg12 : memref<64x128xf32, #tpu.memory_space<vmem>>) target(%dma_start3A_300 : memref<10240x128xf32, #tpu.memory_space<vmem_shared>>) offsets(%dma_start3A_297 : memref<64xi32, #tpu.memory_space<vmem>>) semaphore(%run_scoped3A_294 : memref<!tpu.dma_semaphore, #tpu.memory_space<semaphore_mem>>) {add = true}
        %dma_wait3A_301 = arith.constant 0 : i32
        %dma_wait3A_302 = tpu.memref_slice %arg8[%rem3A_48, %run_scoped3A_106, %dma_wait3A_301] : memref<2x16x64xi32, #tpu.memory_space<vmem>> -> memref<1x1x64xi32, #tpu.memory_space<vmem>>
        %dma_wait3A_303 = tpu.memref_squeeze %dma_wait3A_302 : memref<1x1x64xi32, #tpu.memory_space<vmem>> -> memref<64xi32, #tpu.memory_space<vmem>>
        %dma_wait3A_304 = arith.constant 0 : i32
        %dma_wait3A_305 = arith.constant 0 : i32
        %dma_wait3A_306 = tpu.memref_slice %arg13[%dma_wait3A_304, %dma_wait3A_305] : memref<10240x128xf32, #tpu.memory_space<vmem_shared>> -> memref<10240x128xf32, #tpu.memory_space<vmem_shared>>
        tpu.wait_indirect_dma semaphore(%run_scoped3A_294 : memref<!tpu.dma_semaphore, #tpu.memory_space<semaphore_mem>>) src(%arg12 : memref<64x128xf32, #tpu.memory_space<vmem>>) dst(%dma_wait3A_306 : memref<10240x128xf32, #tpu.memory_space<vmem_shared>>)
        tpu.yield
      }) : () -> ()
      %dma_start3A_107 = arith.constant 7 : i32
      %dma_start3A_108 = arith.constant 0 : i32
      %dma_start3A_109 = tpu.memref_slice %arg7[%rem3A_48, %dma_start3A_107, %dma_start3A_108] : memref<2x16x64xi32, #tpu.memory_space<vmem>> -> memref<1x1x64xi32, #tpu.memory_space<vmem>>
      %dma_start3A_110 = tpu.memref_squeeze %dma_start3A_109 : memref<1x1x64xi32, #tpu.memory_space<vmem>> -> memref<64xi32, #tpu.memory_space<vmem>>
      %dma_start3A_111 = arith.constant 0 : i32
      %dma_start3A_112 = arith.constant 0 : i32
      %dma_start3A_113 = tpu.memref_slice %arg2[%dma_start3A_111, %dma_start3A_112] : memref<10000x128xf32, #tpu.memory_space<hbm>> -> memref<10000x128xf32, #tpu.memory_space<hbm>>
      tpu.enqueue_indirect_dma source(%dma_start3A_113 : memref<10000x128xf32, #tpu.memory_space<hbm>>) target(%arg12 : memref<64x128xf32, #tpu.memory_space<vmem>>) offsets(%dma_start3A_110 : memref<64xi32, #tpu.memory_space<vmem>>) semaphore(%arg17 : memref<!tpu.dma_semaphore, #tpu.memory_space<semaphore_mem>>)
      %dma_wait3A_114 = arith.constant 4 : i32
      %dma_wait3A_115 = arith.constant 0 : i32
      %dma_wait3A_116 = tpu.memref_slice %arg7[%rem3A_48, %dma_wait3A_114, %dma_wait3A_115] : memref<2x16x64xi32, #tpu.memory_space<vmem>> -> memref<1x1x64xi32, #tpu.memory_space<vmem>>
      %dma_wait3A_117 = tpu.memref_squeeze %dma_wait3A_116 : memref<1x1x64xi32, #tpu.memory_space<vmem>> -> memref<64xi32, #tpu.memory_space<vmem>>
      %dma_wait3A_118 = arith.constant 0 : i32
      %dma_wait3A_119 = arith.constant 0 : i32
      %dma_wait3A_120 = tpu.memref_slice %arg2[%dma_wait3A_118, %dma_wait3A_119] : memref<10000x128xf32, #tpu.memory_space<hbm>> -> memref<10000x128xf32, #tpu.memory_space<hbm>>
      tpu.wait_indirect_dma semaphore(%arg14 : memref<!tpu.dma_semaphore, #tpu.memory_space<semaphore_mem>>) src(%dma_wait3A_120 : memref<10000x128xf32, #tpu.memory_space<hbm>>) dst(%arg9 : memref<64x128xf32, #tpu.memory_space<vmem>>)
      %run_scoped3A_121 = arith.constant 4 : i32
      "tpu.region"() ({
        %run_scoped3A_294 = tpu.sem_alloc : memref<!tpu.dma_semaphore, #tpu.memory_space<semaphore_mem>>
        %dma_start3A_295 = arith.constant 0 : i32
        %dma_start3A_296 = tpu.memref_slice %arg8[%rem3A_48, %run_scoped3A_121, %dma_start3A_295] : memref<2x16x64xi32, #tpu.memory_space<vmem>> -> memref<1x1x64xi32, #tpu.memory_space<vmem>>
        %dma_start3A_297 = tpu.memref_squeeze %dma_start3A_296 : memref<1x1x64xi32, #tpu.memory_space<vmem>> -> memref<64xi32, #tpu.memory_space<vmem>>
        %dma_start3A_298 = arith.constant 0 : i32
        %dma_start3A_299 = arith.constant 0 : i32
        %dma_start3A_300 = tpu.memref_slice %arg13[%dma_start3A_298, %dma_start3A_299] : memref<10240x128xf32, #tpu.memory_space<vmem_shared>> -> memref<10240x128xf32, #tpu.memory_space<vmem_shared>>
        tpu.enqueue_indirect_dma source(%arg9 : memref<64x128xf32, #tpu.memory_space<vmem>>) target(%dma_start3A_300 : memref<10240x128xf32, #tpu.memory_space<vmem_shared>>) offsets(%dma_start3A_297 : memref<64xi32, #tpu.memory_space<vmem>>) semaphore(%run_scoped3A_294 : memref<!tpu.dma_semaphore, #tpu.memory_space<semaphore_mem>>) {add = true}
        %dma_wait3A_301 = arith.constant 0 : i32
        %dma_wait3A_302 = tpu.memref_slice %arg8[%rem3A_48, %run_scoped3A_121, %dma_wait3A_301] : memref<2x16x64xi32, #tpu.memory_space<vmem>> -> memref<1x1x64xi32, #tpu.memory_space<vmem>>
        %dma_wait3A_303 = tpu.memref_squeeze %dma_wait3A_302 : memref<1x1x64xi32, #tpu.memory_space<vmem>> -> memref<64xi32, #tpu.memory_space<vmem>>
        %dma_wait3A_304 = arith.constant 0 : i32
        %dma_wait3A_305 = arith.constant 0 : i32
        %dma_wait3A_306 = tpu.memref_slice %arg13[%dma_wait3A_304, %dma_wait3A_305] : memref<10240x128xf32, #tpu.memory_space<vmem_shared>> -> memref<10240x128xf32, #tpu.memory_space<vmem_shared>>
        tpu.wait_indirect_dma semaphore(%run_scoped3A_294 : memref<!tpu.dma_semaphore, #tpu.memory_space<semaphore_mem>>) src(%arg9 : memref<64x128xf32, #tpu.memory_space<vmem>>) dst(%dma_wait3A_306 : memref<10240x128xf32, #tpu.memory_space<vmem_shared>>)
        tpu.yield
      }) : () -> ()
      %dma_start3A_122 = arith.constant 8 : i32
      %dma_start3A_123 = arith.constant 0 : i32
      %dma_start3A_124 = tpu.memref_slice %arg7[%rem3A_48, %dma_start3A_122, %dma_start3A_123] : memref<2x16x64xi32, #tpu.memory_space<vmem>> -> memref<1x1x64xi32, #tpu.memory_space<vmem>>
      %dma_start3A_125 = tpu.memref_squeeze %dma_start3A_124 : memref<1x1x64xi32, #tpu.memory_space<vmem>> -> memref<64xi32, #tpu.memory_space<vmem>>
      %dma_start3A_126 = arith.constant 0 : i32
      %dma_start3A_127 = arith.constant 0 : i32
      %dma_start3A_128 = tpu.memref_slice %arg2[%dma_start3A_126, %dma_start3A_127] : memref<10000x128xf32, #tpu.memory_space<hbm>> -> memref<10000x128xf32, #tpu.memory_space<hbm>>
      tpu.enqueue_indirect_dma source(%dma_start3A_128 : memref<10000x128xf32, #tpu.memory_space<hbm>>) target(%arg9 : memref<64x128xf32, #tpu.memory_space<vmem>>) offsets(%dma_start3A_125 : memref<64xi32, #tpu.memory_space<vmem>>) semaphore(%arg14 : memref<!tpu.dma_semaphore, #tpu.memory_space<semaphore_mem>>)
      %dma_wait3A_129 = arith.constant 5 : i32
      %dma_wait3A_130 = arith.constant 0 : i32
      %dma_wait3A_131 = tpu.memref_slice %arg7[%rem3A_48, %dma_wait3A_129, %dma_wait3A_130] : memref<2x16x64xi32, #tpu.memory_space<vmem>> -> memref<1x1x64xi32, #tpu.memory_space<vmem>>
      %dma_wait3A_132 = tpu.memref_squeeze %dma_wait3A_131 : memref<1x1x64xi32, #tpu.memory_space<vmem>> -> memref<64xi32, #tpu.memory_space<vmem>>
      %dma_wait3A_133 = arith.constant 0 : i32
      %dma_wait3A_134 = arith.constant 0 : i32
      %dma_wait3A_135 = tpu.memref_slice %arg2[%dma_wait3A_133, %dma_wait3A_134] : memref<10000x128xf32, #tpu.memory_space<hbm>> -> memref<10000x128xf32, #tpu.memory_space<hbm>>
      tpu.wait_indirect_dma semaphore(%arg15 : memref<!tpu.dma_semaphore, #tpu.memory_space<semaphore_mem>>) src(%dma_wait3A_135 : memref<10000x128xf32, #tpu.memory_space<hbm>>) dst(%arg10 : memref<64x128xf32, #tpu.memory_space<vmem>>)
      %run_scoped3A_136 = arith.constant 5 : i32
      "tpu.region"() ({
        %run_scoped3A_294 = tpu.sem_alloc : memref<!tpu.dma_semaphore, #tpu.memory_space<semaphore_mem>>
        %dma_start3A_295 = arith.constant 0 : i32
        %dma_start3A_296 = tpu.memref_slice %arg8[%rem3A_48, %run_scoped3A_136, %dma_start3A_295] : memref<2x16x64xi32, #tpu.memory_space<vmem>> -> memref<1x1x64xi32, #tpu.memory_space<vmem>>
        %dma_start3A_297 = tpu.memref_squeeze %dma_start3A_296 : memref<1x1x64xi32, #tpu.memory_space<vmem>> -> memref<64xi32, #tpu.memory_space<vmem>>
        %dma_start3A_298 = arith.constant 0 : i32
        %dma_start3A_299 = arith.constant 0 : i32
        %dma_start3A_300 = tpu.memref_slice %arg13[%dma_start3A_298, %dma_start3A_299] : memref<10240x128xf32, #tpu.memory_space<vmem_shared>> -> memref<10240x128xf32, #tpu.memory_space<vmem_shared>>
        tpu.enqueue_indirect_dma source(%arg10 : memref<64x128xf32, #tpu.memory_space<vmem>>) target(%dma_start3A_300 : memref<10240x128xf32, #tpu.memory_space<vmem_shared>>) offsets(%dma_start3A_297 : memref<64xi32, #tpu.memory_space<vmem>>) semaphore(%run_scoped3A_294 : memref<!tpu.dma_semaphore, #tpu.memory_space<semaphore_mem>>) {add = true}
        %dma_wait3A_301 = arith.constant 0 : i32
        %dma_wait3A_302 = tpu.memref_slice %arg8[%rem3A_48, %run_scoped3A_136, %dma_wait3A_301] : memref<2x16x64xi32, #tpu.memory_space<vmem>> -> memref<1x1x64xi32, #tpu.memory_space<vmem>>
        %dma_wait3A_303 = tpu.memref_squeeze %dma_wait3A_302 : memref<1x1x64xi32, #tpu.memory_space<vmem>> -> memref<64xi32, #tpu.memory_space<vmem>>
        %dma_wait3A_304 = arith.constant 0 : i32
        %dma_wait3A_305 = arith.constant 0 : i32
        %dma_wait3A_306 = tpu.memref_slice %arg13[%dma_wait3A_304, %dma_wait3A_305] : memref<10240x128xf32, #tpu.memory_space<vmem_shared>> -> memref<10240x128xf32, #tpu.memory_space<vmem_shared>>
        tpu.wait_indirect_dma semaphore(%run_scoped3A_294 : memref<!tpu.dma_semaphore, #tpu.memory_space<semaphore_mem>>) src(%arg10 : memref<64x128xf32, #tpu.memory_space<vmem>>) dst(%dma_wait3A_306 : memref<10240x128xf32, #tpu.memory_space<vmem_shared>>)
        tpu.yield
      }) : () -> ()
      %dma_start3A_137 = arith.constant 9 : i32
      %dma_start3A_138 = arith.constant 0 : i32
      %dma_start3A_139 = tpu.memref_slice %arg7[%rem3A_48, %dma_start3A_137, %dma_start3A_138] : memref<2x16x64xi32, #tpu.memory_space<vmem>> -> memref<1x1x64xi32, #tpu.memory_space<vmem>>
      %dma_start3A_140 = tpu.memref_squeeze %dma_start3A_139 : memref<1x1x64xi32, #tpu.memory_space<vmem>> -> memref<64xi32, #tpu.memory_space<vmem>>
      %dma_start3A_141 = arith.constant 0 : i32
      %dma_start3A_142 = arith.constant 0 : i32
      %dma_start3A_143 = tpu.memref_slice %arg2[%dma_start3A_141, %dma_start3A_142] : memref<10000x128xf32, #tpu.memory_space<hbm>> -> memref<10000x128xf32, #tpu.memory_space<hbm>>
      tpu.enqueue_indirect_dma source(%dma_start3A_143 : memref<10000x128xf32, #tpu.memory_space<hbm>>) target(%arg10 : memref<64x128xf32, #tpu.memory_space<vmem>>) offsets(%dma_start3A_140 : memref<64xi32, #tpu.memory_space<vmem>>) semaphore(%arg15 : memref<!tpu.dma_semaphore, #tpu.memory_space<semaphore_mem>>)
      %dma_wait3A_144 = arith.constant 6 : i32
      %dma_wait3A_145 = arith.constant 0 : i32
      %dma_wait3A_146 = tpu.memref_slice %arg7[%rem3A_48, %dma_wait3A_144, %dma_wait3A_145] : memref<2x16x64xi32, #tpu.memory_space<vmem>> -> memref<1x1x64xi32, #tpu.memory_space<vmem>>
      %dma_wait3A_147 = tpu.memref_squeeze %dma_wait3A_146 : memref<1x1x64xi32, #tpu.memory_space<vmem>> -> memref<64xi32, #tpu.memory_space<vmem>>
      %dma_wait3A_148 = arith.constant 0 : i32
      %dma_wait3A_149 = arith.constant 0 : i32
      %dma_wait3A_150 = tpu.memref_slice %arg2[%dma_wait3A_148, %dma_wait3A_149] : memref<10000x128xf32, #tpu.memory_space<hbm>> -> memref<10000x128xf32, #tpu.memory_space<hbm>>
      tpu.wait_indirect_dma semaphore(%arg16 : memref<!tpu.dma_semaphore, #tpu.memory_space<semaphore_mem>>) src(%dma_wait3A_150 : memref<10000x128xf32, #tpu.memory_space<hbm>>) dst(%arg11 : memref<64x128xf32, #tpu.memory_space<vmem>>)
      %run_scoped3A_151 = arith.constant 6 : i32
      "tpu.region"() ({
        %run_scoped3A_294 = tpu.sem_alloc : memref<!tpu.dma_semaphore, #tpu.memory_space<semaphore_mem>>
        %dma_start3A_295 = arith.constant 0 : i32
        %dma_start3A_296 = tpu.memref_slice %arg8[%rem3A_48, %run_scoped3A_151, %dma_start3A_295] : memref<2x16x64xi32, #tpu.memory_space<vmem>> -> memref<1x1x64xi32, #tpu.memory_space<vmem>>
        %dma_start3A_297 = tpu.memref_squeeze %dma_start3A_296 : memref<1x1x64xi32, #tpu.memory_space<vmem>> -> memref<64xi32, #tpu.memory_space<vmem>>
        %dma_start3A_298 = arith.constant 0 : i32
        %dma_start3A_299 = arith.constant 0 : i32
        %dma_start3A_300 = tpu.memref_slice %arg13[%dma_start3A_298, %dma_start3A_299] : memref<10240x128xf32, #tpu.memory_space<vmem_shared>> -> memref<10240x128xf32, #tpu.memory_space<vmem_shared>>
        tpu.enqueue_indirect_dma source(%arg11 : memref<64x128xf32, #tpu.memory_space<vmem>>) target(%dma_start3A_300 : memref<10240x128xf32, #tpu.memory_space<vmem_shared>>) offsets(%dma_start3A_297 : memref<64xi32, #tpu.memory_space<vmem>>) semaphore(%run_scoped3A_294 : memref<!tpu.dma_semaphore, #tpu.memory_space<semaphore_mem>>) {add = true}
        %dma_wait3A_301 = arith.constant 0 : i32
        %dma_wait3A_302 = tpu.memref_slice %arg8[%rem3A_48, %run_scoped3A_151, %dma_wait3A_301] : memref<2x16x64xi32, #tpu.memory_space<vmem>> -> memref<1x1x64xi32, #tpu.memory_space<vmem>>
        %dma_wait3A_303 = tpu.memref_squeeze %dma_wait3A_302 : memref<1x1x64xi32, #tpu.memory_space<vmem>> -> memref<64xi32, #tpu.memory_space<vmem>>
        %dma_wait3A_304 = arith.constant 0 : i32
        %dma_wait3A_305 = arith.constant 0 : i32
        %dma_wait3A_306 = tpu.memref_slice %arg13[%dma_wait3A_304, %dma_wait3A_305] : memref<10240x128xf32, #tpu.memory_space<vmem_shared>> -> memref<10240x128xf32, #tpu.memory_space<vmem_shared>>
        tpu.wait_indirect_dma semaphore(%run_scoped3A_294 : memref<!tpu.dma_semaphore, #tpu.memory_space<semaphore_mem>>) src(%arg11 : memref<64x128xf32, #tpu.memory_space<vmem>>) dst(%dma_wait3A_306 : memref<10240x128xf32, #tpu.memory_space<vmem_shared>>)
        tpu.yield
      }) : () -> ()
      %dma_start3A_152 = arith.constant 10 : i32
      %dma_start3A_153 = arith.constant 0 : i32
      %dma_start3A_154 = tpu.memref_slice %arg7[%rem3A_48, %dma_start3A_152, %dma_start3A_153] : memref<2x16x64xi32, #tpu.memory_space<vmem>> -> memref<1x1x64xi32, #tpu.memory_space<vmem>>
      %dma_start3A_155 = tpu.memref_squeeze %dma_start3A_154 : memref<1x1x64xi32, #tpu.memory_space<vmem>> -> memref<64xi32, #tpu.memory_space<vmem>>
      %dma_start3A_156 = arith.constant 0 : i32
      %dma_start3A_157 = arith.constant 0 : i32
      %dma_start3A_158 = tpu.memref_slice %arg2[%dma_start3A_156, %dma_start3A_157] : memref<10000x128xf32, #tpu.memory_space<hbm>> -> memref<10000x128xf32, #tpu.memory_space<hbm>>
      tpu.enqueue_indirect_dma source(%dma_start3A_158 : memref<10000x128xf32, #tpu.memory_space<hbm>>) target(%arg11 : memref<64x128xf32, #tpu.memory_space<vmem>>) offsets(%dma_start3A_155 : memref<64xi32, #tpu.memory_space<vmem>>) semaphore(%arg16 : memref<!tpu.dma_semaphore, #tpu.memory_space<semaphore_mem>>)
      %dma_wait3A_159 = arith.constant 7 : i32
      %dma_wait3A_160 = arith.constant 0 : i32
      %dma_wait3A_161 = tpu.memref_slice %arg7[%rem3A_48, %dma_wait3A_159, %dma_wait3A_160] : memref<2x16x64xi32, #tpu.memory_space<vmem>> -> memref<1x1x64xi32, #tpu.memory_space<vmem>>
      %dma_wait3A_162 = tpu.memref_squeeze %dma_wait3A_161 : memref<1x1x64xi32, #tpu.memory_space<vmem>> -> memref<64xi32, #tpu.memory_space<vmem>>
      %dma_wait3A_163 = arith.constant 0 : i32
      %dma_wait3A_164 = arith.constant 0 : i32
      %dma_wait3A_165 = tpu.memref_slice %arg2[%dma_wait3A_163, %dma_wait3A_164] : memref<10000x128xf32, #tpu.memory_space<hbm>> -> memref<10000x128xf32, #tpu.memory_space<hbm>>
      tpu.wait_indirect_dma semaphore(%arg17 : memref<!tpu.dma_semaphore, #tpu.memory_space<semaphore_mem>>) src(%dma_wait3A_165 : memref<10000x128xf32, #tpu.memory_space<hbm>>) dst(%arg12 : memref<64x128xf32, #tpu.memory_space<vmem>>)
      %run_scoped3A_166 = arith.constant 7 : i32
      "tpu.region"() ({
        %run_scoped3A_294 = tpu.sem_alloc : memref<!tpu.dma_semaphore, #tpu.memory_space<semaphore_mem>>
        %dma_start3A_295 = arith.constant 0 : i32
        %dma_start3A_296 = tpu.memref_slice %arg8[%rem3A_48, %run_scoped3A_166, %dma_start3A_295] : memref<2x16x64xi32, #tpu.memory_space<vmem>> -> memref<1x1x64xi32, #tpu.memory_space<vmem>>
        %dma_start3A_297 = tpu.memref_squeeze %dma_start3A_296 : memref<1x1x64xi32, #tpu.memory_space<vmem>> -> memref<64xi32, #tpu.memory_space<vmem>>
        %dma_start3A_298 = arith.constant 0 : i32
        %dma_start3A_299 = arith.constant 0 : i32
        %dma_start3A_300 = tpu.memref_slice %arg13[%dma_start3A_298, %dma_start3A_299] : memref<10240x128xf32, #tpu.memory_space<vmem_shared>> -> memref<10240x128xf32, #tpu.memory_space<vmem_shared>>
        tpu.enqueue_indirect_dma source(%arg12 : memref<64x128xf32, #tpu.memory_space<vmem>>) target(%dma_start3A_300 : memref<10240x128xf32, #tpu.memory_space<vmem_shared>>) offsets(%dma_start3A_297 : memref<64xi32, #tpu.memory_space<vmem>>) semaphore(%run_scoped3A_294 : memref<!tpu.dma_semaphore, #tpu.memory_space<semaphore_mem>>) {add = true}
        %dma_wait3A_301 = arith.constant 0 : i32
        %dma_wait3A_302 = tpu.memref_slice %arg8[%rem3A_48, %run_scoped3A_166, %dma_wait3A_301] : memref<2x16x64xi32, #tpu.memory_space<vmem>> -> memref<1x1x64xi32, #tpu.memory_space<vmem>>
        %dma_wait3A_303 = tpu.memref_squeeze %dma_wait3A_302 : memref<1x1x64xi32, #tpu.memory_space<vmem>> -> memref<64xi32, #tpu.memory_space<vmem>>
        %dma_wait3A_304 = arith.constant 0 : i32
        %dma_wait3A_305 = arith.constant 0 : i32
        %dma_wait3A_306 = tpu.memref_slice %arg13[%dma_wait3A_304, %dma_wait3A_305] : memref<10240x128xf32, #tpu.memory_space<vmem_shared>> -> memref<10240x128xf32, #tpu.memory_space<vmem_shared>>
        tpu.wait_indirect_dma semaphore(%run_scoped3A_294 : memref<!tpu.dma_semaphore, #tpu.memory_space<semaphore_mem>>) src(%arg12 : memref<64x128xf32, #tpu.memory_space<vmem>>) dst(%dma_wait3A_306 : memref<10240x128xf32, #tpu.memory_space<vmem_shared>>)
        tpu.yield
      }) : () -> ()
      %dma_start3A_167 = arith.constant 11 : i32
      %dma_start3A_168 = arith.constant 0 : i32
      %dma_start3A_169 = tpu.memref_slice %arg7[%rem3A_48, %dma_start3A_167, %dma_start3A_168] : memref<2x16x64xi32, #tpu.memory_space<vmem>> -> memref<1x1x64xi32, #tpu.memory_space<vmem>>
      %dma_start3A_170 = tpu.memref_squeeze %dma_start3A_169 : memref<1x1x64xi32, #tpu.memory_space<vmem>> -> memref<64xi32, #tpu.memory_space<vmem>>
      %dma_start3A_171 = arith.constant 0 : i32
      %dma_start3A_172 = arith.constant 0 : i32
      %dma_start3A_173 = tpu.memref_slice %arg2[%dma_start3A_171, %dma_start3A_172] : memref<10000x128xf32, #tpu.memory_space<hbm>> -> memref<10000x128xf32, #tpu.memory_space<hbm>>
      tpu.enqueue_indirect_dma source(%dma_start3A_173 : memref<10000x128xf32, #tpu.memory_space<hbm>>) target(%arg12 : memref<64x128xf32, #tpu.memory_space<vmem>>) offsets(%dma_start3A_170 : memref<64xi32, #tpu.memory_space<vmem>>) semaphore(%arg17 : memref<!tpu.dma_semaphore, #tpu.memory_space<semaphore_mem>>)
      %dma_wait3A_174 = arith.constant 8 : i32
      %dma_wait3A_175 = arith.constant 0 : i32
      %dma_wait3A_176 = tpu.memref_slice %arg7[%rem3A_48, %dma_wait3A_174, %dma_wait3A_175] : memref<2x16x64xi32, #tpu.memory_space<vmem>> -> memref<1x1x64xi32, #tpu.memory_space<vmem>>
      %dma_wait3A_177 = tpu.memref_squeeze %dma_wait3A_176 : memref<1x1x64xi32, #tpu.memory_space<vmem>> -> memref<64xi32, #tpu.memory_space<vmem>>
      %dma_wait3A_178 = arith.constant 0 : i32
      %dma_wait3A_179 = arith.constant 0 : i32
      %dma_wait3A_180 = tpu.memref_slice %arg2[%dma_wait3A_178, %dma_wait3A_179] : memref<10000x128xf32, #tpu.memory_space<hbm>> -> memref<10000x128xf32, #tpu.memory_space<hbm>>
      tpu.wait_indirect_dma semaphore(%arg14 : memref<!tpu.dma_semaphore, #tpu.memory_space<semaphore_mem>>) src(%dma_wait3A_180 : memref<10000x128xf32, #tpu.memory_space<hbm>>) dst(%arg9 : memref<64x128xf32, #tpu.memory_space<vmem>>)
      %run_scoped3A_181 = arith.constant 8 : i32
      "tpu.region"() ({
        %run_scoped3A_294 = tpu.sem_alloc : memref<!tpu.dma_semaphore, #tpu.memory_space<semaphore_mem>>
        %dma_start3A_295 = arith.constant 0 : i32
        %dma_start3A_296 = tpu.memref_slice %arg8[%rem3A_48, %run_scoped3A_181, %dma_start3A_295] : memref<2x16x64xi32, #tpu.memory_space<vmem>> -> memref<1x1x64xi32, #tpu.memory_space<vmem>>
        %dma_start3A_297 = tpu.memref_squeeze %dma_start3A_296 : memref<1x1x64xi32, #tpu.memory_space<vmem>> -> memref<64xi32, #tpu.memory_space<vmem>>
        %dma_start3A_298 = arith.constant 0 : i32
        %dma_start3A_299 = arith.constant 0 : i32
        %dma_start3A_300 = tpu.memref_slice %arg13[%dma_start3A_298, %dma_start3A_299] : memref<10240x128xf32, #tpu.memory_space<vmem_shared>> -> memref<10240x128xf32, #tpu.memory_space<vmem_shared>>
        tpu.enqueue_indirect_dma source(%arg9 : memref<64x128xf32, #tpu.memory_space<vmem>>) target(%dma_start3A_300 : memref<10240x128xf32, #tpu.memory_space<vmem_shared>>) offsets(%dma_start3A_297 : memref<64xi32, #tpu.memory_space<vmem>>) semaphore(%run_scoped3A_294 : memref<!tpu.dma_semaphore, #tpu.memory_space<semaphore_mem>>) {add = true}
        %dma_wait3A_301 = arith.constant 0 : i32
        %dma_wait3A_302 = tpu.memref_slice %arg8[%rem3A_48, %run_scoped3A_181, %dma_wait3A_301] : memref<2x16x64xi32, #tpu.memory_space<vmem>> -> memref<1x1x64xi32, #tpu.memory_space<vmem>>
        %dma_wait3A_303 = tpu.memref_squeeze %dma_wait3A_302 : memref<1x1x64xi32, #tpu.memory_space<vmem>> -> memref<64xi32, #tpu.memory_space<vmem>>
        %dma_wait3A_304 = arith.constant 0 : i32
        %dma_wait3A_305 = arith.constant 0 : i32
        %dma_wait3A_306 = tpu.memref_slice %arg13[%dma_wait3A_304, %dma_wait3A_305] : memref<10240x128xf32, #tpu.memory_space<vmem_shared>> -> memref<10240x128xf32, #tpu.memory_space<vmem_shared>>
        tpu.wait_indirect_dma semaphore(%run_scoped3A_294 : memref<!tpu.dma_semaphore, #tpu.memory_space<semaphore_mem>>) src(%arg9 : memref<64x128xf32, #tpu.memory_space<vmem>>) dst(%dma_wait3A_306 : memref<10240x128xf32, #tpu.memory_space<vmem_shared>>)
        tpu.yield
      }) : () -> ()
      %dma_start3A_182 = arith.constant 12 : i32
      %dma_start3A_183 = arith.constant 0 : i32
      %dma_start3A_184 = tpu.memref_slice %arg7[%rem3A_48, %dma_start3A_182, %dma_start3A_183] : memref<2x16x64xi32, #tpu.memory_space<vmem>> -> memref<1x1x64xi32, #tpu.memory_space<vmem>>
      %dma_start3A_185 = tpu.memref_squeeze %dma_start3A_184 : memref<1x1x64xi32, #tpu.memory_space<vmem>> -> memref<64xi32, #tpu.memory_space<vmem>>
      %dma_start3A_186 = arith.constant 0 : i32
      %dma_start3A_187 = arith.constant 0 : i32
      %dma_start3A_188 = tpu.memref_slice %arg2[%dma_start3A_186, %dma_start3A_187] : memref<10000x128xf32, #tpu.memory_space<hbm>> -> memref<10000x128xf32, #tpu.memory_space<hbm>>
      tpu.enqueue_indirect_dma source(%dma_start3A_188 : memref<10000x128xf32, #tpu.memory_space<hbm>>) target(%arg9 : memref<64x128xf32, #tpu.memory_space<vmem>>) offsets(%dma_start3A_185 : memref<64xi32, #tpu.memory_space<vmem>>) semaphore(%arg14 : memref<!tpu.dma_semaphore, #tpu.memory_space<semaphore_mem>>)
      %dma_wait3A_189 = arith.constant 9 : i32
      %dma_wait3A_190 = arith.constant 0 : i32
      %dma_wait3A_191 = tpu.memref_slice %arg7[%rem3A_48, %dma_wait3A_189, %dma_wait3A_190] : memref<2x16x64xi32, #tpu.memory_space<vmem>> -> memref<1x1x64xi32, #tpu.memory_space<vmem>>
      %dma_wait3A_192 = tpu.memref_squeeze %dma_wait3A_191 : memref<1x1x64xi32, #tpu.memory_space<vmem>> -> memref<64xi32, #tpu.memory_space<vmem>>
      %dma_wait3A_193 = arith.constant 0 : i32
      %dma_wait3A_194 = arith.constant 0 : i32
      %dma_wait3A_195 = tpu.memref_slice %arg2[%dma_wait3A_193, %dma_wait3A_194] : memref<10000x128xf32, #tpu.memory_space<hbm>> -> memref<10000x128xf32, #tpu.memory_space<hbm>>
      tpu.wait_indirect_dma semaphore(%arg15 : memref<!tpu.dma_semaphore, #tpu.memory_space<semaphore_mem>>) src(%dma_wait3A_195 : memref<10000x128xf32, #tpu.memory_space<hbm>>) dst(%arg10 : memref<64x128xf32, #tpu.memory_space<vmem>>)
      %run_scoped3A_196 = arith.constant 9 : i32
      "tpu.region"() ({
        %run_scoped3A_294 = tpu.sem_alloc : memref<!tpu.dma_semaphore, #tpu.memory_space<semaphore_mem>>
        %dma_start3A_295 = arith.constant 0 : i32
        %dma_start3A_296 = tpu.memref_slice %arg8[%rem3A_48, %run_scoped3A_196, %dma_start3A_295] : memref<2x16x64xi32, #tpu.memory_space<vmem>> -> memref<1x1x64xi32, #tpu.memory_space<vmem>>
        %dma_start3A_297 = tpu.memref_squeeze %dma_start3A_296 : memref<1x1x64xi32, #tpu.memory_space<vmem>> -> memref<64xi32, #tpu.memory_space<vmem>>
        %dma_start3A_298 = arith.constant 0 : i32
        %dma_start3A_299 = arith.constant 0 : i32
        %dma_start3A_300 = tpu.memref_slice %arg13[%dma_start3A_298, %dma_start3A_299] : memref<10240x128xf32, #tpu.memory_space<vmem_shared>> -> memref<10240x128xf32, #tpu.memory_space<vmem_shared>>
        tpu.enqueue_indirect_dma source(%arg10 : memref<64x128xf32, #tpu.memory_space<vmem>>) target(%dma_start3A_300 : memref<10240x128xf32, #tpu.memory_space<vmem_shared>>) offsets(%dma_start3A_297 : memref<64xi32, #tpu.memory_space<vmem>>) semaphore(%run_scoped3A_294 : memref<!tpu.dma_semaphore, #tpu.memory_space<semaphore_mem>>) {add = true}
        %dma_wait3A_301 = arith.constant 0 : i32
        %dma_wait3A_302 = tpu.memref_slice %arg8[%rem3A_48, %run_scoped3A_196, %dma_wait3A_301] : memref<2x16x64xi32, #tpu.memory_space<vmem>> -> memref<1x1x64xi32, #tpu.memory_space<vmem>>
        %dma_wait3A_303 = tpu.memref_squeeze %dma_wait3A_302 : memref<1x1x64xi32, #tpu.memory_space<vmem>> -> memref<64xi32, #tpu.memory_space<vmem>>
        %dma_wait3A_304 = arith.constant 0 : i32
        %dma_wait3A_305 = arith.constant 0 : i32
        %dma_wait3A_306 = tpu.memref_slice %arg13[%dma_wait3A_304, %dma_wait3A_305] : memref<10240x128xf32, #tpu.memory_space<vmem_shared>> -> memref<10240x128xf32, #tpu.memory_space<vmem_shared>>
        tpu.wait_indirect_dma semaphore(%run_scoped3A_294 : memref<!tpu.dma_semaphore, #tpu.memory_space<semaphore_mem>>) src(%arg10 : memref<64x128xf32, #tpu.memory_space<vmem>>) dst(%dma_wait3A_306 : memref<10240x128xf32, #tpu.memory_space<vmem_shared>>)
        tpu.yield
      }) : () -> ()
      %dma_start3A_197 = arith.constant 13 : i32
      %dma_start3A_198 = arith.constant 0 : i32
      %dma_start3A_199 = tpu.memref_slice %arg7[%rem3A_48, %dma_start3A_197, %dma_start3A_198] : memref<2x16x64xi32, #tpu.memory_space<vmem>> -> memref<1x1x64xi32, #tpu.memory_space<vmem>>
      %dma_start3A_200 = tpu.memref_squeeze %dma_start3A_199 : memref<1x1x64xi32, #tpu.memory_space<vmem>> -> memref<64xi32, #tpu.memory_space<vmem>>
      %dma_start3A_201 = arith.constant 0 : i32
      %dma_start3A_202 = arith.constant 0 : i32
      %dma_start3A_203 = tpu.memref_slice %arg2[%dma_start3A_201, %dma_start3A_202] : memref<10000x128xf32, #tpu.memory_space<hbm>> -> memref<10000x128xf32, #tpu.memory_space<hbm>>
      tpu.enqueue_indirect_dma source(%dma_start3A_203 : memref<10000x128xf32, #tpu.memory_space<hbm>>) target(%arg10 : memref<64x128xf32, #tpu.memory_space<vmem>>) offsets(%dma_start3A_200 : memref<64xi32, #tpu.memory_space<vmem>>) semaphore(%arg15 : memref<!tpu.dma_semaphore, #tpu.memory_space<semaphore_mem>>)
      %dma_wait3A_204 = arith.constant 10 : i32
      %dma_wait3A_205 = arith.constant 0 : i32
      %dma_wait3A_206 = tpu.memref_slice %arg7[%rem3A_48, %dma_wait3A_204, %dma_wait3A_205] : memref<2x16x64xi32, #tpu.memory_space<vmem>> -> memref<1x1x64xi32, #tpu.memory_space<vmem>>
      %dma_wait3A_207 = tpu.memref_squeeze %dma_wait3A_206 : memref<1x1x64xi32, #tpu.memory_space<vmem>> -> memref<64xi32, #tpu.memory_space<vmem>>
      %dma_wait3A_208 = arith.constant 0 : i32
      %dma_wait3A_209 = arith.constant 0 : i32
      %dma_wait3A_210 = tpu.memref_slice %arg2[%dma_wait3A_208, %dma_wait3A_209] : memref<10000x128xf32, #tpu.memory_space<hbm>> -> memref<10000x128xf32, #tpu.memory_space<hbm>>
      tpu.wait_indirect_dma semaphore(%arg16 : memref<!tpu.dma_semaphore, #tpu.memory_space<semaphore_mem>>) src(%dma_wait3A_210 : memref<10000x128xf32, #tpu.memory_space<hbm>>) dst(%arg11 : memref<64x128xf32, #tpu.memory_space<vmem>>)
      %run_scoped3A_211 = arith.constant 10 : i32
      "tpu.region"() ({
        %run_scoped3A_294 = tpu.sem_alloc : memref<!tpu.dma_semaphore, #tpu.memory_space<semaphore_mem>>
        %dma_start3A_295 = arith.constant 0 : i32
        %dma_start3A_296 = tpu.memref_slice %arg8[%rem3A_48, %run_scoped3A_211, %dma_start3A_295] : memref<2x16x64xi32, #tpu.memory_space<vmem>> -> memref<1x1x64xi32, #tpu.memory_space<vmem>>
        %dma_start3A_297 = tpu.memref_squeeze %dma_start3A_296 : memref<1x1x64xi32, #tpu.memory_space<vmem>> -> memref<64xi32, #tpu.memory_space<vmem>>
        %dma_start3A_298 = arith.constant 0 : i32
        %dma_start3A_299 = arith.constant 0 : i32
        %dma_start3A_300 = tpu.memref_slice %arg13[%dma_start3A_298, %dma_start3A_299] : memref<10240x128xf32, #tpu.memory_space<vmem_shared>> -> memref<10240x128xf32, #tpu.memory_space<vmem_shared>>
        tpu.enqueue_indirect_dma source(%arg11 : memref<64x128xf32, #tpu.memory_space<vmem>>) target(%dma_start3A_300 : memref<10240x128xf32, #tpu.memory_space<vmem_shared>>) offsets(%dma_start3A_297 : memref<64xi32, #tpu.memory_space<vmem>>) semaphore(%run_scoped3A_294 : memref<!tpu.dma_semaphore, #tpu.memory_space<semaphore_mem>>) {add = true}
        %dma_wait3A_301 = arith.constant 0 : i32
        %dma_wait3A_302 = tpu.memref_slice %arg8[%rem3A_48, %run_scoped3A_211, %dma_wait3A_301] : memref<2x16x64xi32, #tpu.memory_space<vmem>> -> memref<1x1x64xi32, #tpu.memory_space<vmem>>
        %dma_wait3A_303 = tpu.memref_squeeze %dma_wait3A_302 : memref<1x1x64xi32, #tpu.memory_space<vmem>> -> memref<64xi32, #tpu.memory_space<vmem>>
        %dma_wait3A_304 = arith.constant 0 : i32
        %dma_wait3A_305 = arith.constant 0 : i32
        %dma_wait3A_306 = tpu.memref_slice %arg13[%dma_wait3A_304, %dma_wait3A_305] : memref<10240x128xf32, #tpu.memory_space<vmem_shared>> -> memref<10240x128xf32, #tpu.memory_space<vmem_shared>>
        tpu.wait_indirect_dma semaphore(%run_scoped3A_294 : memref<!tpu.dma_semaphore, #tpu.memory_space<semaphore_mem>>) src(%arg11 : memref<64x128xf32, #tpu.memory_space<vmem>>) dst(%dma_wait3A_306 : memref<10240x128xf32, #tpu.memory_space<vmem_shared>>)
        tpu.yield
      }) : () -> ()
      %dma_start3A_212 = arith.constant 14 : i32
      %dma_start3A_213 = arith.constant 0 : i32
      %dma_start3A_214 = tpu.memref_slice %arg7[%rem3A_48, %dma_start3A_212, %dma_start3A_213] : memref<2x16x64xi32, #tpu.memory_space<vmem>> -> memref<1x1x64xi32, #tpu.memory_space<vmem>>
      %dma_start3A_215 = tpu.memref_squeeze %dma_start3A_214 : memref<1x1x64xi32, #tpu.memory_space<vmem>> -> memref<64xi32, #tpu.memory_space<vmem>>
      %dma_start3A_216 = arith.constant 0 : i32
      %dma_start3A_217 = arith.constant 0 : i32
      %dma_start3A_218 = tpu.memref_slice %arg2[%dma_start3A_216, %dma_start3A_217] : memref<10000x128xf32, #tpu.memory_space<hbm>> -> memref<10000x128xf32, #tpu.memory_space<hbm>>
      tpu.enqueue_indirect_dma source(%dma_start3A_218 : memref<10000x128xf32, #tpu.memory_space<hbm>>) target(%arg11 : memref<64x128xf32, #tpu.memory_space<vmem>>) offsets(%dma_start3A_215 : memref<64xi32, #tpu.memory_space<vmem>>) semaphore(%arg16 : memref<!tpu.dma_semaphore, #tpu.memory_space<semaphore_mem>>)
      %dma_wait3A_219 = arith.constant 11 : i32
      %dma_wait3A_220 = arith.constant 0 : i32
      %dma_wait3A_221 = tpu.memref_slice %arg7[%rem3A_48, %dma_wait3A_219, %dma_wait3A_220] : memref<2x16x64xi32, #tpu.memory_space<vmem>> -> memref<1x1x64xi32, #tpu.memory_space<vmem>>
      %dma_wait3A_222 = tpu.memref_squeeze %dma_wait3A_221 : memref<1x1x64xi32, #tpu.memory_space<vmem>> -> memref<64xi32, #tpu.memory_space<vmem>>
      %dma_wait3A_223 = arith.constant 0 : i32
      %dma_wait3A_224 = arith.constant 0 : i32
      %dma_wait3A_225 = tpu.memref_slice %arg2[%dma_wait3A_223, %dma_wait3A_224] : memref<10000x128xf32, #tpu.memory_space<hbm>> -> memref<10000x128xf32, #tpu.memory_space<hbm>>
      tpu.wait_indirect_dma semaphore(%arg17 : memref<!tpu.dma_semaphore, #tpu.memory_space<semaphore_mem>>) src(%dma_wait3A_225 : memref<10000x128xf32, #tpu.memory_space<hbm>>) dst(%arg12 : memref<64x128xf32, #tpu.memory_space<vmem>>)
      %run_scoped3A_226 = arith.constant 11 : i32
      "tpu.region"() ({
        %run_scoped3A_294 = tpu.sem_alloc : memref<!tpu.dma_semaphore, #tpu.memory_space<semaphore_mem>>
        %dma_start3A_295 = arith.constant 0 : i32
        %dma_start3A_296 = tpu.memref_slice %arg8[%rem3A_48, %run_scoped3A_226, %dma_start3A_295] : memref<2x16x64xi32, #tpu.memory_space<vmem>> -> memref<1x1x64xi32, #tpu.memory_space<vmem>>
        %dma_start3A_297 = tpu.memref_squeeze %dma_start3A_296 : memref<1x1x64xi32, #tpu.memory_space<vmem>> -> memref<64xi32, #tpu.memory_space<vmem>>
        %dma_start3A_298 = arith.constant 0 : i32
        %dma_start3A_299 = arith.constant 0 : i32
        %dma_start3A_300 = tpu.memref_slice %arg13[%dma_start3A_298, %dma_start3A_299] : memref<10240x128xf32, #tpu.memory_space<vmem_shared>> -> memref<10240x128xf32, #tpu.memory_space<vmem_shared>>
        tpu.enqueue_indirect_dma source(%arg12 : memref<64x128xf32, #tpu.memory_space<vmem>>) target(%dma_start3A_300 : memref<10240x128xf32, #tpu.memory_space<vmem_shared>>) offsets(%dma_start3A_297 : memref<64xi32, #tpu.memory_space<vmem>>) semaphore(%run_scoped3A_294 : memref<!tpu.dma_semaphore, #tpu.memory_space<semaphore_mem>>) {add = true}
        %dma_wait3A_301 = arith.constant 0 : i32
        %dma_wait3A_302 = tpu.memref_slice %arg8[%rem3A_48, %run_scoped3A_226, %dma_wait3A_301] : memref<2x16x64xi32, #tpu.memory_space<vmem>> -> memref<1x1x64xi32, #tpu.memory_space<vmem>>
        %dma_wait3A_303 = tpu.memref_squeeze %dma_wait3A_302 : memref<1x1x64xi32, #tpu.memory_space<vmem>> -> memref<64xi32, #tpu.memory_space<vmem>>
        %dma_wait3A_304 = arith.constant 0 : i32
        %dma_wait3A_305 = arith.constant 0 : i32
        %dma_wait3A_306 = tpu.memref_slice %arg13[%dma_wait3A_304, %dma_wait3A_305] : memref<10240x128xf32, #tpu.memory_space<vmem_shared>> -> memref<10240x128xf32, #tpu.memory_space<vmem_shared>>
        tpu.wait_indirect_dma semaphore(%run_scoped3A_294 : memref<!tpu.dma_semaphore, #tpu.memory_space<semaphore_mem>>) src(%arg12 : memref<64x128xf32, #tpu.memory_space<vmem>>) dst(%dma_wait3A_306 : memref<10240x128xf32, #tpu.memory_space<vmem_shared>>)
        tpu.yield
      }) : () -> ()
      %dma_start3A_227 = arith.constant 15 : i32
      %dma_start3A_228 = arith.constant 0 : i32
      %dma_start3A_229 = tpu.memref_slice %arg7[%rem3A_48, %dma_start3A_227, %dma_start3A_228] : memref<2x16x64xi32, #tpu.memory_space<vmem>> -> memref<1x1x64xi32, #tpu.memory_space<vmem>>
      %dma_start3A_230 = tpu.memref_squeeze %dma_start3A_229 : memref<1x1x64xi32, #tpu.memory_space<vmem>> -> memref<64xi32, #tpu.memory_space<vmem>>
      %dma_start3A_231 = arith.constant 0 : i32
      %dma_start3A_232 = arith.constant 0 : i32
      %dma_start3A_233 = tpu.memref_slice %arg2[%dma_start3A_231, %dma_start3A_232] : memref<10000x128xf32, #tpu.memory_space<hbm>> -> memref<10000x128xf32, #tpu.memory_space<hbm>>
      tpu.enqueue_indirect_dma source(%dma_start3A_233 : memref<10000x128xf32, #tpu.memory_space<hbm>>) target(%arg12 : memref<64x128xf32, #tpu.memory_space<vmem>>) offsets(%dma_start3A_230 : memref<64xi32, #tpu.memory_space<vmem>>) semaphore(%arg17 : memref<!tpu.dma_semaphore, #tpu.memory_space<semaphore_mem>>)
      %dma_wait3A_234 = arith.constant 12 : i32
      %dma_wait3A_235 = arith.constant 0 : i32
      %dma_wait3A_236 = tpu.memref_slice %arg7[%rem3A_48, %dma_wait3A_234, %dma_wait3A_235] : memref<2x16x64xi32, #tpu.memory_space<vmem>> -> memref<1x1x64xi32, #tpu.memory_space<vmem>>
      %dma_wait3A_237 = tpu.memref_squeeze %dma_wait3A_236 : memref<1x1x64xi32, #tpu.memory_space<vmem>> -> memref<64xi32, #tpu.memory_space<vmem>>
      %dma_wait3A_238 = arith.constant 0 : i32
      %dma_wait3A_239 = arith.constant 0 : i32
      %dma_wait3A_240 = tpu.memref_slice %arg2[%dma_wait3A_238, %dma_wait3A_239] : memref<10000x128xf32, #tpu.memory_space<hbm>> -> memref<10000x128xf32, #tpu.memory_space<hbm>>
      tpu.wait_indirect_dma semaphore(%arg14 : memref<!tpu.dma_semaphore, #tpu.memory_space<semaphore_mem>>) src(%dma_wait3A_240 : memref<10000x128xf32, #tpu.memory_space<hbm>>) dst(%arg9 : memref<64x128xf32, #tpu.memory_space<vmem>>)
      %run_scoped3A_241 = arith.constant 12 : i32
      "tpu.region"() ({
        %run_scoped3A_294 = tpu.sem_alloc : memref<!tpu.dma_semaphore, #tpu.memory_space<semaphore_mem>>
        %dma_start3A_295 = arith.constant 0 : i32
        %dma_start3A_296 = tpu.memref_slice %arg8[%rem3A_48, %run_scoped3A_241, %dma_start3A_295] : memref<2x16x64xi32, #tpu.memory_space<vmem>> -> memref<1x1x64xi32, #tpu.memory_space<vmem>>
        %dma_start3A_297 = tpu.memref_squeeze %dma_start3A_296 : memref<1x1x64xi32, #tpu.memory_space<vmem>> -> memref<64xi32, #tpu.memory_space<vmem>>
        %dma_start3A_298 = arith.constant 0 : i32
        %dma_start3A_299 = arith.constant 0 : i32
        %dma_start3A_300 = tpu.memref_slice %arg13[%dma_start3A_298, %dma_start3A_299] : memref<10240x128xf32, #tpu.memory_space<vmem_shared>> -> memref<10240x128xf32, #tpu.memory_space<vmem_shared>>
        tpu.enqueue_indirect_dma source(%arg9 : memref<64x128xf32, #tpu.memory_space<vmem>>) target(%dma_start3A_300 : memref<10240x128xf32, #tpu.memory_space<vmem_shared>>) offsets(%dma_start3A_297 : memref<64xi32, #tpu.memory_space<vmem>>) semaphore(%run_scoped3A_294 : memref<!tpu.dma_semaphore, #tpu.memory_space<semaphore_mem>>) {add = true}
        %dma_wait3A_301 = arith.constant 0 : i32
        %dma_wait3A_302 = tpu.memref_slice %arg8[%rem3A_48, %run_scoped3A_241, %dma_wait3A_301] : memref<2x16x64xi32, #tpu.memory_space<vmem>> -> memref<1x1x64xi32, #tpu.memory_space<vmem>>
        %dma_wait3A_303 = tpu.memref_squeeze %dma_wait3A_302 : memref<1x1x64xi32, #tpu.memory_space<vmem>> -> memref<64xi32, #tpu.memory_space<vmem>>
        %dma_wait3A_304 = arith.constant 0 : i32
        %dma_wait3A_305 = arith.constant 0 : i32
        %dma_wait3A_306 = tpu.memref_slice %arg13[%dma_wait3A_304, %dma_wait3A_305] : memref<10240x128xf32, #tpu.memory_space<vmem_shared>> -> memref<10240x128xf32, #tpu.memory_space<vmem_shared>>
        tpu.wait_indirect_dma semaphore(%run_scoped3A_294 : memref<!tpu.dma_semaphore, #tpu.memory_space<semaphore_mem>>) src(%arg9 : memref<64x128xf32, #tpu.memory_space<vmem>>) dst(%dma_wait3A_306 : memref<10240x128xf32, #tpu.memory_space<vmem_shared>>)
        tpu.yield
      }) : () -> ()
      %add3A_242 = arith.constant 1 : i32
      %add3A_243 = arith.addi %scan3A_47, %add3A_242 : i32
      %lt3A_244 = arith.constant 20 : i32
      %lt3A_245 = arith.cmpi slt, %add3A_243, %lt3A_244 : i32
      %convert_element_type3A_246 = arith.extui %lt3A_245 : i1 to i32
      %cond3A_247 = arith.constant 0 : i32
      %cond3A_248 = arith.cmpi ne, %convert_element_type3A_246, %cond3A_247 : i32
      scf.if %cond3A_248 {
        %add3A_294 = arith.constant 1 : i32
        %add3A_295 = arith.addi %scan3A_47, %add3A_294 : i32
        %sub3A = arith.constant 1 : i32
        %sub3A_296 = arith.subi %sub3A, %rem3A_48 : i32
        %dma_wait3A_297 = arith.constant 0 : i32
        %dma_wait3A_298 = arith.constant 0 : i32
        %dma_wait3A_299 = tpu.memref_slice %arg7[%sub3A_296, %dma_wait3A_297, %dma_wait3A_298] : memref<2x16x64xi32, #tpu.memory_space<vmem>> -> memref<1x16x64xi32, #tpu.memory_space<vmem>>
        %dma_wait3A_300 = tpu.memref_squeeze %dma_wait3A_299 : memref<1x16x64xi32, #tpu.memory_space<vmem>> -> memref<16x64xi32, #tpu.memory_space<vmem>>
        %dma_wait3A_301 = arith.constant 0 : i32
        %dma_wait3A_302 = arith.constant 0 : i32
        %dma_wait3A_303 = tpu.memref_slice %arg3[%arg0, %arg1, %add3A_295, %dma_wait3A_301, %dma_wait3A_302] : memref<2x16x20x16x64xi32, #tpu.memory_space<hbm>> -> memref<1x1x1x16x64xi32, #tpu.memory_space<hbm>>
        %dma_wait3A_304 = tpu.memref_squeeze %dma_wait3A_303 : memref<1x1x1x16x64xi32, #tpu.memory_space<hbm>> -> memref<16x64xi32, #tpu.memory_space<hbm>>
        %dma_wait3A_305 = arith.constant 0 : i32
        %dma_wait3A_306 = arith.constant 0 : i32
        %dma_wait3A_307 = tpu.memref_slice %arg7[%sub3A_296, %dma_wait3A_305, %dma_wait3A_306] : memref<2x16x64xi32, #tpu.memory_space<vmem>> -> memref<1x16x64xi32, #tpu.memory_space<vmem>>
        %dma_wait3A_308 = tpu.memref_squeeze %dma_wait3A_307 : memref<1x16x64xi32, #tpu.memory_space<vmem>> -> memref<16x64xi32, #tpu.memory_space<vmem>>
        %dma_wait3A_309 = arith.constant 0 : i32
        %dma_wait3A_310 = arith.constant 0 : i32
        %dma_wait3A_311 = tpu.memref_slice %arg3[%arg0, %arg1, %add3A_295, %dma_wait3A_309, %dma_wait3A_310] : memref<2x16x20x16x64xi32, #tpu.memory_space<hbm>> -> memref<1x1x1x16x64xi32, #tpu.memory_space<hbm>>
        %dma_wait3A_312 = tpu.memref_squeeze %dma_wait3A_311 : memref<1x1x1x16x64xi32, #tpu.memory_space<hbm>> -> memref<16x64xi32, #tpu.memory_space<hbm>>
        tpu.wait_dma2 semaphore(%arg18 : memref<!tpu.dma_semaphore, #tpu.memory_space<semaphore_mem>>) src(%dma_wait3A_312 : memref<16x64xi32, #tpu.memory_space<hbm>>) dst(%dma_wait3A_308 : memref<16x64xi32, #tpu.memory_space<vmem>>)
        %add3A_313 = arith.constant 1 : i32
        %add3A_314 = arith.addi %scan3A_47, %add3A_313 : i32
        %sub3A_315 = arith.constant 1 : i32
        %sub3A_316 = arith.subi %sub3A_315, %rem3A_48 : i32
        %dma_wait3A_317 = arith.constant 0 : i32
        %dma_wait3A_318 = arith.constant 0 : i32
        %dma_wait3A_319 = tpu.memref_slice %arg8[%sub3A_316, %dma_wait3A_317, %dma_wait3A_318] : memref<2x16x64xi32, #tpu.memory_space<vmem>> -> memref<1x16x64xi32, #tpu.memory_space<vmem>>
        %dma_wait3A_320 = tpu.memref_squeeze %dma_wait3A_319 : memref<1x16x64xi32, #tpu.memory_space<vmem>> -> memref<16x64xi32, #tpu.memory_space<vmem>>
        %dma_wait3A_321 = arith.constant 0 : i32
        %dma_wait3A_322 = arith.constant 0 : i32
        %dma_wait3A_323 = tpu.memref_slice %arg4[%arg0, %arg1, %add3A_314, %dma_wait3A_321, %dma_wait3A_322] : memref<2x16x20x16x64xi32, #tpu.memory_space<hbm>> -> memref<1x1x1x16x64xi32, #tpu.memory_space<hbm>>
        %dma_wait3A_324 = tpu.memref_squeeze %dma_wait3A_323 : memref<1x1x1x16x64xi32, #tpu.memory_space<hbm>> -> memref<16x64xi32, #tpu.memory_space<hbm>>
        %dma_wait3A_325 = arith.constant 0 : i32
        %dma_wait3A_326 = arith.constant 0 : i32
        %dma_wait3A_327 = tpu.memref_slice %arg8[%sub3A_316, %dma_wait3A_325, %dma_wait3A_326] : memref<2x16x64xi32, #tpu.memory_space<vmem>> -> memref<1x16x64xi32, #tpu.memory_space<vmem>>
        %dma_wait3A_328 = tpu.memref_squeeze %dma_wait3A_327 : memref<1x16x64xi32, #tpu.memory_space<vmem>> -> memref<16x64xi32, #tpu.memory_space<vmem>>
        %dma_wait3A_329 = arith.constant 0 : i32
        %dma_wait3A_330 = arith.constant 0 : i32
        %dma_wait3A_331 = tpu.memref_slice %arg4[%arg0, %arg1, %add3A_314, %dma_wait3A_329, %dma_wait3A_330] : memref<2x16x20x16x64xi32, #tpu.memory_space<hbm>> -> memref<1x1x1x16x64xi32, #tpu.memory_space<hbm>>
        %dma_wait3A_332 = tpu.memref_squeeze %dma_wait3A_331 : memref<1x1x1x16x64xi32, #tpu.memory_space<hbm>> -> memref<16x64xi32, #tpu.memory_space<hbm>>
        tpu.wait_dma2 semaphore(%arg19 : memref<!tpu.dma_semaphore, #tpu.memory_space<semaphore_mem>>) src(%dma_wait3A_332 : memref<16x64xi32, #tpu.memory_space<hbm>>) dst(%dma_wait3A_328 : memref<16x64xi32, #tpu.memory_space<vmem>>)
        %sub3A_333 = arith.constant 1 : i32
        %sub3A_334 = arith.subi %sub3A_333, %rem3A_48 : i32
        %dma_start3A_335 = arith.constant 0 : i32
        %dma_start3A_336 = arith.constant 0 : i32
        %dma_start3A_337 = tpu.memref_slice %arg7[%sub3A_334, %dma_start3A_335, %dma_start3A_336] : memref<2x16x64xi32, #tpu.memory_space<vmem>> -> memref<1x1x64xi32, #tpu.memory_space<vmem>>
        %dma_start3A_338 = tpu.memref_squeeze %dma_start3A_337 : memref<1x1x64xi32, #tpu.memory_space<vmem>> -> memref<64xi32, #tpu.memory_space<vmem>>
        %dma_start3A_339 = arith.constant 0 : i32
        %dma_start3A_340 = arith.constant 0 : i32
        %dma_start3A_341 = tpu.memref_slice %arg2[%dma_start3A_339, %dma_start3A_340] : memref<10000x128xf32, #tpu.memory_space<hbm>> -> memref<10000x128xf32, #tpu.memory_space<hbm>>
        tpu.enqueue_indirect_dma source(%dma_start3A_341 : memref<10000x128xf32, #tpu.memory_space<hbm>>) target(%arg9 : memref<64x128xf32, #tpu.memory_space<vmem>>) offsets(%dma_start3A_338 : memref<64xi32, #tpu.memory_space<vmem>>) semaphore(%arg14 : memref<!tpu.dma_semaphore, #tpu.memory_space<semaphore_mem>>)
      } else {
      }
      %dma_wait3A_249 = arith.constant 13 : i32
      %dma_wait3A_250 = arith.constant 0 : i32
      %dma_wait3A_251 = tpu.memref_slice %arg7[%rem3A_48, %dma_wait3A_249, %dma_wait3A_250] : memref<2x16x64xi32, #tpu.memory_space<vmem>> -> memref<1x1x64xi32, #tpu.memory_space<vmem>>
      %dma_wait3A_252 = tpu.memref_squeeze %dma_wait3A_251 : memref<1x1x64xi32, #tpu.memory_space<vmem>> -> memref<64xi32, #tpu.memory_space<vmem>>
      %dma_wait3A_253 = arith.constant 0 : i32
      %dma_wait3A_254 = arith.constant 0 : i32
      %dma_wait3A_255 = tpu.memref_slice %arg2[%dma_wait3A_253, %dma_wait3A_254] : memref<10000x128xf32, #tpu.memory_space<hbm>> -> memref<10000x128xf32, #tpu.memory_space<hbm>>
      tpu.wait_indirect_dma semaphore(%arg15 : memref<!tpu.dma_semaphore, #tpu.memory_space<semaphore_mem>>) src(%dma_wait3A_255 : memref<10000x128xf32, #tpu.memory_space<hbm>>) dst(%arg10 : memref<64x128xf32, #tpu.memory_space<vmem>>)
      %run_scoped3A_256 = arith.constant 13 : i32
      "tpu.region"() ({
        %run_scoped3A_294 = tpu.sem_alloc : memref<!tpu.dma_semaphore, #tpu.memory_space<semaphore_mem>>
        %dma_start3A_295 = arith.constant 0 : i32
        %dma_start3A_296 = tpu.memref_slice %arg8[%rem3A_48, %run_scoped3A_256, %dma_start3A_295] : memref<2x16x64xi32, #tpu.memory_space<vmem>> -> memref<1x1x64xi32, #tpu.memory_space<vmem>>
        %dma_start3A_297 = tpu.memref_squeeze %dma_start3A_296 : memref<1x1x64xi32, #tpu.memory_space<vmem>> -> memref<64xi32, #tpu.memory_space<vmem>>
        %dma_start3A_298 = arith.constant 0 : i32
        %dma_start3A_299 = arith.constant 0 : i32
        %dma_start3A_300 = tpu.memref_slice %arg13[%dma_start3A_298, %dma_start3A_299] : memref<10240x128xf32, #tpu.memory_space<vmem_shared>> -> memref<10240x128xf32, #tpu.memory_space<vmem_shared>>
        tpu.enqueue_indirect_dma source(%arg10 : memref<64x128xf32, #tpu.memory_space<vmem>>) target(%dma_start3A_300 : memref<10240x128xf32, #tpu.memory_space<vmem_shared>>) offsets(%dma_start3A_297 : memref<64xi32, #tpu.memory_space<vmem>>) semaphore(%run_scoped3A_294 : memref<!tpu.dma_semaphore, #tpu.memory_space<semaphore_mem>>) {add = true}
        %dma_wait3A_301 = arith.constant 0 : i32
        %dma_wait3A_302 = tpu.memref_slice %arg8[%rem3A_48, %run_scoped3A_256, %dma_wait3A_301] : memref<2x16x64xi32, #tpu.memory_space<vmem>> -> memref<1x1x64xi32, #tpu.memory_space<vmem>>
        %dma_wait3A_303 = tpu.memref_squeeze %dma_wait3A_302 : memref<1x1x64xi32, #tpu.memory_space<vmem>> -> memref<64xi32, #tpu.memory_space<vmem>>
        %dma_wait3A_304 = arith.constant 0 : i32
        %dma_wait3A_305 = arith.constant 0 : i32
        %dma_wait3A_306 = tpu.memref_slice %arg13[%dma_wait3A_304, %dma_wait3A_305] : memref<10240x128xf32, #tpu.memory_space<vmem_shared>> -> memref<10240x128xf32, #tpu.memory_space<vmem_shared>>
        tpu.wait_indirect_dma semaphore(%run_scoped3A_294 : memref<!tpu.dma_semaphore, #tpu.memory_space<semaphore_mem>>) src(%arg10 : memref<64x128xf32, #tpu.memory_space<vmem>>) dst(%dma_wait3A_306 : memref<10240x128xf32, #tpu.memory_space<vmem_shared>>)
        tpu.yield
      }) : () -> ()
      %add3A_257 = arith.constant 1 : i32
      %add3A_258 = arith.addi %scan3A_47, %add3A_257 : i32
      %lt3A_259 = arith.constant 20 : i32
      %lt3A_260 = arith.cmpi slt, %add3A_258, %lt3A_259 : i32
      %convert_element_type3A_261 = arith.extui %lt3A_260 : i1 to i32
      %cond3A_262 = arith.constant 0 : i32
      %cond3A_263 = arith.cmpi ne, %convert_element_type3A_261, %cond3A_262 : i32
      scf.if %cond3A_263 {
        %sub3A = arith.constant 1 : i32
        %sub3A_294 = arith.subi %sub3A, %rem3A_48 : i32
        %dma_start3A_295 = arith.constant 1 : i32
        %dma_start3A_296 = arith.constant 0 : i32
        %dma_start3A_297 = tpu.memref_slice %arg7[%sub3A_294, %dma_start3A_295, %dma_start3A_296] : memref<2x16x64xi32, #tpu.memory_space<vmem>> -> memref<1x1x64xi32, #tpu.memory_space<vmem>>
        %dma_start3A_298 = tpu.memref_squeeze %dma_start3A_297 : memref<1x1x64xi32, #tpu.memory_space<vmem>> -> memref<64xi32, #tpu.memory_space<vmem>>
        %dma_start3A_299 = arith.constant 0 : i32
        %dma_start3A_300 = arith.constant 0 : i32
        %dma_start3A_301 = tpu.memref_slice %arg2[%dma_start3A_299, %dma_start3A_300] : memref<10000x128xf32, #tpu.memory_space<hbm>> -> memref<10000x128xf32, #tpu.memory_space<hbm>>
        tpu.enqueue_indirect_dma source(%dma_start3A_301 : memref<10000x128xf32, #tpu.memory_space<hbm>>) target(%arg10 : memref<64x128xf32, #tpu.memory_space<vmem>>) offsets(%dma_start3A_298 : memref<64xi32, #tpu.memory_space<vmem>>) semaphore(%arg15 : memref<!tpu.dma_semaphore, #tpu.memory_space<semaphore_mem>>)
      } else {
      }
      %dma_wait3A_264 = arith.constant 14 : i32
      %dma_wait3A_265 = arith.constant 0 : i32
      %dma_wait3A_266 = tpu.memref_slice %arg7[%rem3A_48, %dma_wait3A_264, %dma_wait3A_265] : memref<2x16x64xi32, #tpu.memory_space<vmem>> -> memref<1x1x64xi32, #tpu.memory_space<vmem>>
      %dma_wait3A_267 = tpu.memref_squeeze %dma_wait3A_266 : memref<1x1x64xi32, #tpu.memory_space<vmem>> -> memref<64xi32, #tpu.memory_space<vmem>>
      %dma_wait3A_268 = arith.constant 0 : i32
      %dma_wait3A_269 = arith.constant 0 : i32
      %dma_wait3A_270 = tpu.memref_slice %arg2[%dma_wait3A_268, %dma_wait3A_269] : memref<10000x128xf32, #tpu.memory_space<hbm>> -> memref<10000x128xf32, #tpu.memory_space<hbm>>
      tpu.wait_indirect_dma semaphore(%arg16 : memref<!tpu.dma_semaphore, #tpu.memory_space<semaphore_mem>>) src(%dma_wait3A_270 : memref<10000x128xf32, #tpu.memory_space<hbm>>) dst(%arg11 : memref<64x128xf32, #tpu.memory_space<vmem>>)
      %run_scoped3A_271 = arith.constant 14 : i32
      "tpu.region"() ({
        %run_scoped3A_294 = tpu.sem_alloc : memref<!tpu.dma_semaphore, #tpu.memory_space<semaphore_mem>>
        %dma_start3A_295 = arith.constant 0 : i32
        %dma_start3A_296 = tpu.memref_slice %arg8[%rem3A_48, %run_scoped3A_271, %dma_start3A_295] : memref<2x16x64xi32, #tpu.memory_space<vmem>> -> memref<1x1x64xi32, #tpu.memory_space<vmem>>
        %dma_start3A_297 = tpu.memref_squeeze %dma_start3A_296 : memref<1x1x64xi32, #tpu.memory_space<vmem>> -> memref<64xi32, #tpu.memory_space<vmem>>
        %dma_start3A_298 = arith.constant 0 : i32
        %dma_start3A_299 = arith.constant 0 : i32
        %dma_start3A_300 = tpu.memref_slice %arg13[%dma_start3A_298, %dma_start3A_299] : memref<10240x128xf32, #tpu.memory_space<vmem_shared>> -> memref<10240x128xf32, #tpu.memory_space<vmem_shared>>
        tpu.enqueue_indirect_dma source(%arg11 : memref<64x128xf32, #tpu.memory_space<vmem>>) target(%dma_start3A_300 : memref<10240x128xf32, #tpu.memory_space<vmem_shared>>) offsets(%dma_start3A_297 : memref<64xi32, #tpu.memory_space<vmem>>) semaphore(%run_scoped3A_294 : memref<!tpu.dma_semaphore, #tpu.memory_space<semaphore_mem>>) {add = true}
        %dma_wait3A_301 = arith.constant 0 : i32
        %dma_wait3A_302 = tpu.memref_slice %arg8[%rem3A_48, %run_scoped3A_271, %dma_wait3A_301] : memref<2x16x64xi32, #tpu.memory_space<vmem>> -> memref<1x1x64xi32, #tpu.memory_space<vmem>>
        %dma_wait3A_303 = tpu.memref_squeeze %dma_wait3A_302 : memref<1x1x64xi32, #tpu.memory_space<vmem>> -> memref<64xi32, #tpu.memory_space<vmem>>
        %dma_wait3A_304 = arith.constant 0 : i32
        %dma_wait3A_305 = arith.constant 0 : i32
        %dma_wait3A_306 = tpu.memref_slice %arg13[%dma_wait3A_304, %dma_wait3A_305] : memref<10240x128xf32, #tpu.memory_space<vmem_shared>> -> memref<10240x128xf32, #tpu.memory_space<vmem_shared>>
        tpu.wait_indirect_dma semaphore(%run_scoped3A_294 : memref<!tpu.dma_semaphore, #tpu.memory_space<semaphore_mem>>) src(%arg11 : memref<64x128xf32, #tpu.memory_space<vmem>>) dst(%dma_wait3A_306 : memref<10240x128xf32, #tpu.memory_space<vmem_shared>>)
        tpu.yield
      }) : () -> ()
      %add3A_272 = arith.constant 1 : i32
      %add3A_273 = arith.addi %scan3A_47, %add3A_272 : i32
      %lt3A_274 = arith.constant 20 : i32
      %lt3A_275 = arith.cmpi slt, %add3A_273, %lt3A_274 : i32
      %convert_element_type3A_276 = arith.extui %lt3A_275 : i1 to i32
      %cond3A_277 = arith.constant 0 : i32
      %cond3A_278 = arith.cmpi ne, %convert_element_type3A_276, %cond3A_277 : i32
      scf.if %cond3A_278 {
        %sub3A = arith.constant 1 : i32
        %sub3A_294 = arith.subi %sub3A, %rem3A_48 : i32
        %dma_start3A_295 = arith.constant 2 : i32
        %dma_start3A_296 = arith.constant 0 : i32
        %dma_start3A_297 = tpu.memref_slice %arg7[%sub3A_294, %dma_start3A_295, %dma_start3A_296] : memref<2x16x64xi32, #tpu.memory_space<vmem>> -> memref<1x1x64xi32, #tpu.memory_space<vmem>>
        %dma_start3A_298 = tpu.memref_squeeze %dma_start3A_297 : memref<1x1x64xi32, #tpu.memory_space<vmem>> -> memref<64xi32, #tpu.memory_space<vmem>>
        %dma_start3A_299 = arith.constant 0 : i32
        %dma_start3A_300 = arith.constant 0 : i32
        %dma_start3A_301 = tpu.memref_slice %arg2[%dma_start3A_299, %dma_start3A_300] : memref<10000x128xf32, #tpu.memory_space<hbm>> -> memref<10000x128xf32, #tpu.memory_space<hbm>>
        tpu.enqueue_indirect_dma source(%dma_start3A_301 : memref<10000x128xf32, #tpu.memory_space<hbm>>) target(%arg11 : memref<64x128xf32, #tpu.memory_space<vmem>>) offsets(%dma_start3A_298 : memref<64xi32, #tpu.memory_space<vmem>>) semaphore(%arg16 : memref<!tpu.dma_semaphore, #tpu.memory_space<semaphore_mem>>)
      } else {
      }
      %dma_wait3A_279 = arith.constant 15 : i32
      %dma_wait3A_280 = arith.constant 0 : i32
      %dma_wait3A_281 = tpu.memref_slice %arg7[%rem3A_48, %dma_wait3A_279, %dma_wait3A_280] : memref<2x16x64xi32, #tpu.memory_space<vmem>> -> memref<1x1x64xi32, #tpu.memory_space<vmem>>
      %dma_wait3A_282 = tpu.memref_squeeze %dma_wait3A_281 : memref<1x1x64xi32, #tpu.memory_space<vmem>> -> memref<64xi32, #tpu.memory_space<vmem>>
      %dma_wait3A_283 = arith.constant 0 : i32
      %dma_wait3A_284 = arith.constant 0 : i32
      %dma_wait3A_285 = tpu.memref_slice %arg2[%dma_wait3A_283, %dma_wait3A_284] : memref<10000x128xf32, #tpu.memory_space<hbm>> -> memref<10000x128xf32, #tpu.memory_space<hbm>>
      tpu.wait_indirect_dma semaphore(%arg17 : memref<!tpu.dma_semaphore, #tpu.memory_space<semaphore_mem>>) src(%dma_wait3A_285 : memref<10000x128xf32, #tpu.memory_space<hbm>>) dst(%arg12 : memref<64x128xf32, #tpu.memory_space<vmem>>)
      %run_scoped3A_286 = arith.constant 15 : i32
      "tpu.region"() ({
        %run_scoped3A_294 = tpu.sem_alloc : memref<!tpu.dma_semaphore, #tpu.memory_space<semaphore_mem>>
        %dma_start3A_295 = arith.constant 0 : i32
        %dma_start3A_296 = tpu.memref_slice %arg8[%rem3A_48, %run_scoped3A_286, %dma_start3A_295] : memref<2x16x64xi32, #tpu.memory_space<vmem>> -> memref<1x1x64xi32, #tpu.memory_space<vmem>>
        %dma_start3A_297 = tpu.memref_squeeze %dma_start3A_296 : memref<1x1x64xi32, #tpu.memory_space<vmem>> -> memref<64xi32, #tpu.memory_space<vmem>>
        %dma_start3A_298 = arith.constant 0 : i32
        %dma_start3A_299 = arith.constant 0 : i32
        %dma_start3A_300 = tpu.memref_slice %arg13[%dma_start3A_298, %dma_start3A_299] : memref<10240x128xf32, #tpu.memory_space<vmem_shared>> -> memref<10240x128xf32, #tpu.memory_space<vmem_shared>>
        tpu.enqueue_indirect_dma source(%arg12 : memref<64x128xf32, #tpu.memory_space<vmem>>) target(%dma_start3A_300 : memref<10240x128xf32, #tpu.memory_space<vmem_shared>>) offsets(%dma_start3A_297 : memref<64xi32, #tpu.memory_space<vmem>>) semaphore(%run_scoped3A_294 : memref<!tpu.dma_semaphore, #tpu.memory_space<semaphore_mem>>) {add = true}
        %dma_wait3A_301 = arith.constant 0 : i32
        %dma_wait3A_302 = tpu.memref_slice %arg8[%rem3A_48, %run_scoped3A_286, %dma_wait3A_301] : memref<2x16x64xi32, #tpu.memory_space<vmem>> -> memref<1x1x64xi32, #tpu.memory_space<vmem>>
        %dma_wait3A_303 = tpu.memref_squeeze %dma_wait3A_302 : memref<1x1x64xi32, #tpu.memory_space<vmem>> -> memref<64xi32, #tpu.memory_space<vmem>>
        %dma_wait3A_304 = arith.constant 0 : i32
        %dma_wait3A_305 = arith.constant 0 : i32
        %dma_wait3A_306 = tpu.memref_slice %arg13[%dma_wait3A_304, %dma_wait3A_305] : memref<10240x128xf32, #tpu.memory_space<vmem_shared>> -> memref<10240x128xf32, #tpu.memory_space<vmem_shared>>
        tpu.wait_indirect_dma semaphore(%run_scoped3A_294 : memref<!tpu.dma_semaphore, #tpu.memory_space<semaphore_mem>>) src(%arg12 : memref<64x128xf32, #tpu.memory_space<vmem>>) dst(%dma_wait3A_306 : memref<10240x128xf32, #tpu.memory_space<vmem_shared>>)
        tpu.yield
      }) : () -> ()
      %add3A_287 = arith.constant 1 : i32
      %add3A_288 = arith.addi %scan3A_47, %add3A_287 : i32
      %lt3A_289 = arith.constant 20 : i32
      %lt3A_290 = arith.cmpi slt, %add3A_288, %lt3A_289 : i32
      %convert_element_type3A_291 = arith.extui %lt3A_290 : i1 to i32
      %cond3A_292 = arith.constant 0 : i32
      %cond3A_293 = arith.cmpi ne, %convert_element_type3A_291, %cond3A_292 : i32
      scf.if %cond3A_293 {
        %sub3A = arith.constant 1 : i32
        %sub3A_294 = arith.subi %sub3A, %rem3A_48 : i32
        %dma_start3A_295 = arith.constant 3 : i32
        %dma_start3A_296 = arith.constant 0 : i32
        %dma_start3A_297 = tpu.memref_slice %arg7[%sub3A_294, %dma_start3A_295, %dma_start3A_296] : memref<2x16x64xi32, #tpu.memory_space<vmem>> -> memref<1x1x64xi32, #tpu.memory_space<vmem>>
        %dma_start3A_298 = tpu.memref_squeeze %dma_start3A_297 : memref<1x1x64xi32, #tpu.memory_space<vmem>> -> memref<64xi32, #tpu.memory_space<vmem>>
        %dma_start3A_299 = arith.constant 0 : i32
        %dma_start3A_300 = arith.constant 0 : i32
        %dma_start3A_301 = tpu.memref_slice %arg2[%dma_start3A_299, %dma_start3A_300] : memref<10000x128xf32, #tpu.memory_space<hbm>> -> memref<10000x128xf32, #tpu.memory_space<hbm>>
        tpu.enqueue_indirect_dma source(%dma_start3A_301 : memref<10000x128xf32, #tpu.memory_space<hbm>>) target(%arg12 : memref<64x128xf32, #tpu.memory_space<vmem>>) offsets(%dma_start3A_298 : memref<64xi32, #tpu.memory_space<vmem>>) semaphore(%arg17 : memref<!tpu.dma_semaphore, #tpu.memory_space<semaphore_mem>>)
      } else {
      }
    }
    %scan3A_39 = arith.constant 20 : i32
    %barrier3A_40 = arith.constant 0 : index
    tpu.barrier barrier_id(%barrier3A_40)
    %lt3A = arith.constant 15 : i32
    %lt3A_41 = arith.cmpi slt, %arg1, %lt3A : i32
    %convert_element_type3A = arith.extui %lt3A_41 : i1 to i32
    %cond3A = arith.constant 0 : i32
    %cond3A_42 = arith.cmpi ne, %convert_element_type3A, %cond3A : i32
    scf.if %cond3A_42 {
      %mul3A_47 = arith.constant 624 : i32
      %mul3A_48 = arith.muli %arg1, %mul3A_47 : i32
      %mul3A_49 = arith.constant 10000 : i32
      %mul3A_50 = arith.muli %arg0, %mul3A_49 : i32
      %mul3A_51 = arith.constant 624 : i32
      %mul3A_52 = arith.muli %arg1, %mul3A_51 : i32
      %add3A = arith.addi %mul3A_50, %mul3A_52 : i32
      "tpu.region"() ({
        %run_scoped3A_53 = tpu.sem_alloc : memref<!tpu.dma_semaphore, #tpu.memory_space<semaphore_mem>>
        %dma_start3A_54 = arith.constant 0 : i32
        %dma_start3A_55 = tpu.memref_slice %arg6[%add3A, %dma_start3A_54] : memref<20000x128xf32, #tpu.memory_space<hbm>> -> memref<624x128xf32, #tpu.memory_space<hbm>>
        %dma_start3A_56 = arith.constant 0 : i32
        %dma_start3A_57 = tpu.memref_slice %arg13[%mul3A_48, %dma_start3A_56] : memref<10240x128xf32, #tpu.memory_space<vmem_shared>> -> memref<624x128xf32, #tpu.memory_space<vmem_shared>>
        tpu.enqueue_dma source(%dma_start3A_57 : memref<624x128xf32, #tpu.memory_space<vmem_shared>>) target(%dma_start3A_55 : memref<624x128xf32, #tpu.memory_space<hbm>>) target_semaphore(%run_scoped3A_53 : memref<!tpu.dma_semaphore, #tpu.memory_space<semaphore_mem>>)
        %dma_wait3A = arith.constant 0 : i32
        %dma_wait3A_58 = tpu.memref_slice %arg6[%add3A, %dma_wait3A] : memref<20000x128xf32, #tpu.memory_space<hbm>> -> memref<624x128xf32, #tpu.memory_space<hbm>>
        %dma_wait3A_59 = arith.constant 0 : i32
        %dma_wait3A_60 = tpu.memref_slice %arg13[%mul3A_48, %dma_wait3A_59] : memref<10240x128xf32, #tpu.memory_space<vmem_shared>> -> memref<624x128xf32, #tpu.memory_space<vmem_shared>>
        tpu.wait_dma2 semaphore(%run_scoped3A_53 : memref<!tpu.dma_semaphore, #tpu.memory_space<semaphore_mem>>) src(%dma_wait3A_60 : memref<624x128xf32, #tpu.memory_space<vmem_shared>>) dst(%dma_wait3A_58 : memref<624x128xf32, #tpu.memory_space<hbm>>)
        tpu.yield
      }) : () -> ()
    } else {
    }
    %eq3A = arith.constant 15 : i32
    %eq3A_43 = arith.cmpi eq, %arg1, %eq3A : i32
    %convert_element_type3A_44 = arith.extui %eq3A_43 : i1 to i32
    %cond3A_45 = arith.constant 0 : i32
    %cond3A_46 = arith.cmpi ne, %convert_element_type3A_44, %cond3A_45 : i32
    scf.if %cond3A_46 {
      %mul3A_47 = arith.constant 10000 : i32
      %mul3A_48 = arith.muli %arg0, %mul3A_47 : i32
      %add3A = arith.constant 9360 : i32
      %add3A_49 = arith.addi %mul3A_48, %add3A : i32
      "tpu.region"() ({
        %run_scoped3A_50 = tpu.sem_alloc : memref<!tpu.dma_semaphore, #tpu.memory_space<semaphore_mem>>
        %dma_start3A_51 = arith.constant 0 : i32
        %dma_start3A_52 = tpu.memref_slice %arg6[%add3A_49, %dma_start3A_51] : memref<20000x128xf32, #tpu.memory_space<hbm>> -> memref<640x128xf32, #tpu.memory_space<hbm>>
        %dma_start3A_53 = arith.constant 9360 : i32
        %dma_start3A_54 = arith.constant 0 : i32
        %dma_start3A_55 = tpu.memref_slice %arg13[%dma_start3A_53, %dma_start3A_54] : memref<10240x128xf32, #tpu.memory_space<vmem_shared>> -> memref<640x128xf32, #tpu.memory_space<vmem_shared>>
        tpu.enqueue_dma source(%dma_start3A_55 : memref<640x128xf32, #tpu.memory_space<vmem_shared>>) target(%dma_start3A_52 : memref<640x128xf32, #tpu.memory_space<hbm>>) target_semaphore(%run_scoped3A_50 : memref<!tpu.dma_semaphore, #tpu.memory_space<semaphore_mem>>)
        %dma_wait3A = arith.constant 0 : i32
        %dma_wait3A_56 = tpu.memref_slice %arg6[%add3A_49, %dma_wait3A] : memref<20000x128xf32, #tpu.memory_space<hbm>> -> memref<640x128xf32, #tpu.memory_space<hbm>>
        %dma_wait3A_57 = arith.constant 9360 : i32
        %dma_wait3A_58 = arith.constant 0 : i32
        %dma_wait3A_59 = tpu.memref_slice %arg13[%dma_wait3A_57, %dma_wait3A_58] : memref<10240x128xf32, #tpu.memory_space<vmem_shared>> -> memref<640x128xf32, #tpu.memory_space<vmem_shared>>
        tpu.wait_dma2 semaphore(%run_scoped3A_50 : memref<!tpu.dma_semaphore, #tpu.memory_space<semaphore_mem>>) src(%dma_wait3A_59 : memref<640x128xf32, #tpu.memory_space<vmem_shared>>) dst(%dma_wait3A_56 : memref<640x128xf32, #tpu.memory_space<hbm>>)
        tpu.yield
      }) : () -> ()
    } else {
    }
    return
  }
}

#map = affine_map<(d0, d1) -> (0, 0)>
#map1 = affine_map<(d0, d1) -> (0, 0, 0, 0, 0)>
module attributes {stable_mosaic.version = 14 : i64} {
  func.func @_seg_kernel(%arg0: i32, %arg1: i32, %arg2: memref<20000x128xf32, #tpu.memory_space<hbm>>, %arg3: memref<2x16x20x16x64xi32, #tpu.memory_space<hbm>>, %arg4: memref<2x16x20x16x64xi32, #tpu.memory_space<hbm>>, %arg5: memref<640x128xf32, #tpu.memory_space<hbm>>, %arg6: memref<20000x128xf32, #tpu.memory_space<hbm>>, %arg7: memref<2x16x64xi32, #tpu.memory_space<vmem>>, %arg8: memref<2x16x64xi32, #tpu.memory_space<vmem>>, %arg9: memref<64x128xf32, #tpu.memory_space<vmem>>, %arg10: memref<64x128xf32, #tpu.memory_space<vmem>>, %arg11: memref<64x128xf32, #tpu.memory_space<vmem>>, %arg12: memref<64x128xf32, #tpu.memory_space<vmem>>, %arg13: memref<10240x128xf32, #tpu.memory_space<vmem_shared>>, %arg14: memref<!tpu.dma_semaphore, #tpu.memory_space<semaphore_mem>>, %arg15: memref<!tpu.dma_semaphore, #tpu.memory_space<semaphore_mem>>, %arg16: memref<!tpu.dma_semaphore, #tpu.memory_space<semaphore_mem>>, %arg17: memref<!tpu.dma_semaphore, #tpu.memory_space<semaphore_mem>>, %arg18: memref<!tpu.dma_semaphore, #tpu.memory_space<semaphore_mem>>, %arg19: memref<!tpu.dma_semaphore, #tpu.memory_space<semaphore_mem>>) attributes {dimension_semantics = [#tpu.dimension_semantics<core_parallel>, #tpu.dimension_semantics<subcore_parallel>], iteration_bounds = array<i64: 2, 16>, scalar_prefetch = 0 : i64, scratch_operands = 13 : i64, tpu.core_type = #tpu.core_type<sc_vector_subcore>, window_params = [{transform_indices = #map}, {transform_indices = #map1}, {transform_indices = #map1}, {transform_indices = #map}, {transform_indices = #map}]} {
    %mul3A = arith.constant 640 : i32
    %mul3A_0 = arith.muli %arg1, %mul3A : i32
    "tpu.region"() ({
      %run_scoped3A_47 = tpu.sem_alloc : memref<!tpu.dma_semaphore, #tpu.memory_space<semaphore_mem>>
      %dma_start3A_48 = arith.constant 0 : i32
      %dma_start3A_49 = tpu.memref_slice %arg13[%mul3A_0, %dma_start3A_48] : memref<10240x128xf32, #tpu.memory_space<vmem_shared>> -> memref<640x128xf32, #tpu.memory_space<vmem_shared>>
      tpu.enqueue_dma source(%arg5 : memref<640x128xf32, #tpu.memory_space<hbm>>) target(%dma_start3A_49 : memref<640x128xf32, #tpu.memory_space<vmem_shared>>) target_semaphore(%run_scoped3A_47 : memref<!tpu.dma_semaphore, #tpu.memory_space<semaphore_mem>>)
      %dma_wait3A = arith.constant 0 : i32
      %dma_wait3A_50 = tpu.memref_slice %arg13[%mul3A_0, %dma_wait3A] : memref<10240x128xf32, #tpu.memory_space<vmem_shared>> -> memref<640x128xf32, #tpu.memory_space<vmem_shared>>
      tpu.wait_dma2 semaphore(%run_scoped3A_47 : memref<!tpu.dma_semaphore, #tpu.memory_space<semaphore_mem>>) src(%arg5 : memref<640x128xf32, #tpu.memory_space<hbm>>) dst(%dma_wait3A_50 : memref<640x128xf32, #tpu.memory_space<vmem_shared>>)
      tpu.yield
    }) : () -> ()
    %run_scoped3A = arith.constant 0 : i32
    %run_scoped3A_1 = arith.constant 0 : i32
    "tpu.region"() ({
      %run_scoped3A_47 = tpu.sem_alloc : memref<!tpu.dma_semaphore, #tpu.memory_space<semaphore_mem>>
      %dma_start3A_48 = arith.constant 0 : i32
      %dma_start3A_49 = arith.constant 0 : i32
      %dma_start3A_50 = tpu.memref_slice %arg7[%run_scoped3A_1, %dma_start3A_48, %dma_start3A_49] : memref<2x16x64xi32, #tpu.memory_space<vmem>> -> memref<1x16x64xi32, #tpu.memory_space<vmem>>
      %dma_start3A_51 = tpu.memref_squeeze %dma_start3A_50 : memref<1x16x64xi32, #tpu.memory_space<vmem>> -> memref<16x64xi32, #tpu.memory_space<vmem>>
      %dma_start3A_52 = arith.constant 0 : i32
      %dma_start3A_53 = arith.constant 0 : i32
      %dma_start3A_54 = tpu.memref_slice %arg3[%arg0, %arg1, %run_scoped3A, %dma_start3A_52, %dma_start3A_53] : memref<2x16x20x16x64xi32, #tpu.memory_space<hbm>> -> memref<1x1x1x16x64xi32, #tpu.memory_space<hbm>>
      %dma_start3A_55 = tpu.memref_squeeze %dma_start3A_54 : memref<1x1x1x16x64xi32, #tpu.memory_space<hbm>> -> memref<16x64xi32, #tpu.memory_space<hbm>>
      %dma_start3A_56 = arith.constant 0 : i32
      %dma_start3A_57 = arith.constant 0 : i32
      %dma_start3A_58 = tpu.memref_slice %arg7[%run_scoped3A_1, %dma_start3A_56, %dma_start3A_57] : memref<2x16x64xi32, #tpu.memory_space<vmem>> -> memref<1x16x64xi32, #tpu.memory_space<vmem>>
      %dma_start3A_59 = tpu.memref_squeeze %dma_start3A_58 : memref<1x16x64xi32, #tpu.memory_space<vmem>> -> memref<16x64xi32, #tpu.memory_space<vmem>>
      %dma_start3A_60 = arith.constant 0 : i32
      %dma_start3A_61 = arith.constant 0 : i32
      %dma_start3A_62 = tpu.memref_slice %arg3[%arg0, %arg1, %run_scoped3A, %dma_start3A_60, %dma_start3A_61] : memref<2x16x20x16x64xi32, #tpu.memory_space<hbm>> -> memref<1x1x1x16x64xi32, #tpu.memory_space<hbm>>
      %dma_start3A_63 = tpu.memref_squeeze %dma_start3A_62 : memref<1x1x1x16x64xi32, #tpu.memory_space<hbm>> -> memref<16x64xi32, #tpu.memory_space<hbm>>
      tpu.enqueue_dma source(%dma_start3A_63 : memref<16x64xi32, #tpu.memory_space<hbm>>) target(%dma_start3A_59 : memref<16x64xi32, #tpu.memory_space<vmem>>) target_semaphore(%run_scoped3A_47 : memref<!tpu.dma_semaphore, #tpu.memory_space<semaphore_mem>>)
      %dma_wait3A = arith.constant 0 : i32
      %dma_wait3A_64 = arith.constant 0 : i32
      %dma_wait3A_65 = tpu.memref_slice %arg7[%run_scoped3A_1, %dma_wait3A, %dma_wait3A_64] : memref<2x16x64xi32, #tpu.memory_space<vmem>> -> memref<1x16x64xi32, #tpu.memory_space<vmem>>
      %dma_wait3A_66 = tpu.memref_squeeze %dma_wait3A_65 : memref<1x16x64xi32, #tpu.memory_space<vmem>> -> memref<16x64xi32, #tpu.memory_space<vmem>>
      %dma_wait3A_67 = arith.constant 0 : i32
      %dma_wait3A_68 = arith.constant 0 : i32
      %dma_wait3A_69 = tpu.memref_slice %arg3[%arg0, %arg1, %run_scoped3A, %dma_wait3A_67, %dma_wait3A_68] : memref<2x16x20x16x64xi32, #tpu.memory_space<hbm>> -> memref<1x1x1x16x64xi32, #tpu.memory_space<hbm>>
      %dma_wait3A_70 = tpu.memref_squeeze %dma_wait3A_69 : memref<1x1x1x16x64xi32, #tpu.memory_space<hbm>> -> memref<16x64xi32, #tpu.memory_space<hbm>>
      %dma_wait3A_71 = arith.constant 0 : i32
      %dma_wait3A_72 = arith.constant 0 : i32
      %dma_wait3A_73 = tpu.memref_slice %arg7[%run_scoped3A_1, %dma_wait3A_71, %dma_wait3A_72] : memref<2x16x64xi32, #tpu.memory_space<vmem>> -> memref<1x16x64xi32, #tpu.memory_space<vmem>>
      %dma_wait3A_74 = tpu.memref_squeeze %dma_wait3A_73 : memref<1x16x64xi32, #tpu.memory_space<vmem>> -> memref<16x64xi32, #tpu.memory_space<vmem>>
      %dma_wait3A_75 = arith.constant 0 : i32
      %dma_wait3A_76 = arith.constant 0 : i32
      %dma_wait3A_77 = tpu.memref_slice %arg3[%arg0, %arg1, %run_scoped3A, %dma_wait3A_75, %dma_wait3A_76] : memref<2x16x20x16x64xi32, #tpu.memory_space<hbm>> -> memref<1x1x1x16x64xi32, #tpu.memory_space<hbm>>
      %dma_wait3A_78 = tpu.memref_squeeze %dma_wait3A_77 : memref<1x1x1x16x64xi32, #tpu.memory_space<hbm>> -> memref<16x64xi32, #tpu.memory_space<hbm>>
      tpu.wait_dma2 semaphore(%run_scoped3A_47 : memref<!tpu.dma_semaphore, #tpu.memory_space<semaphore_mem>>) src(%dma_wait3A_78 : memref<16x64xi32, #tpu.memory_space<hbm>>) dst(%dma_wait3A_74 : memref<16x64xi32, #tpu.memory_space<vmem>>)
      tpu.yield
    }) : () -> ()
    %run_scoped3A_2 = arith.constant 0 : i32
    %run_scoped3A_3 = arith.constant 0 : i32
    "tpu.region"() ({
      %run_scoped3A_47 = tpu.sem_alloc : memref<!tpu.dma_semaphore, #tpu.memory_space<semaphore_mem>>
      %dma_start3A_48 = arith.constant 0 : i32
      %dma_start3A_49 = arith.constant 0 : i32
      %dma_start3A_50 = tpu.memref_slice %arg8[%run_scoped3A_3, %dma_start3A_48, %dma_start3A_49] : memref<2x16x64xi32, #tpu.memory_space<vmem>> -> memref<1x16x64xi32, #tpu.memory_space<vmem>>
      %dma_start3A_51 = tpu.memref_squeeze %dma_start3A_50 : memref<1x16x64xi32, #tpu.memory_space<vmem>> -> memref<16x64xi32, #tpu.memory_space<vmem>>
      %dma_start3A_52 = arith.constant 0 : i32
      %dma_start3A_53 = arith.constant 0 : i32
      %dma_start3A_54 = tpu.memref_slice %arg4[%arg0, %arg1, %run_scoped3A_2, %dma_start3A_52, %dma_start3A_53] : memref<2x16x20x16x64xi32, #tpu.memory_space<hbm>> -> memref<1x1x1x16x64xi32, #tpu.memory_space<hbm>>
      %dma_start3A_55 = tpu.memref_squeeze %dma_start3A_54 : memref<1x1x1x16x64xi32, #tpu.memory_space<hbm>> -> memref<16x64xi32, #tpu.memory_space<hbm>>
      %dma_start3A_56 = arith.constant 0 : i32
      %dma_start3A_57 = arith.constant 0 : i32
      %dma_start3A_58 = tpu.memref_slice %arg8[%run_scoped3A_3, %dma_start3A_56, %dma_start3A_57] : memref<2x16x64xi32, #tpu.memory_space<vmem>> -> memref<1x16x64xi32, #tpu.memory_space<vmem>>
      %dma_start3A_59 = tpu.memref_squeeze %dma_start3A_58 : memref<1x16x64xi32, #tpu.memory_space<vmem>> -> memref<16x64xi32, #tpu.memory_space<vmem>>
      %dma_start3A_60 = arith.constant 0 : i32
      %dma_start3A_61 = arith.constant 0 : i32
      %dma_start3A_62 = tpu.memref_slice %arg4[%arg0, %arg1, %run_scoped3A_2, %dma_start3A_60, %dma_start3A_61] : memref<2x16x20x16x64xi32, #tpu.memory_space<hbm>> -> memref<1x1x1x16x64xi32, #tpu.memory_space<hbm>>
      %dma_start3A_63 = tpu.memref_squeeze %dma_start3A_62 : memref<1x1x1x16x64xi32, #tpu.memory_space<hbm>> -> memref<16x64xi32, #tpu.memory_space<hbm>>
      tpu.enqueue_dma source(%dma_start3A_63 : memref<16x64xi32, #tpu.memory_space<hbm>>) target(%dma_start3A_59 : memref<16x64xi32, #tpu.memory_space<vmem>>) target_semaphore(%run_scoped3A_47 : memref<!tpu.dma_semaphore, #tpu.memory_space<semaphore_mem>>)
      %dma_wait3A = arith.constant 0 : i32
      %dma_wait3A_64 = arith.constant 0 : i32
      %dma_wait3A_65 = tpu.memref_slice %arg8[%run_scoped3A_3, %dma_wait3A, %dma_wait3A_64] : memref<2x16x64xi32, #tpu.memory_space<vmem>> -> memref<1x16x64xi32, #tpu.memory_space<vmem>>
      %dma_wait3A_66 = tpu.memref_squeeze %dma_wait3A_65 : memref<1x16x64xi32, #tpu.memory_space<vmem>> -> memref<16x64xi32, #tpu.memory_space<vmem>>
      %dma_wait3A_67 = arith.constant 0 : i32
      %dma_wait3A_68 = arith.constant 0 : i32
      %dma_wait3A_69 = tpu.memref_slice %arg4[%arg0, %arg1, %run_scoped3A_2, %dma_wait3A_67, %dma_wait3A_68] : memref<2x16x20x16x64xi32, #tpu.memory_space<hbm>> -> memref<1x1x1x16x64xi32, #tpu.memory_space<hbm>>
      %dma_wait3A_70 = tpu.memref_squeeze %dma_wait3A_69 : memref<1x1x1x16x64xi32, #tpu.memory_space<hbm>> -> memref<16x64xi32, #tpu.memory_space<hbm>>
      %dma_wait3A_71 = arith.constant 0 : i32
      %dma_wait3A_72 = arith.constant 0 : i32
      %dma_wait3A_73 = tpu.memref_slice %arg8[%run_scoped3A_3, %dma_wait3A_71, %dma_wait3A_72] : memref<2x16x64xi32, #tpu.memory_space<vmem>> -> memref<1x16x64xi32, #tpu.memory_space<vmem>>
      %dma_wait3A_74 = tpu.memref_squeeze %dma_wait3A_73 : memref<1x16x64xi32, #tpu.memory_space<vmem>> -> memref<16x64xi32, #tpu.memory_space<vmem>>
      %dma_wait3A_75 = arith.constant 0 : i32
      %dma_wait3A_76 = arith.constant 0 : i32
      %dma_wait3A_77 = tpu.memref_slice %arg4[%arg0, %arg1, %run_scoped3A_2, %dma_wait3A_75, %dma_wait3A_76] : memref<2x16x20x16x64xi32, #tpu.memory_space<hbm>> -> memref<1x1x1x16x64xi32, #tpu.memory_space<hbm>>
      %dma_wait3A_78 = tpu.memref_squeeze %dma_wait3A_77 : memref<1x1x1x16x64xi32, #tpu.memory_space<hbm>> -> memref<16x64xi32, #tpu.memory_space<hbm>>
      tpu.wait_dma2 semaphore(%run_scoped3A_47 : memref<!tpu.dma_semaphore, #tpu.memory_space<semaphore_mem>>) src(%dma_wait3A_78 : memref<16x64xi32, #tpu.memory_space<hbm>>) dst(%dma_wait3A_74 : memref<16x64xi32, #tpu.memory_space<vmem>>)
      tpu.yield
    }) : () -> ()
    %barrier3A = arith.constant 0 : index
    tpu.barrier barrier_id(%barrier3A)
    %dma_start3A = arith.constant 0 : i32
    %dma_start3A_4 = arith.constant 0 : i32
    %dma_start3A_5 = arith.constant 0 : i32
    %dma_start3A_6 = tpu.memref_slice %arg7[%dma_start3A, %dma_start3A_4, %dma_start3A_5] : memref<2x16x64xi32, #tpu.memory_space<vmem>> -> memref<1x1x64xi32, #tpu.memory_space<vmem>>
    %dma_start3A_7 = tpu.memref_squeeze %dma_start3A_6 : memref<1x1x64xi32, #tpu.memory_space<vmem>> -> memref<64xi32, #tpu.memory_space<vmem>>
    %dma_start3A_8 = arith.constant 0 : i32
    %dma_start3A_9 = arith.constant 0 : i32
    %dma_start3A_10 = tpu.memref_slice %arg2[%dma_start3A_8, %dma_start3A_9] : memref<20000x128xf32, #tpu.memory_space<hbm>> -> memref<20000x128xf32, #tpu.memory_space<hbm>>
    tpu.enqueue_indirect_dma source(%dma_start3A_10 : memref<20000x128xf32, #tpu.memory_space<hbm>>) target(%arg9 : memref<64x128xf32, #tpu.memory_space<vmem>>) offsets(%dma_start3A_7 : memref<64xi32, #tpu.memory_space<vmem>>) semaphore(%arg14 : memref<!tpu.dma_semaphore, #tpu.memory_space<semaphore_mem>>)
    %dma_start3A_11 = arith.constant 0 : i32
    %dma_start3A_12 = arith.constant 1 : i32
    %dma_start3A_13 = arith.constant 0 : i32
    %dma_start3A_14 = tpu.memref_slice %arg7[%dma_start3A_11, %dma_start3A_12, %dma_start3A_13] : memref<2x16x64xi32, #tpu.memory_space<vmem>> -> memref<1x1x64xi32, #tpu.memory_space<vmem>>
    %dma_start3A_15 = tpu.memref_squeeze %dma_start3A_14 : memref<1x1x64xi32, #tpu.memory_space<vmem>> -> memref<64xi32, #tpu.memory_space<vmem>>
    %dma_start3A_16 = arith.constant 0 : i32
    %dma_start3A_17 = arith.constant 0 : i32
    %dma_start3A_18 = tpu.memref_slice %arg2[%dma_start3A_16, %dma_start3A_17] : memref<20000x128xf32, #tpu.memory_space<hbm>> -> memref<20000x128xf32, #tpu.memory_space<hbm>>
    tpu.enqueue_indirect_dma source(%dma_start3A_18 : memref<20000x128xf32, #tpu.memory_space<hbm>>) target(%arg10 : memref<64x128xf32, #tpu.memory_space<vmem>>) offsets(%dma_start3A_15 : memref<64xi32, #tpu.memory_space<vmem>>) semaphore(%arg15 : memref<!tpu.dma_semaphore, #tpu.memory_space<semaphore_mem>>)
    %dma_start3A_19 = arith.constant 0 : i32
    %dma_start3A_20 = arith.constant 2 : i32
    %dma_start3A_21 = arith.constant 0 : i32
    %dma_start3A_22 = tpu.memref_slice %arg7[%dma_start3A_19, %dma_start3A_20, %dma_start3A_21] : memref<2x16x64xi32, #tpu.memory_space<vmem>> -> memref<1x1x64xi32, #tpu.memory_space<vmem>>
    %dma_start3A_23 = tpu.memref_squeeze %dma_start3A_22 : memref<1x1x64xi32, #tpu.memory_space<vmem>> -> memref<64xi32, #tpu.memory_space<vmem>>
    %dma_start3A_24 = arith.constant 0 : i32
    %dma_start3A_25 = arith.constant 0 : i32
    %dma_start3A_26 = tpu.memref_slice %arg2[%dma_start3A_24, %dma_start3A_25] : memref<20000x128xf32, #tpu.memory_space<hbm>> -> memref<20000x128xf32, #tpu.memory_space<hbm>>
    tpu.enqueue_indirect_dma source(%dma_start3A_26 : memref<20000x128xf32, #tpu.memory_space<hbm>>) target(%arg11 : memref<64x128xf32, #tpu.memory_space<vmem>>) offsets(%dma_start3A_23 : memref<64xi32, #tpu.memory_space<vmem>>) semaphore(%arg16 : memref<!tpu.dma_semaphore, #tpu.memory_space<semaphore_mem>>)
    %dma_start3A_27 = arith.constant 0 : i32
    %dma_start3A_28 = arith.constant 3 : i32
    %dma_start3A_29 = arith.constant 0 : i32
    %dma_start3A_30 = tpu.memref_slice %arg7[%dma_start3A_27, %dma_start3A_28, %dma_start3A_29] : memref<2x16x64xi32, #tpu.memory_space<vmem>> -> memref<1x1x64xi32, #tpu.memory_space<vmem>>
    %dma_start3A_31 = tpu.memref_squeeze %dma_start3A_30 : memref<1x1x64xi32, #tpu.memory_space<vmem>> -> memref<64xi32, #tpu.memory_space<vmem>>
    %dma_start3A_32 = arith.constant 0 : i32
    %dma_start3A_33 = arith.constant 0 : i32
    %dma_start3A_34 = tpu.memref_slice %arg2[%dma_start3A_32, %dma_start3A_33] : memref<20000x128xf32, #tpu.memory_space<hbm>> -> memref<20000x128xf32, #tpu.memory_space<hbm>>
    tpu.enqueue_indirect_dma source(%dma_start3A_34 : memref<20000x128xf32, #tpu.memory_space<hbm>>) target(%arg12 : memref<64x128xf32, #tpu.memory_space<vmem>>) offsets(%dma_start3A_31 : memref<64xi32, #tpu.memory_space<vmem>>) semaphore(%arg17 : memref<!tpu.dma_semaphore, #tpu.memory_space<semaphore_mem>>)
    %scan3A = arith.constant 0 : i32
    %scan3A_35 = arith.constant 0 : i32
    %scan3A_36 = arith.constant 20 : i32
    %scan3A_37 = arith.addi %scan3A_35, %scan3A_36 : i32
    %scan3A_38 = arith.constant 1 : i32
    scf.for %scan3A_47 = %scan3A_35 to %scan3A_37 step %scan3A_38  : i32 {
      %rem3A = arith.constant 2 : i32
      %rem3A_48 = arith.remsi %scan3A_47, %rem3A : i32
      %add3A = arith.constant 1 : i32
      %add3A_49 = arith.addi %scan3A_47, %add3A : i32
      %lt3A_50 = arith.constant 20 : i32
      %lt3A_51 = arith.cmpi slt, %add3A_49, %lt3A_50 : i32
      %convert_element_type3A_52 = arith.extui %lt3A_51 : i1 to i32
      %cond3A_53 = arith.constant 0 : i32
      %cond3A_54 = arith.cmpi ne, %convert_element_type3A_52, %cond3A_53 : i32
      scf.if %cond3A_54 {
        %add3A_294 = arith.constant 1 : i32
        %add3A_295 = arith.addi %scan3A_47, %add3A_294 : i32
        %sub3A = arith.constant 1 : i32
        %sub3A_296 = arith.subi %sub3A, %rem3A_48 : i32
        %dma_start3A_297 = arith.constant 0 : i32
        %dma_start3A_298 = arith.constant 0 : i32
        %dma_start3A_299 = tpu.memref_slice %arg7[%sub3A_296, %dma_start3A_297, %dma_start3A_298] : memref<2x16x64xi32, #tpu.memory_space<vmem>> -> memref<1x16x64xi32, #tpu.memory_space<vmem>>
        %dma_start3A_300 = tpu.memref_squeeze %dma_start3A_299 : memref<1x16x64xi32, #tpu.memory_space<vmem>> -> memref<16x64xi32, #tpu.memory_space<vmem>>
        %dma_start3A_301 = arith.constant 0 : i32
        %dma_start3A_302 = arith.constant 0 : i32
        %dma_start3A_303 = tpu.memref_slice %arg3[%arg0, %arg1, %add3A_295, %dma_start3A_301, %dma_start3A_302] : memref<2x16x20x16x64xi32, #tpu.memory_space<hbm>> -> memref<1x1x1x16x64xi32, #tpu.memory_space<hbm>>
        %dma_start3A_304 = tpu.memref_squeeze %dma_start3A_303 : memref<1x1x1x16x64xi32, #tpu.memory_space<hbm>> -> memref<16x64xi32, #tpu.memory_space<hbm>>
        %dma_start3A_305 = arith.constant 0 : i32
        %dma_start3A_306 = arith.constant 0 : i32
        %dma_start3A_307 = tpu.memref_slice %arg7[%sub3A_296, %dma_start3A_305, %dma_start3A_306] : memref<2x16x64xi32, #tpu.memory_space<vmem>> -> memref<1x16x64xi32, #tpu.memory_space<vmem>>
        %dma_start3A_308 = tpu.memref_squeeze %dma_start3A_307 : memref<1x16x64xi32, #tpu.memory_space<vmem>> -> memref<16x64xi32, #tpu.memory_space<vmem>>
        %dma_start3A_309 = arith.constant 0 : i32
        %dma_start3A_310 = arith.constant 0 : i32
        %dma_start3A_311 = tpu.memref_slice %arg3[%arg0, %arg1, %add3A_295, %dma_start3A_309, %dma_start3A_310] : memref<2x16x20x16x64xi32, #tpu.memory_space<hbm>> -> memref<1x1x1x16x64xi32, #tpu.memory_space<hbm>>
        %dma_start3A_312 = tpu.memref_squeeze %dma_start3A_311 : memref<1x1x1x16x64xi32, #tpu.memory_space<hbm>> -> memref<16x64xi32, #tpu.memory_space<hbm>>
        tpu.enqueue_dma source(%dma_start3A_312 : memref<16x64xi32, #tpu.memory_space<hbm>>) target(%dma_start3A_308 : memref<16x64xi32, #tpu.memory_space<vmem>>) target_semaphore(%arg18 : memref<!tpu.dma_semaphore, #tpu.memory_space<semaphore_mem>>)
        %add3A_313 = arith.constant 1 : i32
        %add3A_314 = arith.addi %scan3A_47, %add3A_313 : i32
        %sub3A_315 = arith.constant 1 : i32
        %sub3A_316 = arith.subi %sub3A_315, %rem3A_48 : i32
        %dma_start3A_317 = arith.constant 0 : i32
        %dma_start3A_318 = arith.constant 0 : i32
        %dma_start3A_319 = tpu.memref_slice %arg8[%sub3A_316, %dma_start3A_317, %dma_start3A_318] : memref<2x16x64xi32, #tpu.memory_space<vmem>> -> memref<1x16x64xi32, #tpu.memory_space<vmem>>
        %dma_start3A_320 = tpu.memref_squeeze %dma_start3A_319 : memref<1x16x64xi32, #tpu.memory_space<vmem>> -> memref<16x64xi32, #tpu.memory_space<vmem>>
        %dma_start3A_321 = arith.constant 0 : i32
        %dma_start3A_322 = arith.constant 0 : i32
        %dma_start3A_323 = tpu.memref_slice %arg4[%arg0, %arg1, %add3A_314, %dma_start3A_321, %dma_start3A_322] : memref<2x16x20x16x64xi32, #tpu.memory_space<hbm>> -> memref<1x1x1x16x64xi32, #tpu.memory_space<hbm>>
        %dma_start3A_324 = tpu.memref_squeeze %dma_start3A_323 : memref<1x1x1x16x64xi32, #tpu.memory_space<hbm>> -> memref<16x64xi32, #tpu.memory_space<hbm>>
        %dma_start3A_325 = arith.constant 0 : i32
        %dma_start3A_326 = arith.constant 0 : i32
        %dma_start3A_327 = tpu.memref_slice %arg8[%sub3A_316, %dma_start3A_325, %dma_start3A_326] : memref<2x16x64xi32, #tpu.memory_space<vmem>> -> memref<1x16x64xi32, #tpu.memory_space<vmem>>
        %dma_start3A_328 = tpu.memref_squeeze %dma_start3A_327 : memref<1x16x64xi32, #tpu.memory_space<vmem>> -> memref<16x64xi32, #tpu.memory_space<vmem>>
        %dma_start3A_329 = arith.constant 0 : i32
        %dma_start3A_330 = arith.constant 0 : i32
        %dma_start3A_331 = tpu.memref_slice %arg4[%arg0, %arg1, %add3A_314, %dma_start3A_329, %dma_start3A_330] : memref<2x16x20x16x64xi32, #tpu.memory_space<hbm>> -> memref<1x1x1x16x64xi32, #tpu.memory_space<hbm>>
        %dma_start3A_332 = tpu.memref_squeeze %dma_start3A_331 : memref<1x1x1x16x64xi32, #tpu.memory_space<hbm>> -> memref<16x64xi32, #tpu.memory_space<hbm>>
        tpu.enqueue_dma source(%dma_start3A_332 : memref<16x64xi32, #tpu.memory_space<hbm>>) target(%dma_start3A_328 : memref<16x64xi32, #tpu.memory_space<vmem>>) target_semaphore(%arg19 : memref<!tpu.dma_semaphore, #tpu.memory_space<semaphore_mem>>)
      } else {
      }
      %dma_wait3A = arith.constant 0 : i32
      %dma_wait3A_55 = arith.constant 0 : i32
      %dma_wait3A_56 = tpu.memref_slice %arg7[%rem3A_48, %dma_wait3A, %dma_wait3A_55] : memref<2x16x64xi32, #tpu.memory_space<vmem>> -> memref<1x1x64xi32, #tpu.memory_space<vmem>>
      %dma_wait3A_57 = tpu.memref_squeeze %dma_wait3A_56 : memref<1x1x64xi32, #tpu.memory_space<vmem>> -> memref<64xi32, #tpu.memory_space<vmem>>
      %dma_wait3A_58 = arith.constant 0 : i32
      %dma_wait3A_59 = arith.constant 0 : i32
      %dma_wait3A_60 = tpu.memref_slice %arg2[%dma_wait3A_58, %dma_wait3A_59] : memref<20000x128xf32, #tpu.memory_space<hbm>> -> memref<20000x128xf32, #tpu.memory_space<hbm>>
      tpu.wait_indirect_dma semaphore(%arg14 : memref<!tpu.dma_semaphore, #tpu.memory_space<semaphore_mem>>) src(%dma_wait3A_60 : memref<20000x128xf32, #tpu.memory_space<hbm>>) dst(%arg9 : memref<64x128xf32, #tpu.memory_space<vmem>>)
      %run_scoped3A_61 = arith.constant 0 : i32
      "tpu.region"() ({
        %run_scoped3A_294 = tpu.sem_alloc : memref<!tpu.dma_semaphore, #tpu.memory_space<semaphore_mem>>
        %dma_start3A_295 = arith.constant 0 : i32
        %dma_start3A_296 = tpu.memref_slice %arg8[%rem3A_48, %run_scoped3A_61, %dma_start3A_295] : memref<2x16x64xi32, #tpu.memory_space<vmem>> -> memref<1x1x64xi32, #tpu.memory_space<vmem>>
        %dma_start3A_297 = tpu.memref_squeeze %dma_start3A_296 : memref<1x1x64xi32, #tpu.memory_space<vmem>> -> memref<64xi32, #tpu.memory_space<vmem>>
        %dma_start3A_298 = arith.constant 0 : i32
        %dma_start3A_299 = arith.constant 0 : i32
        %dma_start3A_300 = tpu.memref_slice %arg13[%dma_start3A_298, %dma_start3A_299] : memref<10240x128xf32, #tpu.memory_space<vmem_shared>> -> memref<10240x128xf32, #tpu.memory_space<vmem_shared>>
        tpu.enqueue_indirect_dma source(%arg9 : memref<64x128xf32, #tpu.memory_space<vmem>>) target(%dma_start3A_300 : memref<10240x128xf32, #tpu.memory_space<vmem_shared>>) offsets(%dma_start3A_297 : memref<64xi32, #tpu.memory_space<vmem>>) semaphore(%run_scoped3A_294 : memref<!tpu.dma_semaphore, #tpu.memory_space<semaphore_mem>>) {add = true}
        %dma_wait3A_301 = arith.constant 0 : i32
        %dma_wait3A_302 = tpu.memref_slice %arg8[%rem3A_48, %run_scoped3A_61, %dma_wait3A_301] : memref<2x16x64xi32, #tpu.memory_space<vmem>> -> memref<1x1x64xi32, #tpu.memory_space<vmem>>
        %dma_wait3A_303 = tpu.memref_squeeze %dma_wait3A_302 : memref<1x1x64xi32, #tpu.memory_space<vmem>> -> memref<64xi32, #tpu.memory_space<vmem>>
        %dma_wait3A_304 = arith.constant 0 : i32
        %dma_wait3A_305 = arith.constant 0 : i32
        %dma_wait3A_306 = tpu.memref_slice %arg13[%dma_wait3A_304, %dma_wait3A_305] : memref<10240x128xf32, #tpu.memory_space<vmem_shared>> -> memref<10240x128xf32, #tpu.memory_space<vmem_shared>>
        tpu.wait_indirect_dma semaphore(%run_scoped3A_294 : memref<!tpu.dma_semaphore, #tpu.memory_space<semaphore_mem>>) src(%arg9 : memref<64x128xf32, #tpu.memory_space<vmem>>) dst(%dma_wait3A_306 : memref<10240x128xf32, #tpu.memory_space<vmem_shared>>)
        tpu.yield
      }) : () -> ()
      %dma_start3A_62 = arith.constant 4 : i32
      %dma_start3A_63 = arith.constant 0 : i32
      %dma_start3A_64 = tpu.memref_slice %arg7[%rem3A_48, %dma_start3A_62, %dma_start3A_63] : memref<2x16x64xi32, #tpu.memory_space<vmem>> -> memref<1x1x64xi32, #tpu.memory_space<vmem>>
      %dma_start3A_65 = tpu.memref_squeeze %dma_start3A_64 : memref<1x1x64xi32, #tpu.memory_space<vmem>> -> memref<64xi32, #tpu.memory_space<vmem>>
      %dma_start3A_66 = arith.constant 0 : i32
      %dma_start3A_67 = arith.constant 0 : i32
      %dma_start3A_68 = tpu.memref_slice %arg2[%dma_start3A_66, %dma_start3A_67] : memref<20000x128xf32, #tpu.memory_space<hbm>> -> memref<20000x128xf32, #tpu.memory_space<hbm>>
      tpu.enqueue_indirect_dma source(%dma_start3A_68 : memref<20000x128xf32, #tpu.memory_space<hbm>>) target(%arg9 : memref<64x128xf32, #tpu.memory_space<vmem>>) offsets(%dma_start3A_65 : memref<64xi32, #tpu.memory_space<vmem>>) semaphore(%arg14 : memref<!tpu.dma_semaphore, #tpu.memory_space<semaphore_mem>>)
      %dma_wait3A_69 = arith.constant 1 : i32
      %dma_wait3A_70 = arith.constant 0 : i32
      %dma_wait3A_71 = tpu.memref_slice %arg7[%rem3A_48, %dma_wait3A_69, %dma_wait3A_70] : memref<2x16x64xi32, #tpu.memory_space<vmem>> -> memref<1x1x64xi32, #tpu.memory_space<vmem>>
      %dma_wait3A_72 = tpu.memref_squeeze %dma_wait3A_71 : memref<1x1x64xi32, #tpu.memory_space<vmem>> -> memref<64xi32, #tpu.memory_space<vmem>>
      %dma_wait3A_73 = arith.constant 0 : i32
      %dma_wait3A_74 = arith.constant 0 : i32
      %dma_wait3A_75 = tpu.memref_slice %arg2[%dma_wait3A_73, %dma_wait3A_74] : memref<20000x128xf32, #tpu.memory_space<hbm>> -> memref<20000x128xf32, #tpu.memory_space<hbm>>
      tpu.wait_indirect_dma semaphore(%arg15 : memref<!tpu.dma_semaphore, #tpu.memory_space<semaphore_mem>>) src(%dma_wait3A_75 : memref<20000x128xf32, #tpu.memory_space<hbm>>) dst(%arg10 : memref<64x128xf32, #tpu.memory_space<vmem>>)
      %run_scoped3A_76 = arith.constant 1 : i32
      "tpu.region"() ({
        %run_scoped3A_294 = tpu.sem_alloc : memref<!tpu.dma_semaphore, #tpu.memory_space<semaphore_mem>>
        %dma_start3A_295 = arith.constant 0 : i32
        %dma_start3A_296 = tpu.memref_slice %arg8[%rem3A_48, %run_scoped3A_76, %dma_start3A_295] : memref<2x16x64xi32, #tpu.memory_space<vmem>> -> memref<1x1x64xi32, #tpu.memory_space<vmem>>
        %dma_start3A_297 = tpu.memref_squeeze %dma_start3A_296 : memref<1x1x64xi32, #tpu.memory_space<vmem>> -> memref<64xi32, #tpu.memory_space<vmem>>
        %dma_start3A_298 = arith.constant 0 : i32
        %dma_start3A_299 = arith.constant 0 : i32
        %dma_start3A_300 = tpu.memref_slice %arg13[%dma_start3A_298, %dma_start3A_299] : memref<10240x128xf32, #tpu.memory_space<vmem_shared>> -> memref<10240x128xf32, #tpu.memory_space<vmem_shared>>
        tpu.enqueue_indirect_dma source(%arg10 : memref<64x128xf32, #tpu.memory_space<vmem>>) target(%dma_start3A_300 : memref<10240x128xf32, #tpu.memory_space<vmem_shared>>) offsets(%dma_start3A_297 : memref<64xi32, #tpu.memory_space<vmem>>) semaphore(%run_scoped3A_294 : memref<!tpu.dma_semaphore, #tpu.memory_space<semaphore_mem>>) {add = true}
        %dma_wait3A_301 = arith.constant 0 : i32
        %dma_wait3A_302 = tpu.memref_slice %arg8[%rem3A_48, %run_scoped3A_76, %dma_wait3A_301] : memref<2x16x64xi32, #tpu.memory_space<vmem>> -> memref<1x1x64xi32, #tpu.memory_space<vmem>>
        %dma_wait3A_303 = tpu.memref_squeeze %dma_wait3A_302 : memref<1x1x64xi32, #tpu.memory_space<vmem>> -> memref<64xi32, #tpu.memory_space<vmem>>
        %dma_wait3A_304 = arith.constant 0 : i32
        %dma_wait3A_305 = arith.constant 0 : i32
        %dma_wait3A_306 = tpu.memref_slice %arg13[%dma_wait3A_304, %dma_wait3A_305] : memref<10240x128xf32, #tpu.memory_space<vmem_shared>> -> memref<10240x128xf32, #tpu.memory_space<vmem_shared>>
        tpu.wait_indirect_dma semaphore(%run_scoped3A_294 : memref<!tpu.dma_semaphore, #tpu.memory_space<semaphore_mem>>) src(%arg10 : memref<64x128xf32, #tpu.memory_space<vmem>>) dst(%dma_wait3A_306 : memref<10240x128xf32, #tpu.memory_space<vmem_shared>>)
        tpu.yield
      }) : () -> ()
      %dma_start3A_77 = arith.constant 5 : i32
      %dma_start3A_78 = arith.constant 0 : i32
      %dma_start3A_79 = tpu.memref_slice %arg7[%rem3A_48, %dma_start3A_77, %dma_start3A_78] : memref<2x16x64xi32, #tpu.memory_space<vmem>> -> memref<1x1x64xi32, #tpu.memory_space<vmem>>
      %dma_start3A_80 = tpu.memref_squeeze %dma_start3A_79 : memref<1x1x64xi32, #tpu.memory_space<vmem>> -> memref<64xi32, #tpu.memory_space<vmem>>
      %dma_start3A_81 = arith.constant 0 : i32
      %dma_start3A_82 = arith.constant 0 : i32
      %dma_start3A_83 = tpu.memref_slice %arg2[%dma_start3A_81, %dma_start3A_82] : memref<20000x128xf32, #tpu.memory_space<hbm>> -> memref<20000x128xf32, #tpu.memory_space<hbm>>
      tpu.enqueue_indirect_dma source(%dma_start3A_83 : memref<20000x128xf32, #tpu.memory_space<hbm>>) target(%arg10 : memref<64x128xf32, #tpu.memory_space<vmem>>) offsets(%dma_start3A_80 : memref<64xi32, #tpu.memory_space<vmem>>) semaphore(%arg15 : memref<!tpu.dma_semaphore, #tpu.memory_space<semaphore_mem>>)
      %dma_wait3A_84 = arith.constant 2 : i32
      %dma_wait3A_85 = arith.constant 0 : i32
      %dma_wait3A_86 = tpu.memref_slice %arg7[%rem3A_48, %dma_wait3A_84, %dma_wait3A_85] : memref<2x16x64xi32, #tpu.memory_space<vmem>> -> memref<1x1x64xi32, #tpu.memory_space<vmem>>
      %dma_wait3A_87 = tpu.memref_squeeze %dma_wait3A_86 : memref<1x1x64xi32, #tpu.memory_space<vmem>> -> memref<64xi32, #tpu.memory_space<vmem>>
      %dma_wait3A_88 = arith.constant 0 : i32
      %dma_wait3A_89 = arith.constant 0 : i32
      %dma_wait3A_90 = tpu.memref_slice %arg2[%dma_wait3A_88, %dma_wait3A_89] : memref<20000x128xf32, #tpu.memory_space<hbm>> -> memref<20000x128xf32, #tpu.memory_space<hbm>>
      tpu.wait_indirect_dma semaphore(%arg16 : memref<!tpu.dma_semaphore, #tpu.memory_space<semaphore_mem>>) src(%dma_wait3A_90 : memref<20000x128xf32, #tpu.memory_space<hbm>>) dst(%arg11 : memref<64x128xf32, #tpu.memory_space<vmem>>)
      %run_scoped3A_91 = arith.constant 2 : i32
      "tpu.region"() ({
        %run_scoped3A_294 = tpu.sem_alloc : memref<!tpu.dma_semaphore, #tpu.memory_space<semaphore_mem>>
        %dma_start3A_295 = arith.constant 0 : i32
        %dma_start3A_296 = tpu.memref_slice %arg8[%rem3A_48, %run_scoped3A_91, %dma_start3A_295] : memref<2x16x64xi32, #tpu.memory_space<vmem>> -> memref<1x1x64xi32, #tpu.memory_space<vmem>>
        %dma_start3A_297 = tpu.memref_squeeze %dma_start3A_296 : memref<1x1x64xi32, #tpu.memory_space<vmem>> -> memref<64xi32, #tpu.memory_space<vmem>>
        %dma_start3A_298 = arith.constant 0 : i32
        %dma_start3A_299 = arith.constant 0 : i32
        %dma_start3A_300 = tpu.memref_slice %arg13[%dma_start3A_298, %dma_start3A_299] : memref<10240x128xf32, #tpu.memory_space<vmem_shared>> -> memref<10240x128xf32, #tpu.memory_space<vmem_shared>>
        tpu.enqueue_indirect_dma source(%arg11 : memref<64x128xf32, #tpu.memory_space<vmem>>) target(%dma_start3A_300 : memref<10240x128xf32, #tpu.memory_space<vmem_shared>>) offsets(%dma_start3A_297 : memref<64xi32, #tpu.memory_space<vmem>>) semaphore(%run_scoped3A_294 : memref<!tpu.dma_semaphore, #tpu.memory_space<semaphore_mem>>) {add = true}
        %dma_wait3A_301 = arith.constant 0 : i32
        %dma_wait3A_302 = tpu.memref_slice %arg8[%rem3A_48, %run_scoped3A_91, %dma_wait3A_301] : memref<2x16x64xi32, #tpu.memory_space<vmem>> -> memref<1x1x64xi32, #tpu.memory_space<vmem>>
        %dma_wait3A_303 = tpu.memref_squeeze %dma_wait3A_302 : memref<1x1x64xi32, #tpu.memory_space<vmem>> -> memref<64xi32, #tpu.memory_space<vmem>>
        %dma_wait3A_304 = arith.constant 0 : i32
        %dma_wait3A_305 = arith.constant 0 : i32
        %dma_wait3A_306 = tpu.memref_slice %arg13[%dma_wait3A_304, %dma_wait3A_305] : memref<10240x128xf32, #tpu.memory_space<vmem_shared>> -> memref<10240x128xf32, #tpu.memory_space<vmem_shared>>
        tpu.wait_indirect_dma semaphore(%run_scoped3A_294 : memref<!tpu.dma_semaphore, #tpu.memory_space<semaphore_mem>>) src(%arg11 : memref<64x128xf32, #tpu.memory_space<vmem>>) dst(%dma_wait3A_306 : memref<10240x128xf32, #tpu.memory_space<vmem_shared>>)
        tpu.yield
      }) : () -> ()
      %dma_start3A_92 = arith.constant 6 : i32
      %dma_start3A_93 = arith.constant 0 : i32
      %dma_start3A_94 = tpu.memref_slice %arg7[%rem3A_48, %dma_start3A_92, %dma_start3A_93] : memref<2x16x64xi32, #tpu.memory_space<vmem>> -> memref<1x1x64xi32, #tpu.memory_space<vmem>>
      %dma_start3A_95 = tpu.memref_squeeze %dma_start3A_94 : memref<1x1x64xi32, #tpu.memory_space<vmem>> -> memref<64xi32, #tpu.memory_space<vmem>>
      %dma_start3A_96 = arith.constant 0 : i32
      %dma_start3A_97 = arith.constant 0 : i32
      %dma_start3A_98 = tpu.memref_slice %arg2[%dma_start3A_96, %dma_start3A_97] : memref<20000x128xf32, #tpu.memory_space<hbm>> -> memref<20000x128xf32, #tpu.memory_space<hbm>>
      tpu.enqueue_indirect_dma source(%dma_start3A_98 : memref<20000x128xf32, #tpu.memory_space<hbm>>) target(%arg11 : memref<64x128xf32, #tpu.memory_space<vmem>>) offsets(%dma_start3A_95 : memref<64xi32, #tpu.memory_space<vmem>>) semaphore(%arg16 : memref<!tpu.dma_semaphore, #tpu.memory_space<semaphore_mem>>)
      %dma_wait3A_99 = arith.constant 3 : i32
      %dma_wait3A_100 = arith.constant 0 : i32
      %dma_wait3A_101 = tpu.memref_slice %arg7[%rem3A_48, %dma_wait3A_99, %dma_wait3A_100] : memref<2x16x64xi32, #tpu.memory_space<vmem>> -> memref<1x1x64xi32, #tpu.memory_space<vmem>>
      %dma_wait3A_102 = tpu.memref_squeeze %dma_wait3A_101 : memref<1x1x64xi32, #tpu.memory_space<vmem>> -> memref<64xi32, #tpu.memory_space<vmem>>
      %dma_wait3A_103 = arith.constant 0 : i32
      %dma_wait3A_104 = arith.constant 0 : i32
      %dma_wait3A_105 = tpu.memref_slice %arg2[%dma_wait3A_103, %dma_wait3A_104] : memref<20000x128xf32, #tpu.memory_space<hbm>> -> memref<20000x128xf32, #tpu.memory_space<hbm>>
      tpu.wait_indirect_dma semaphore(%arg17 : memref<!tpu.dma_semaphore, #tpu.memory_space<semaphore_mem>>) src(%dma_wait3A_105 : memref<20000x128xf32, #tpu.memory_space<hbm>>) dst(%arg12 : memref<64x128xf32, #tpu.memory_space<vmem>>)
      %run_scoped3A_106 = arith.constant 3 : i32
      "tpu.region"() ({
        %run_scoped3A_294 = tpu.sem_alloc : memref<!tpu.dma_semaphore, #tpu.memory_space<semaphore_mem>>
        %dma_start3A_295 = arith.constant 0 : i32
        %dma_start3A_296 = tpu.memref_slice %arg8[%rem3A_48, %run_scoped3A_106, %dma_start3A_295] : memref<2x16x64xi32, #tpu.memory_space<vmem>> -> memref<1x1x64xi32, #tpu.memory_space<vmem>>
        %dma_start3A_297 = tpu.memref_squeeze %dma_start3A_296 : memref<1x1x64xi32, #tpu.memory_space<vmem>> -> memref<64xi32, #tpu.memory_space<vmem>>
        %dma_start3A_298 = arith.constant 0 : i32
        %dma_start3A_299 = arith.constant 0 : i32
        %dma_start3A_300 = tpu.memref_slice %arg13[%dma_start3A_298, %dma_start3A_299] : memref<10240x128xf32, #tpu.memory_space<vmem_shared>> -> memref<10240x128xf32, #tpu.memory_space<vmem_shared>>
        tpu.enqueue_indirect_dma source(%arg12 : memref<64x128xf32, #tpu.memory_space<vmem>>) target(%dma_start3A_300 : memref<10240x128xf32, #tpu.memory_space<vmem_shared>>) offsets(%dma_start3A_297 : memref<64xi32, #tpu.memory_space<vmem>>) semaphore(%run_scoped3A_294 : memref<!tpu.dma_semaphore, #tpu.memory_space<semaphore_mem>>) {add = true}
        %dma_wait3A_301 = arith.constant 0 : i32
        %dma_wait3A_302 = tpu.memref_slice %arg8[%rem3A_48, %run_scoped3A_106, %dma_wait3A_301] : memref<2x16x64xi32, #tpu.memory_space<vmem>> -> memref<1x1x64xi32, #tpu.memory_space<vmem>>
        %dma_wait3A_303 = tpu.memref_squeeze %dma_wait3A_302 : memref<1x1x64xi32, #tpu.memory_space<vmem>> -> memref<64xi32, #tpu.memory_space<vmem>>
        %dma_wait3A_304 = arith.constant 0 : i32
        %dma_wait3A_305 = arith.constant 0 : i32
        %dma_wait3A_306 = tpu.memref_slice %arg13[%dma_wait3A_304, %dma_wait3A_305] : memref<10240x128xf32, #tpu.memory_space<vmem_shared>> -> memref<10240x128xf32, #tpu.memory_space<vmem_shared>>
        tpu.wait_indirect_dma semaphore(%run_scoped3A_294 : memref<!tpu.dma_semaphore, #tpu.memory_space<semaphore_mem>>) src(%arg12 : memref<64x128xf32, #tpu.memory_space<vmem>>) dst(%dma_wait3A_306 : memref<10240x128xf32, #tpu.memory_space<vmem_shared>>)
        tpu.yield
      }) : () -> ()
      %dma_start3A_107 = arith.constant 7 : i32
      %dma_start3A_108 = arith.constant 0 : i32
      %dma_start3A_109 = tpu.memref_slice %arg7[%rem3A_48, %dma_start3A_107, %dma_start3A_108] : memref<2x16x64xi32, #tpu.memory_space<vmem>> -> memref<1x1x64xi32, #tpu.memory_space<vmem>>
      %dma_start3A_110 = tpu.memref_squeeze %dma_start3A_109 : memref<1x1x64xi32, #tpu.memory_space<vmem>> -> memref<64xi32, #tpu.memory_space<vmem>>
      %dma_start3A_111 = arith.constant 0 : i32
      %dma_start3A_112 = arith.constant 0 : i32
      %dma_start3A_113 = tpu.memref_slice %arg2[%dma_start3A_111, %dma_start3A_112] : memref<20000x128xf32, #tpu.memory_space<hbm>> -> memref<20000x128xf32, #tpu.memory_space<hbm>>
      tpu.enqueue_indirect_dma source(%dma_start3A_113 : memref<20000x128xf32, #tpu.memory_space<hbm>>) target(%arg12 : memref<64x128xf32, #tpu.memory_space<vmem>>) offsets(%dma_start3A_110 : memref<64xi32, #tpu.memory_space<vmem>>) semaphore(%arg17 : memref<!tpu.dma_semaphore, #tpu.memory_space<semaphore_mem>>)
      %dma_wait3A_114 = arith.constant 4 : i32
      %dma_wait3A_115 = arith.constant 0 : i32
      %dma_wait3A_116 = tpu.memref_slice %arg7[%rem3A_48, %dma_wait3A_114, %dma_wait3A_115] : memref<2x16x64xi32, #tpu.memory_space<vmem>> -> memref<1x1x64xi32, #tpu.memory_space<vmem>>
      %dma_wait3A_117 = tpu.memref_squeeze %dma_wait3A_116 : memref<1x1x64xi32, #tpu.memory_space<vmem>> -> memref<64xi32, #tpu.memory_space<vmem>>
      %dma_wait3A_118 = arith.constant 0 : i32
      %dma_wait3A_119 = arith.constant 0 : i32
      %dma_wait3A_120 = tpu.memref_slice %arg2[%dma_wait3A_118, %dma_wait3A_119] : memref<20000x128xf32, #tpu.memory_space<hbm>> -> memref<20000x128xf32, #tpu.memory_space<hbm>>
      tpu.wait_indirect_dma semaphore(%arg14 : memref<!tpu.dma_semaphore, #tpu.memory_space<semaphore_mem>>) src(%dma_wait3A_120 : memref<20000x128xf32, #tpu.memory_space<hbm>>) dst(%arg9 : memref<64x128xf32, #tpu.memory_space<vmem>>)
      %run_scoped3A_121 = arith.constant 4 : i32
      "tpu.region"() ({
        %run_scoped3A_294 = tpu.sem_alloc : memref<!tpu.dma_semaphore, #tpu.memory_space<semaphore_mem>>
        %dma_start3A_295 = arith.constant 0 : i32
        %dma_start3A_296 = tpu.memref_slice %arg8[%rem3A_48, %run_scoped3A_121, %dma_start3A_295] : memref<2x16x64xi32, #tpu.memory_space<vmem>> -> memref<1x1x64xi32, #tpu.memory_space<vmem>>
        %dma_start3A_297 = tpu.memref_squeeze %dma_start3A_296 : memref<1x1x64xi32, #tpu.memory_space<vmem>> -> memref<64xi32, #tpu.memory_space<vmem>>
        %dma_start3A_298 = arith.constant 0 : i32
        %dma_start3A_299 = arith.constant 0 : i32
        %dma_start3A_300 = tpu.memref_slice %arg13[%dma_start3A_298, %dma_start3A_299] : memref<10240x128xf32, #tpu.memory_space<vmem_shared>> -> memref<10240x128xf32, #tpu.memory_space<vmem_shared>>
        tpu.enqueue_indirect_dma source(%arg9 : memref<64x128xf32, #tpu.memory_space<vmem>>) target(%dma_start3A_300 : memref<10240x128xf32, #tpu.memory_space<vmem_shared>>) offsets(%dma_start3A_297 : memref<64xi32, #tpu.memory_space<vmem>>) semaphore(%run_scoped3A_294 : memref<!tpu.dma_semaphore, #tpu.memory_space<semaphore_mem>>) {add = true}
        %dma_wait3A_301 = arith.constant 0 : i32
        %dma_wait3A_302 = tpu.memref_slice %arg8[%rem3A_48, %run_scoped3A_121, %dma_wait3A_301] : memref<2x16x64xi32, #tpu.memory_space<vmem>> -> memref<1x1x64xi32, #tpu.memory_space<vmem>>
        %dma_wait3A_303 = tpu.memref_squeeze %dma_wait3A_302 : memref<1x1x64xi32, #tpu.memory_space<vmem>> -> memref<64xi32, #tpu.memory_space<vmem>>
        %dma_wait3A_304 = arith.constant 0 : i32
        %dma_wait3A_305 = arith.constant 0 : i32
        %dma_wait3A_306 = tpu.memref_slice %arg13[%dma_wait3A_304, %dma_wait3A_305] : memref<10240x128xf32, #tpu.memory_space<vmem_shared>> -> memref<10240x128xf32, #tpu.memory_space<vmem_shared>>
        tpu.wait_indirect_dma semaphore(%run_scoped3A_294 : memref<!tpu.dma_semaphore, #tpu.memory_space<semaphore_mem>>) src(%arg9 : memref<64x128xf32, #tpu.memory_space<vmem>>) dst(%dma_wait3A_306 : memref<10240x128xf32, #tpu.memory_space<vmem_shared>>)
        tpu.yield
      }) : () -> ()
      %dma_start3A_122 = arith.constant 8 : i32
      %dma_start3A_123 = arith.constant 0 : i32
      %dma_start3A_124 = tpu.memref_slice %arg7[%rem3A_48, %dma_start3A_122, %dma_start3A_123] : memref<2x16x64xi32, #tpu.memory_space<vmem>> -> memref<1x1x64xi32, #tpu.memory_space<vmem>>
      %dma_start3A_125 = tpu.memref_squeeze %dma_start3A_124 : memref<1x1x64xi32, #tpu.memory_space<vmem>> -> memref<64xi32, #tpu.memory_space<vmem>>
      %dma_start3A_126 = arith.constant 0 : i32
      %dma_start3A_127 = arith.constant 0 : i32
      %dma_start3A_128 = tpu.memref_slice %arg2[%dma_start3A_126, %dma_start3A_127] : memref<20000x128xf32, #tpu.memory_space<hbm>> -> memref<20000x128xf32, #tpu.memory_space<hbm>>
      tpu.enqueue_indirect_dma source(%dma_start3A_128 : memref<20000x128xf32, #tpu.memory_space<hbm>>) target(%arg9 : memref<64x128xf32, #tpu.memory_space<vmem>>) offsets(%dma_start3A_125 : memref<64xi32, #tpu.memory_space<vmem>>) semaphore(%arg14 : memref<!tpu.dma_semaphore, #tpu.memory_space<semaphore_mem>>)
      %dma_wait3A_129 = arith.constant 5 : i32
      %dma_wait3A_130 = arith.constant 0 : i32
      %dma_wait3A_131 = tpu.memref_slice %arg7[%rem3A_48, %dma_wait3A_129, %dma_wait3A_130] : memref<2x16x64xi32, #tpu.memory_space<vmem>> -> memref<1x1x64xi32, #tpu.memory_space<vmem>>
      %dma_wait3A_132 = tpu.memref_squeeze %dma_wait3A_131 : memref<1x1x64xi32, #tpu.memory_space<vmem>> -> memref<64xi32, #tpu.memory_space<vmem>>
      %dma_wait3A_133 = arith.constant 0 : i32
      %dma_wait3A_134 = arith.constant 0 : i32
      %dma_wait3A_135 = tpu.memref_slice %arg2[%dma_wait3A_133, %dma_wait3A_134] : memref<20000x128xf32, #tpu.memory_space<hbm>> -> memref<20000x128xf32, #tpu.memory_space<hbm>>
      tpu.wait_indirect_dma semaphore(%arg15 : memref<!tpu.dma_semaphore, #tpu.memory_space<semaphore_mem>>) src(%dma_wait3A_135 : memref<20000x128xf32, #tpu.memory_space<hbm>>) dst(%arg10 : memref<64x128xf32, #tpu.memory_space<vmem>>)
      %run_scoped3A_136 = arith.constant 5 : i32
      "tpu.region"() ({
        %run_scoped3A_294 = tpu.sem_alloc : memref<!tpu.dma_semaphore, #tpu.memory_space<semaphore_mem>>
        %dma_start3A_295 = arith.constant 0 : i32
        %dma_start3A_296 = tpu.memref_slice %arg8[%rem3A_48, %run_scoped3A_136, %dma_start3A_295] : memref<2x16x64xi32, #tpu.memory_space<vmem>> -> memref<1x1x64xi32, #tpu.memory_space<vmem>>
        %dma_start3A_297 = tpu.memref_squeeze %dma_start3A_296 : memref<1x1x64xi32, #tpu.memory_space<vmem>> -> memref<64xi32, #tpu.memory_space<vmem>>
        %dma_start3A_298 = arith.constant 0 : i32
        %dma_start3A_299 = arith.constant 0 : i32
        %dma_start3A_300 = tpu.memref_slice %arg13[%dma_start3A_298, %dma_start3A_299] : memref<10240x128xf32, #tpu.memory_space<vmem_shared>> -> memref<10240x128xf32, #tpu.memory_space<vmem_shared>>
        tpu.enqueue_indirect_dma source(%arg10 : memref<64x128xf32, #tpu.memory_space<vmem>>) target(%dma_start3A_300 : memref<10240x128xf32, #tpu.memory_space<vmem_shared>>) offsets(%dma_start3A_297 : memref<64xi32, #tpu.memory_space<vmem>>) semaphore(%run_scoped3A_294 : memref<!tpu.dma_semaphore, #tpu.memory_space<semaphore_mem>>) {add = true}
        %dma_wait3A_301 = arith.constant 0 : i32
        %dma_wait3A_302 = tpu.memref_slice %arg8[%rem3A_48, %run_scoped3A_136, %dma_wait3A_301] : memref<2x16x64xi32, #tpu.memory_space<vmem>> -> memref<1x1x64xi32, #tpu.memory_space<vmem>>
        %dma_wait3A_303 = tpu.memref_squeeze %dma_wait3A_302 : memref<1x1x64xi32, #tpu.memory_space<vmem>> -> memref<64xi32, #tpu.memory_space<vmem>>
        %dma_wait3A_304 = arith.constant 0 : i32
        %dma_wait3A_305 = arith.constant 0 : i32
        %dma_wait3A_306 = tpu.memref_slice %arg13[%dma_wait3A_304, %dma_wait3A_305] : memref<10240x128xf32, #tpu.memory_space<vmem_shared>> -> memref<10240x128xf32, #tpu.memory_space<vmem_shared>>
        tpu.wait_indirect_dma semaphore(%run_scoped3A_294 : memref<!tpu.dma_semaphore, #tpu.memory_space<semaphore_mem>>) src(%arg10 : memref<64x128xf32, #tpu.memory_space<vmem>>) dst(%dma_wait3A_306 : memref<10240x128xf32, #tpu.memory_space<vmem_shared>>)
        tpu.yield
      }) : () -> ()
      %dma_start3A_137 = arith.constant 9 : i32
      %dma_start3A_138 = arith.constant 0 : i32
      %dma_start3A_139 = tpu.memref_slice %arg7[%rem3A_48, %dma_start3A_137, %dma_start3A_138] : memref<2x16x64xi32, #tpu.memory_space<vmem>> -> memref<1x1x64xi32, #tpu.memory_space<vmem>>
      %dma_start3A_140 = tpu.memref_squeeze %dma_start3A_139 : memref<1x1x64xi32, #tpu.memory_space<vmem>> -> memref<64xi32, #tpu.memory_space<vmem>>
      %dma_start3A_141 = arith.constant 0 : i32
      %dma_start3A_142 = arith.constant 0 : i32
      %dma_start3A_143 = tpu.memref_slice %arg2[%dma_start3A_141, %dma_start3A_142] : memref<20000x128xf32, #tpu.memory_space<hbm>> -> memref<20000x128xf32, #tpu.memory_space<hbm>>
      tpu.enqueue_indirect_dma source(%dma_start3A_143 : memref<20000x128xf32, #tpu.memory_space<hbm>>) target(%arg10 : memref<64x128xf32, #tpu.memory_space<vmem>>) offsets(%dma_start3A_140 : memref<64xi32, #tpu.memory_space<vmem>>) semaphore(%arg15 : memref<!tpu.dma_semaphore, #tpu.memory_space<semaphore_mem>>)
      %dma_wait3A_144 = arith.constant 6 : i32
      %dma_wait3A_145 = arith.constant 0 : i32
      %dma_wait3A_146 = tpu.memref_slice %arg7[%rem3A_48, %dma_wait3A_144, %dma_wait3A_145] : memref<2x16x64xi32, #tpu.memory_space<vmem>> -> memref<1x1x64xi32, #tpu.memory_space<vmem>>
      %dma_wait3A_147 = tpu.memref_squeeze %dma_wait3A_146 : memref<1x1x64xi32, #tpu.memory_space<vmem>> -> memref<64xi32, #tpu.memory_space<vmem>>
      %dma_wait3A_148 = arith.constant 0 : i32
      %dma_wait3A_149 = arith.constant 0 : i32
      %dma_wait3A_150 = tpu.memref_slice %arg2[%dma_wait3A_148, %dma_wait3A_149] : memref<20000x128xf32, #tpu.memory_space<hbm>> -> memref<20000x128xf32, #tpu.memory_space<hbm>>
      tpu.wait_indirect_dma semaphore(%arg16 : memref<!tpu.dma_semaphore, #tpu.memory_space<semaphore_mem>>) src(%dma_wait3A_150 : memref<20000x128xf32, #tpu.memory_space<hbm>>) dst(%arg11 : memref<64x128xf32, #tpu.memory_space<vmem>>)
      %run_scoped3A_151 = arith.constant 6 : i32
      "tpu.region"() ({
        %run_scoped3A_294 = tpu.sem_alloc : memref<!tpu.dma_semaphore, #tpu.memory_space<semaphore_mem>>
        %dma_start3A_295 = arith.constant 0 : i32
        %dma_start3A_296 = tpu.memref_slice %arg8[%rem3A_48, %run_scoped3A_151, %dma_start3A_295] : memref<2x16x64xi32, #tpu.memory_space<vmem>> -> memref<1x1x64xi32, #tpu.memory_space<vmem>>
        %dma_start3A_297 = tpu.memref_squeeze %dma_start3A_296 : memref<1x1x64xi32, #tpu.memory_space<vmem>> -> memref<64xi32, #tpu.memory_space<vmem>>
        %dma_start3A_298 = arith.constant 0 : i32
        %dma_start3A_299 = arith.constant 0 : i32
        %dma_start3A_300 = tpu.memref_slice %arg13[%dma_start3A_298, %dma_start3A_299] : memref<10240x128xf32, #tpu.memory_space<vmem_shared>> -> memref<10240x128xf32, #tpu.memory_space<vmem_shared>>
        tpu.enqueue_indirect_dma source(%arg11 : memref<64x128xf32, #tpu.memory_space<vmem>>) target(%dma_start3A_300 : memref<10240x128xf32, #tpu.memory_space<vmem_shared>>) offsets(%dma_start3A_297 : memref<64xi32, #tpu.memory_space<vmem>>) semaphore(%run_scoped3A_294 : memref<!tpu.dma_semaphore, #tpu.memory_space<semaphore_mem>>) {add = true}
        %dma_wait3A_301 = arith.constant 0 : i32
        %dma_wait3A_302 = tpu.memref_slice %arg8[%rem3A_48, %run_scoped3A_151, %dma_wait3A_301] : memref<2x16x64xi32, #tpu.memory_space<vmem>> -> memref<1x1x64xi32, #tpu.memory_space<vmem>>
        %dma_wait3A_303 = tpu.memref_squeeze %dma_wait3A_302 : memref<1x1x64xi32, #tpu.memory_space<vmem>> -> memref<64xi32, #tpu.memory_space<vmem>>
        %dma_wait3A_304 = arith.constant 0 : i32
        %dma_wait3A_305 = arith.constant 0 : i32
        %dma_wait3A_306 = tpu.memref_slice %arg13[%dma_wait3A_304, %dma_wait3A_305] : memref<10240x128xf32, #tpu.memory_space<vmem_shared>> -> memref<10240x128xf32, #tpu.memory_space<vmem_shared>>
        tpu.wait_indirect_dma semaphore(%run_scoped3A_294 : memref<!tpu.dma_semaphore, #tpu.memory_space<semaphore_mem>>) src(%arg11 : memref<64x128xf32, #tpu.memory_space<vmem>>) dst(%dma_wait3A_306 : memref<10240x128xf32, #tpu.memory_space<vmem_shared>>)
        tpu.yield
      }) : () -> ()
      %dma_start3A_152 = arith.constant 10 : i32
      %dma_start3A_153 = arith.constant 0 : i32
      %dma_start3A_154 = tpu.memref_slice %arg7[%rem3A_48, %dma_start3A_152, %dma_start3A_153] : memref<2x16x64xi32, #tpu.memory_space<vmem>> -> memref<1x1x64xi32, #tpu.memory_space<vmem>>
      %dma_start3A_155 = tpu.memref_squeeze %dma_start3A_154 : memref<1x1x64xi32, #tpu.memory_space<vmem>> -> memref<64xi32, #tpu.memory_space<vmem>>
      %dma_start3A_156 = arith.constant 0 : i32
      %dma_start3A_157 = arith.constant 0 : i32
      %dma_start3A_158 = tpu.memref_slice %arg2[%dma_start3A_156, %dma_start3A_157] : memref<20000x128xf32, #tpu.memory_space<hbm>> -> memref<20000x128xf32, #tpu.memory_space<hbm>>
      tpu.enqueue_indirect_dma source(%dma_start3A_158 : memref<20000x128xf32, #tpu.memory_space<hbm>>) target(%arg11 : memref<64x128xf32, #tpu.memory_space<vmem>>) offsets(%dma_start3A_155 : memref<64xi32, #tpu.memory_space<vmem>>) semaphore(%arg16 : memref<!tpu.dma_semaphore, #tpu.memory_space<semaphore_mem>>)
      %dma_wait3A_159 = arith.constant 7 : i32
      %dma_wait3A_160 = arith.constant 0 : i32
      %dma_wait3A_161 = tpu.memref_slice %arg7[%rem3A_48, %dma_wait3A_159, %dma_wait3A_160] : memref<2x16x64xi32, #tpu.memory_space<vmem>> -> memref<1x1x64xi32, #tpu.memory_space<vmem>>
      %dma_wait3A_162 = tpu.memref_squeeze %dma_wait3A_161 : memref<1x1x64xi32, #tpu.memory_space<vmem>> -> memref<64xi32, #tpu.memory_space<vmem>>
      %dma_wait3A_163 = arith.constant 0 : i32
      %dma_wait3A_164 = arith.constant 0 : i32
      %dma_wait3A_165 = tpu.memref_slice %arg2[%dma_wait3A_163, %dma_wait3A_164] : memref<20000x128xf32, #tpu.memory_space<hbm>> -> memref<20000x128xf32, #tpu.memory_space<hbm>>
      tpu.wait_indirect_dma semaphore(%arg17 : memref<!tpu.dma_semaphore, #tpu.memory_space<semaphore_mem>>) src(%dma_wait3A_165 : memref<20000x128xf32, #tpu.memory_space<hbm>>) dst(%arg12 : memref<64x128xf32, #tpu.memory_space<vmem>>)
      %run_scoped3A_166 = arith.constant 7 : i32
      "tpu.region"() ({
        %run_scoped3A_294 = tpu.sem_alloc : memref<!tpu.dma_semaphore, #tpu.memory_space<semaphore_mem>>
        %dma_start3A_295 = arith.constant 0 : i32
        %dma_start3A_296 = tpu.memref_slice %arg8[%rem3A_48, %run_scoped3A_166, %dma_start3A_295] : memref<2x16x64xi32, #tpu.memory_space<vmem>> -> memref<1x1x64xi32, #tpu.memory_space<vmem>>
        %dma_start3A_297 = tpu.memref_squeeze %dma_start3A_296 : memref<1x1x64xi32, #tpu.memory_space<vmem>> -> memref<64xi32, #tpu.memory_space<vmem>>
        %dma_start3A_298 = arith.constant 0 : i32
        %dma_start3A_299 = arith.constant 0 : i32
        %dma_start3A_300 = tpu.memref_slice %arg13[%dma_start3A_298, %dma_start3A_299] : memref<10240x128xf32, #tpu.memory_space<vmem_shared>> -> memref<10240x128xf32, #tpu.memory_space<vmem_shared>>
        tpu.enqueue_indirect_dma source(%arg12 : memref<64x128xf32, #tpu.memory_space<vmem>>) target(%dma_start3A_300 : memref<10240x128xf32, #tpu.memory_space<vmem_shared>>) offsets(%dma_start3A_297 : memref<64xi32, #tpu.memory_space<vmem>>) semaphore(%run_scoped3A_294 : memref<!tpu.dma_semaphore, #tpu.memory_space<semaphore_mem>>) {add = true}
        %dma_wait3A_301 = arith.constant 0 : i32
        %dma_wait3A_302 = tpu.memref_slice %arg8[%rem3A_48, %run_scoped3A_166, %dma_wait3A_301] : memref<2x16x64xi32, #tpu.memory_space<vmem>> -> memref<1x1x64xi32, #tpu.memory_space<vmem>>
        %dma_wait3A_303 = tpu.memref_squeeze %dma_wait3A_302 : memref<1x1x64xi32, #tpu.memory_space<vmem>> -> memref<64xi32, #tpu.memory_space<vmem>>
        %dma_wait3A_304 = arith.constant 0 : i32
        %dma_wait3A_305 = arith.constant 0 : i32
        %dma_wait3A_306 = tpu.memref_slice %arg13[%dma_wait3A_304, %dma_wait3A_305] : memref<10240x128xf32, #tpu.memory_space<vmem_shared>> -> memref<10240x128xf32, #tpu.memory_space<vmem_shared>>
        tpu.wait_indirect_dma semaphore(%run_scoped3A_294 : memref<!tpu.dma_semaphore, #tpu.memory_space<semaphore_mem>>) src(%arg12 : memref<64x128xf32, #tpu.memory_space<vmem>>) dst(%dma_wait3A_306 : memref<10240x128xf32, #tpu.memory_space<vmem_shared>>)
        tpu.yield
      }) : () -> ()
      %dma_start3A_167 = arith.constant 11 : i32
      %dma_start3A_168 = arith.constant 0 : i32
      %dma_start3A_169 = tpu.memref_slice %arg7[%rem3A_48, %dma_start3A_167, %dma_start3A_168] : memref<2x16x64xi32, #tpu.memory_space<vmem>> -> memref<1x1x64xi32, #tpu.memory_space<vmem>>
      %dma_start3A_170 = tpu.memref_squeeze %dma_start3A_169 : memref<1x1x64xi32, #tpu.memory_space<vmem>> -> memref<64xi32, #tpu.memory_space<vmem>>
      %dma_start3A_171 = arith.constant 0 : i32
      %dma_start3A_172 = arith.constant 0 : i32
      %dma_start3A_173 = tpu.memref_slice %arg2[%dma_start3A_171, %dma_start3A_172] : memref<20000x128xf32, #tpu.memory_space<hbm>> -> memref<20000x128xf32, #tpu.memory_space<hbm>>
      tpu.enqueue_indirect_dma source(%dma_start3A_173 : memref<20000x128xf32, #tpu.memory_space<hbm>>) target(%arg12 : memref<64x128xf32, #tpu.memory_space<vmem>>) offsets(%dma_start3A_170 : memref<64xi32, #tpu.memory_space<vmem>>) semaphore(%arg17 : memref<!tpu.dma_semaphore, #tpu.memory_space<semaphore_mem>>)
      %dma_wait3A_174 = arith.constant 8 : i32
      %dma_wait3A_175 = arith.constant 0 : i32
      %dma_wait3A_176 = tpu.memref_slice %arg7[%rem3A_48, %dma_wait3A_174, %dma_wait3A_175] : memref<2x16x64xi32, #tpu.memory_space<vmem>> -> memref<1x1x64xi32, #tpu.memory_space<vmem>>
      %dma_wait3A_177 = tpu.memref_squeeze %dma_wait3A_176 : memref<1x1x64xi32, #tpu.memory_space<vmem>> -> memref<64xi32, #tpu.memory_space<vmem>>
      %dma_wait3A_178 = arith.constant 0 : i32
      %dma_wait3A_179 = arith.constant 0 : i32
      %dma_wait3A_180 = tpu.memref_slice %arg2[%dma_wait3A_178, %dma_wait3A_179] : memref<20000x128xf32, #tpu.memory_space<hbm>> -> memref<20000x128xf32, #tpu.memory_space<hbm>>
      tpu.wait_indirect_dma semaphore(%arg14 : memref<!tpu.dma_semaphore, #tpu.memory_space<semaphore_mem>>) src(%dma_wait3A_180 : memref<20000x128xf32, #tpu.memory_space<hbm>>) dst(%arg9 : memref<64x128xf32, #tpu.memory_space<vmem>>)
      %run_scoped3A_181 = arith.constant 8 : i32
      "tpu.region"() ({
        %run_scoped3A_294 = tpu.sem_alloc : memref<!tpu.dma_semaphore, #tpu.memory_space<semaphore_mem>>
        %dma_start3A_295 = arith.constant 0 : i32
        %dma_start3A_296 = tpu.memref_slice %arg8[%rem3A_48, %run_scoped3A_181, %dma_start3A_295] : memref<2x16x64xi32, #tpu.memory_space<vmem>> -> memref<1x1x64xi32, #tpu.memory_space<vmem>>
        %dma_start3A_297 = tpu.memref_squeeze %dma_start3A_296 : memref<1x1x64xi32, #tpu.memory_space<vmem>> -> memref<64xi32, #tpu.memory_space<vmem>>
        %dma_start3A_298 = arith.constant 0 : i32
        %dma_start3A_299 = arith.constant 0 : i32
        %dma_start3A_300 = tpu.memref_slice %arg13[%dma_start3A_298, %dma_start3A_299] : memref<10240x128xf32, #tpu.memory_space<vmem_shared>> -> memref<10240x128xf32, #tpu.memory_space<vmem_shared>>
        tpu.enqueue_indirect_dma source(%arg9 : memref<64x128xf32, #tpu.memory_space<vmem>>) target(%dma_start3A_300 : memref<10240x128xf32, #tpu.memory_space<vmem_shared>>) offsets(%dma_start3A_297 : memref<64xi32, #tpu.memory_space<vmem>>) semaphore(%run_scoped3A_294 : memref<!tpu.dma_semaphore, #tpu.memory_space<semaphore_mem>>) {add = true}
        %dma_wait3A_301 = arith.constant 0 : i32
        %dma_wait3A_302 = tpu.memref_slice %arg8[%rem3A_48, %run_scoped3A_181, %dma_wait3A_301] : memref<2x16x64xi32, #tpu.memory_space<vmem>> -> memref<1x1x64xi32, #tpu.memory_space<vmem>>
        %dma_wait3A_303 = tpu.memref_squeeze %dma_wait3A_302 : memref<1x1x64xi32, #tpu.memory_space<vmem>> -> memref<64xi32, #tpu.memory_space<vmem>>
        %dma_wait3A_304 = arith.constant 0 : i32
        %dma_wait3A_305 = arith.constant 0 : i32
        %dma_wait3A_306 = tpu.memref_slice %arg13[%dma_wait3A_304, %dma_wait3A_305] : memref<10240x128xf32, #tpu.memory_space<vmem_shared>> -> memref<10240x128xf32, #tpu.memory_space<vmem_shared>>
        tpu.wait_indirect_dma semaphore(%run_scoped3A_294 : memref<!tpu.dma_semaphore, #tpu.memory_space<semaphore_mem>>) src(%arg9 : memref<64x128xf32, #tpu.memory_space<vmem>>) dst(%dma_wait3A_306 : memref<10240x128xf32, #tpu.memory_space<vmem_shared>>)
        tpu.yield
      }) : () -> ()
      %dma_start3A_182 = arith.constant 12 : i32
      %dma_start3A_183 = arith.constant 0 : i32
      %dma_start3A_184 = tpu.memref_slice %arg7[%rem3A_48, %dma_start3A_182, %dma_start3A_183] : memref<2x16x64xi32, #tpu.memory_space<vmem>> -> memref<1x1x64xi32, #tpu.memory_space<vmem>>
      %dma_start3A_185 = tpu.memref_squeeze %dma_start3A_184 : memref<1x1x64xi32, #tpu.memory_space<vmem>> -> memref<64xi32, #tpu.memory_space<vmem>>
      %dma_start3A_186 = arith.constant 0 : i32
      %dma_start3A_187 = arith.constant 0 : i32
      %dma_start3A_188 = tpu.memref_slice %arg2[%dma_start3A_186, %dma_start3A_187] : memref<20000x128xf32, #tpu.memory_space<hbm>> -> memref<20000x128xf32, #tpu.memory_space<hbm>>
      tpu.enqueue_indirect_dma source(%dma_start3A_188 : memref<20000x128xf32, #tpu.memory_space<hbm>>) target(%arg9 : memref<64x128xf32, #tpu.memory_space<vmem>>) offsets(%dma_start3A_185 : memref<64xi32, #tpu.memory_space<vmem>>) semaphore(%arg14 : memref<!tpu.dma_semaphore, #tpu.memory_space<semaphore_mem>>)
      %dma_wait3A_189 = arith.constant 9 : i32
      %dma_wait3A_190 = arith.constant 0 : i32
      %dma_wait3A_191 = tpu.memref_slice %arg7[%rem3A_48, %dma_wait3A_189, %dma_wait3A_190] : memref<2x16x64xi32, #tpu.memory_space<vmem>> -> memref<1x1x64xi32, #tpu.memory_space<vmem>>
      %dma_wait3A_192 = tpu.memref_squeeze %dma_wait3A_191 : memref<1x1x64xi32, #tpu.memory_space<vmem>> -> memref<64xi32, #tpu.memory_space<vmem>>
      %dma_wait3A_193 = arith.constant 0 : i32
      %dma_wait3A_194 = arith.constant 0 : i32
      %dma_wait3A_195 = tpu.memref_slice %arg2[%dma_wait3A_193, %dma_wait3A_194] : memref<20000x128xf32, #tpu.memory_space<hbm>> -> memref<20000x128xf32, #tpu.memory_space<hbm>>
      tpu.wait_indirect_dma semaphore(%arg15 : memref<!tpu.dma_semaphore, #tpu.memory_space<semaphore_mem>>) src(%dma_wait3A_195 : memref<20000x128xf32, #tpu.memory_space<hbm>>) dst(%arg10 : memref<64x128xf32, #tpu.memory_space<vmem>>)
      %run_scoped3A_196 = arith.constant 9 : i32
      "tpu.region"() ({
        %run_scoped3A_294 = tpu.sem_alloc : memref<!tpu.dma_semaphore, #tpu.memory_space<semaphore_mem>>
        %dma_start3A_295 = arith.constant 0 : i32
        %dma_start3A_296 = tpu.memref_slice %arg8[%rem3A_48, %run_scoped3A_196, %dma_start3A_295] : memref<2x16x64xi32, #tpu.memory_space<vmem>> -> memref<1x1x64xi32, #tpu.memory_space<vmem>>
        %dma_start3A_297 = tpu.memref_squeeze %dma_start3A_296 : memref<1x1x64xi32, #tpu.memory_space<vmem>> -> memref<64xi32, #tpu.memory_space<vmem>>
        %dma_start3A_298 = arith.constant 0 : i32
        %dma_start3A_299 = arith.constant 0 : i32
        %dma_start3A_300 = tpu.memref_slice %arg13[%dma_start3A_298, %dma_start3A_299] : memref<10240x128xf32, #tpu.memory_space<vmem_shared>> -> memref<10240x128xf32, #tpu.memory_space<vmem_shared>>
        tpu.enqueue_indirect_dma source(%arg10 : memref<64x128xf32, #tpu.memory_space<vmem>>) target(%dma_start3A_300 : memref<10240x128xf32, #tpu.memory_space<vmem_shared>>) offsets(%dma_start3A_297 : memref<64xi32, #tpu.memory_space<vmem>>) semaphore(%run_scoped3A_294 : memref<!tpu.dma_semaphore, #tpu.memory_space<semaphore_mem>>) {add = true}
        %dma_wait3A_301 = arith.constant 0 : i32
        %dma_wait3A_302 = tpu.memref_slice %arg8[%rem3A_48, %run_scoped3A_196, %dma_wait3A_301] : memref<2x16x64xi32, #tpu.memory_space<vmem>> -> memref<1x1x64xi32, #tpu.memory_space<vmem>>
        %dma_wait3A_303 = tpu.memref_squeeze %dma_wait3A_302 : memref<1x1x64xi32, #tpu.memory_space<vmem>> -> memref<64xi32, #tpu.memory_space<vmem>>
        %dma_wait3A_304 = arith.constant 0 : i32
        %dma_wait3A_305 = arith.constant 0 : i32
        %dma_wait3A_306 = tpu.memref_slice %arg13[%dma_wait3A_304, %dma_wait3A_305] : memref<10240x128xf32, #tpu.memory_space<vmem_shared>> -> memref<10240x128xf32, #tpu.memory_space<vmem_shared>>
        tpu.wait_indirect_dma semaphore(%run_scoped3A_294 : memref<!tpu.dma_semaphore, #tpu.memory_space<semaphore_mem>>) src(%arg10 : memref<64x128xf32, #tpu.memory_space<vmem>>) dst(%dma_wait3A_306 : memref<10240x128xf32, #tpu.memory_space<vmem_shared>>)
        tpu.yield
      }) : () -> ()
      %dma_start3A_197 = arith.constant 13 : i32
      %dma_start3A_198 = arith.constant 0 : i32
      %dma_start3A_199 = tpu.memref_slice %arg7[%rem3A_48, %dma_start3A_197, %dma_start3A_198] : memref<2x16x64xi32, #tpu.memory_space<vmem>> -> memref<1x1x64xi32, #tpu.memory_space<vmem>>
      %dma_start3A_200 = tpu.memref_squeeze %dma_start3A_199 : memref<1x1x64xi32, #tpu.memory_space<vmem>> -> memref<64xi32, #tpu.memory_space<vmem>>
      %dma_start3A_201 = arith.constant 0 : i32
      %dma_start3A_202 = arith.constant 0 : i32
      %dma_start3A_203 = tpu.memref_slice %arg2[%dma_start3A_201, %dma_start3A_202] : memref<20000x128xf32, #tpu.memory_space<hbm>> -> memref<20000x128xf32, #tpu.memory_space<hbm>>
      tpu.enqueue_indirect_dma source(%dma_start3A_203 : memref<20000x128xf32, #tpu.memory_space<hbm>>) target(%arg10 : memref<64x128xf32, #tpu.memory_space<vmem>>) offsets(%dma_start3A_200 : memref<64xi32, #tpu.memory_space<vmem>>) semaphore(%arg15 : memref<!tpu.dma_semaphore, #tpu.memory_space<semaphore_mem>>)
      %dma_wait3A_204 = arith.constant 10 : i32
      %dma_wait3A_205 = arith.constant 0 : i32
      %dma_wait3A_206 = tpu.memref_slice %arg7[%rem3A_48, %dma_wait3A_204, %dma_wait3A_205] : memref<2x16x64xi32, #tpu.memory_space<vmem>> -> memref<1x1x64xi32, #tpu.memory_space<vmem>>
      %dma_wait3A_207 = tpu.memref_squeeze %dma_wait3A_206 : memref<1x1x64xi32, #tpu.memory_space<vmem>> -> memref<64xi32, #tpu.memory_space<vmem>>
      %dma_wait3A_208 = arith.constant 0 : i32
      %dma_wait3A_209 = arith.constant 0 : i32
      %dma_wait3A_210 = tpu.memref_slice %arg2[%dma_wait3A_208, %dma_wait3A_209] : memref<20000x128xf32, #tpu.memory_space<hbm>> -> memref<20000x128xf32, #tpu.memory_space<hbm>>
      tpu.wait_indirect_dma semaphore(%arg16 : memref<!tpu.dma_semaphore, #tpu.memory_space<semaphore_mem>>) src(%dma_wait3A_210 : memref<20000x128xf32, #tpu.memory_space<hbm>>) dst(%arg11 : memref<64x128xf32, #tpu.memory_space<vmem>>)
      %run_scoped3A_211 = arith.constant 10 : i32
      "tpu.region"() ({
        %run_scoped3A_294 = tpu.sem_alloc : memref<!tpu.dma_semaphore, #tpu.memory_space<semaphore_mem>>
        %dma_start3A_295 = arith.constant 0 : i32
        %dma_start3A_296 = tpu.memref_slice %arg8[%rem3A_48, %run_scoped3A_211, %dma_start3A_295] : memref<2x16x64xi32, #tpu.memory_space<vmem>> -> memref<1x1x64xi32, #tpu.memory_space<vmem>>
        %dma_start3A_297 = tpu.memref_squeeze %dma_start3A_296 : memref<1x1x64xi32, #tpu.memory_space<vmem>> -> memref<64xi32, #tpu.memory_space<vmem>>
        %dma_start3A_298 = arith.constant 0 : i32
        %dma_start3A_299 = arith.constant 0 : i32
        %dma_start3A_300 = tpu.memref_slice %arg13[%dma_start3A_298, %dma_start3A_299] : memref<10240x128xf32, #tpu.memory_space<vmem_shared>> -> memref<10240x128xf32, #tpu.memory_space<vmem_shared>>
        tpu.enqueue_indirect_dma source(%arg11 : memref<64x128xf32, #tpu.memory_space<vmem>>) target(%dma_start3A_300 : memref<10240x128xf32, #tpu.memory_space<vmem_shared>>) offsets(%dma_start3A_297 : memref<64xi32, #tpu.memory_space<vmem>>) semaphore(%run_scoped3A_294 : memref<!tpu.dma_semaphore, #tpu.memory_space<semaphore_mem>>) {add = true}
        %dma_wait3A_301 = arith.constant 0 : i32
        %dma_wait3A_302 = tpu.memref_slice %arg8[%rem3A_48, %run_scoped3A_211, %dma_wait3A_301] : memref<2x16x64xi32, #tpu.memory_space<vmem>> -> memref<1x1x64xi32, #tpu.memory_space<vmem>>
        %dma_wait3A_303 = tpu.memref_squeeze %dma_wait3A_302 : memref<1x1x64xi32, #tpu.memory_space<vmem>> -> memref<64xi32, #tpu.memory_space<vmem>>
        %dma_wait3A_304 = arith.constant 0 : i32
        %dma_wait3A_305 = arith.constant 0 : i32
        %dma_wait3A_306 = tpu.memref_slice %arg13[%dma_wait3A_304, %dma_wait3A_305] : memref<10240x128xf32, #tpu.memory_space<vmem_shared>> -> memref<10240x128xf32, #tpu.memory_space<vmem_shared>>
        tpu.wait_indirect_dma semaphore(%run_scoped3A_294 : memref<!tpu.dma_semaphore, #tpu.memory_space<semaphore_mem>>) src(%arg11 : memref<64x128xf32, #tpu.memory_space<vmem>>) dst(%dma_wait3A_306 : memref<10240x128xf32, #tpu.memory_space<vmem_shared>>)
        tpu.yield
      }) : () -> ()
      %dma_start3A_212 = arith.constant 14 : i32
      %dma_start3A_213 = arith.constant 0 : i32
      %dma_start3A_214 = tpu.memref_slice %arg7[%rem3A_48, %dma_start3A_212, %dma_start3A_213] : memref<2x16x64xi32, #tpu.memory_space<vmem>> -> memref<1x1x64xi32, #tpu.memory_space<vmem>>
      %dma_start3A_215 = tpu.memref_squeeze %dma_start3A_214 : memref<1x1x64xi32, #tpu.memory_space<vmem>> -> memref<64xi32, #tpu.memory_space<vmem>>
      %dma_start3A_216 = arith.constant 0 : i32
      %dma_start3A_217 = arith.constant 0 : i32
      %dma_start3A_218 = tpu.memref_slice %arg2[%dma_start3A_216, %dma_start3A_217] : memref<20000x128xf32, #tpu.memory_space<hbm>> -> memref<20000x128xf32, #tpu.memory_space<hbm>>
      tpu.enqueue_indirect_dma source(%dma_start3A_218 : memref<20000x128xf32, #tpu.memory_space<hbm>>) target(%arg11 : memref<64x128xf32, #tpu.memory_space<vmem>>) offsets(%dma_start3A_215 : memref<64xi32, #tpu.memory_space<vmem>>) semaphore(%arg16 : memref<!tpu.dma_semaphore, #tpu.memory_space<semaphore_mem>>)
      %dma_wait3A_219 = arith.constant 11 : i32
      %dma_wait3A_220 = arith.constant 0 : i32
      %dma_wait3A_221 = tpu.memref_slice %arg7[%rem3A_48, %dma_wait3A_219, %dma_wait3A_220] : memref<2x16x64xi32, #tpu.memory_space<vmem>> -> memref<1x1x64xi32, #tpu.memory_space<vmem>>
      %dma_wait3A_222 = tpu.memref_squeeze %dma_wait3A_221 : memref<1x1x64xi32, #tpu.memory_space<vmem>> -> memref<64xi32, #tpu.memory_space<vmem>>
      %dma_wait3A_223 = arith.constant 0 : i32
      %dma_wait3A_224 = arith.constant 0 : i32
      %dma_wait3A_225 = tpu.memref_slice %arg2[%dma_wait3A_223, %dma_wait3A_224] : memref<20000x128xf32, #tpu.memory_space<hbm>> -> memref<20000x128xf32, #tpu.memory_space<hbm>>
      tpu.wait_indirect_dma semaphore(%arg17 : memref<!tpu.dma_semaphore, #tpu.memory_space<semaphore_mem>>) src(%dma_wait3A_225 : memref<20000x128xf32, #tpu.memory_space<hbm>>) dst(%arg12 : memref<64x128xf32, #tpu.memory_space<vmem>>)
      %run_scoped3A_226 = arith.constant 11 : i32
      "tpu.region"() ({
        %run_scoped3A_294 = tpu.sem_alloc : memref<!tpu.dma_semaphore, #tpu.memory_space<semaphore_mem>>
        %dma_start3A_295 = arith.constant 0 : i32
        %dma_start3A_296 = tpu.memref_slice %arg8[%rem3A_48, %run_scoped3A_226, %dma_start3A_295] : memref<2x16x64xi32, #tpu.memory_space<vmem>> -> memref<1x1x64xi32, #tpu.memory_space<vmem>>
        %dma_start3A_297 = tpu.memref_squeeze %dma_start3A_296 : memref<1x1x64xi32, #tpu.memory_space<vmem>> -> memref<64xi32, #tpu.memory_space<vmem>>
        %dma_start3A_298 = arith.constant 0 : i32
        %dma_start3A_299 = arith.constant 0 : i32
        %dma_start3A_300 = tpu.memref_slice %arg13[%dma_start3A_298, %dma_start3A_299] : memref<10240x128xf32, #tpu.memory_space<vmem_shared>> -> memref<10240x128xf32, #tpu.memory_space<vmem_shared>>
        tpu.enqueue_indirect_dma source(%arg12 : memref<64x128xf32, #tpu.memory_space<vmem>>) target(%dma_start3A_300 : memref<10240x128xf32, #tpu.memory_space<vmem_shared>>) offsets(%dma_start3A_297 : memref<64xi32, #tpu.memory_space<vmem>>) semaphore(%run_scoped3A_294 : memref<!tpu.dma_semaphore, #tpu.memory_space<semaphore_mem>>) {add = true}
        %dma_wait3A_301 = arith.constant 0 : i32
        %dma_wait3A_302 = tpu.memref_slice %arg8[%rem3A_48, %run_scoped3A_226, %dma_wait3A_301] : memref<2x16x64xi32, #tpu.memory_space<vmem>> -> memref<1x1x64xi32, #tpu.memory_space<vmem>>
        %dma_wait3A_303 = tpu.memref_squeeze %dma_wait3A_302 : memref<1x1x64xi32, #tpu.memory_space<vmem>> -> memref<64xi32, #tpu.memory_space<vmem>>
        %dma_wait3A_304 = arith.constant 0 : i32
        %dma_wait3A_305 = arith.constant 0 : i32
        %dma_wait3A_306 = tpu.memref_slice %arg13[%dma_wait3A_304, %dma_wait3A_305] : memref<10240x128xf32, #tpu.memory_space<vmem_shared>> -> memref<10240x128xf32, #tpu.memory_space<vmem_shared>>
        tpu.wait_indirect_dma semaphore(%run_scoped3A_294 : memref<!tpu.dma_semaphore, #tpu.memory_space<semaphore_mem>>) src(%arg12 : memref<64x128xf32, #tpu.memory_space<vmem>>) dst(%dma_wait3A_306 : memref<10240x128xf32, #tpu.memory_space<vmem_shared>>)
        tpu.yield
      }) : () -> ()
      %dma_start3A_227 = arith.constant 15 : i32
      %dma_start3A_228 = arith.constant 0 : i32
      %dma_start3A_229 = tpu.memref_slice %arg7[%rem3A_48, %dma_start3A_227, %dma_start3A_228] : memref<2x16x64xi32, #tpu.memory_space<vmem>> -> memref<1x1x64xi32, #tpu.memory_space<vmem>>
      %dma_start3A_230 = tpu.memref_squeeze %dma_start3A_229 : memref<1x1x64xi32, #tpu.memory_space<vmem>> -> memref<64xi32, #tpu.memory_space<vmem>>
      %dma_start3A_231 = arith.constant 0 : i32
      %dma_start3A_232 = arith.constant 0 : i32
      %dma_start3A_233 = tpu.memref_slice %arg2[%dma_start3A_231, %dma_start3A_232] : memref<20000x128xf32, #tpu.memory_space<hbm>> -> memref<20000x128xf32, #tpu.memory_space<hbm>>
      tpu.enqueue_indirect_dma source(%dma_start3A_233 : memref<20000x128xf32, #tpu.memory_space<hbm>>) target(%arg12 : memref<64x128xf32, #tpu.memory_space<vmem>>) offsets(%dma_start3A_230 : memref<64xi32, #tpu.memory_space<vmem>>) semaphore(%arg17 : memref<!tpu.dma_semaphore, #tpu.memory_space<semaphore_mem>>)
      %dma_wait3A_234 = arith.constant 12 : i32
      %dma_wait3A_235 = arith.constant 0 : i32
      %dma_wait3A_236 = tpu.memref_slice %arg7[%rem3A_48, %dma_wait3A_234, %dma_wait3A_235] : memref<2x16x64xi32, #tpu.memory_space<vmem>> -> memref<1x1x64xi32, #tpu.memory_space<vmem>>
      %dma_wait3A_237 = tpu.memref_squeeze %dma_wait3A_236 : memref<1x1x64xi32, #tpu.memory_space<vmem>> -> memref<64xi32, #tpu.memory_space<vmem>>
      %dma_wait3A_238 = arith.constant 0 : i32
      %dma_wait3A_239 = arith.constant 0 : i32
      %dma_wait3A_240 = tpu.memref_slice %arg2[%dma_wait3A_238, %dma_wait3A_239] : memref<20000x128xf32, #tpu.memory_space<hbm>> -> memref<20000x128xf32, #tpu.memory_space<hbm>>
      tpu.wait_indirect_dma semaphore(%arg14 : memref<!tpu.dma_semaphore, #tpu.memory_space<semaphore_mem>>) src(%dma_wait3A_240 : memref<20000x128xf32, #tpu.memory_space<hbm>>) dst(%arg9 : memref<64x128xf32, #tpu.memory_space<vmem>>)
      %run_scoped3A_241 = arith.constant 12 : i32
      "tpu.region"() ({
        %run_scoped3A_294 = tpu.sem_alloc : memref<!tpu.dma_semaphore, #tpu.memory_space<semaphore_mem>>
        %dma_start3A_295 = arith.constant 0 : i32
        %dma_start3A_296 = tpu.memref_slice %arg8[%rem3A_48, %run_scoped3A_241, %dma_start3A_295] : memref<2x16x64xi32, #tpu.memory_space<vmem>> -> memref<1x1x64xi32, #tpu.memory_space<vmem>>
        %dma_start3A_297 = tpu.memref_squeeze %dma_start3A_296 : memref<1x1x64xi32, #tpu.memory_space<vmem>> -> memref<64xi32, #tpu.memory_space<vmem>>
        %dma_start3A_298 = arith.constant 0 : i32
        %dma_start3A_299 = arith.constant 0 : i32
        %dma_start3A_300 = tpu.memref_slice %arg13[%dma_start3A_298, %dma_start3A_299] : memref<10240x128xf32, #tpu.memory_space<vmem_shared>> -> memref<10240x128xf32, #tpu.memory_space<vmem_shared>>
        tpu.enqueue_indirect_dma source(%arg9 : memref<64x128xf32, #tpu.memory_space<vmem>>) target(%dma_start3A_300 : memref<10240x128xf32, #tpu.memory_space<vmem_shared>>) offsets(%dma_start3A_297 : memref<64xi32, #tpu.memory_space<vmem>>) semaphore(%run_scoped3A_294 : memref<!tpu.dma_semaphore, #tpu.memory_space<semaphore_mem>>) {add = true}
        %dma_wait3A_301 = arith.constant 0 : i32
        %dma_wait3A_302 = tpu.memref_slice %arg8[%rem3A_48, %run_scoped3A_241, %dma_wait3A_301] : memref<2x16x64xi32, #tpu.memory_space<vmem>> -> memref<1x1x64xi32, #tpu.memory_space<vmem>>
        %dma_wait3A_303 = tpu.memref_squeeze %dma_wait3A_302 : memref<1x1x64xi32, #tpu.memory_space<vmem>> -> memref<64xi32, #tpu.memory_space<vmem>>
        %dma_wait3A_304 = arith.constant 0 : i32
        %dma_wait3A_305 = arith.constant 0 : i32
        %dma_wait3A_306 = tpu.memref_slice %arg13[%dma_wait3A_304, %dma_wait3A_305] : memref<10240x128xf32, #tpu.memory_space<vmem_shared>> -> memref<10240x128xf32, #tpu.memory_space<vmem_shared>>
        tpu.wait_indirect_dma semaphore(%run_scoped3A_294 : memref<!tpu.dma_semaphore, #tpu.memory_space<semaphore_mem>>) src(%arg9 : memref<64x128xf32, #tpu.memory_space<vmem>>) dst(%dma_wait3A_306 : memref<10240x128xf32, #tpu.memory_space<vmem_shared>>)
        tpu.yield
      }) : () -> ()
      %add3A_242 = arith.constant 1 : i32
      %add3A_243 = arith.addi %scan3A_47, %add3A_242 : i32
      %lt3A_244 = arith.constant 20 : i32
      %lt3A_245 = arith.cmpi slt, %add3A_243, %lt3A_244 : i32
      %convert_element_type3A_246 = arith.extui %lt3A_245 : i1 to i32
      %cond3A_247 = arith.constant 0 : i32
      %cond3A_248 = arith.cmpi ne, %convert_element_type3A_246, %cond3A_247 : i32
      scf.if %cond3A_248 {
        %add3A_294 = arith.constant 1 : i32
        %add3A_295 = arith.addi %scan3A_47, %add3A_294 : i32
        %sub3A = arith.constant 1 : i32
        %sub3A_296 = arith.subi %sub3A, %rem3A_48 : i32
        %dma_wait3A_297 = arith.constant 0 : i32
        %dma_wait3A_298 = arith.constant 0 : i32
        %dma_wait3A_299 = tpu.memref_slice %arg7[%sub3A_296, %dma_wait3A_297, %dma_wait3A_298] : memref<2x16x64xi32, #tpu.memory_space<vmem>> -> memref<1x16x64xi32, #tpu.memory_space<vmem>>
        %dma_wait3A_300 = tpu.memref_squeeze %dma_wait3A_299 : memref<1x16x64xi32, #tpu.memory_space<vmem>> -> memref<16x64xi32, #tpu.memory_space<vmem>>
        %dma_wait3A_301 = arith.constant 0 : i32
        %dma_wait3A_302 = arith.constant 0 : i32
        %dma_wait3A_303 = tpu.memref_slice %arg3[%arg0, %arg1, %add3A_295, %dma_wait3A_301, %dma_wait3A_302] : memref<2x16x20x16x64xi32, #tpu.memory_space<hbm>> -> memref<1x1x1x16x64xi32, #tpu.memory_space<hbm>>
        %dma_wait3A_304 = tpu.memref_squeeze %dma_wait3A_303 : memref<1x1x1x16x64xi32, #tpu.memory_space<hbm>> -> memref<16x64xi32, #tpu.memory_space<hbm>>
        %dma_wait3A_305 = arith.constant 0 : i32
        %dma_wait3A_306 = arith.constant 0 : i32
        %dma_wait3A_307 = tpu.memref_slice %arg7[%sub3A_296, %dma_wait3A_305, %dma_wait3A_306] : memref<2x16x64xi32, #tpu.memory_space<vmem>> -> memref<1x16x64xi32, #tpu.memory_space<vmem>>
        %dma_wait3A_308 = tpu.memref_squeeze %dma_wait3A_307 : memref<1x16x64xi32, #tpu.memory_space<vmem>> -> memref<16x64xi32, #tpu.memory_space<vmem>>
        %dma_wait3A_309 = arith.constant 0 : i32
        %dma_wait3A_310 = arith.constant 0 : i32
        %dma_wait3A_311 = tpu.memref_slice %arg3[%arg0, %arg1, %add3A_295, %dma_wait3A_309, %dma_wait3A_310] : memref<2x16x20x16x64xi32, #tpu.memory_space<hbm>> -> memref<1x1x1x16x64xi32, #tpu.memory_space<hbm>>
        %dma_wait3A_312 = tpu.memref_squeeze %dma_wait3A_311 : memref<1x1x1x16x64xi32, #tpu.memory_space<hbm>> -> memref<16x64xi32, #tpu.memory_space<hbm>>
        tpu.wait_dma2 semaphore(%arg18 : memref<!tpu.dma_semaphore, #tpu.memory_space<semaphore_mem>>) src(%dma_wait3A_312 : memref<16x64xi32, #tpu.memory_space<hbm>>) dst(%dma_wait3A_308 : memref<16x64xi32, #tpu.memory_space<vmem>>)
        %add3A_313 = arith.constant 1 : i32
        %add3A_314 = arith.addi %scan3A_47, %add3A_313 : i32
        %sub3A_315 = arith.constant 1 : i32
        %sub3A_316 = arith.subi %sub3A_315, %rem3A_48 : i32
        %dma_wait3A_317 = arith.constant 0 : i32
        %dma_wait3A_318 = arith.constant 0 : i32
        %dma_wait3A_319 = tpu.memref_slice %arg8[%sub3A_316, %dma_wait3A_317, %dma_wait3A_318] : memref<2x16x64xi32, #tpu.memory_space<vmem>> -> memref<1x16x64xi32, #tpu.memory_space<vmem>>
        %dma_wait3A_320 = tpu.memref_squeeze %dma_wait3A_319 : memref<1x16x64xi32, #tpu.memory_space<vmem>> -> memref<16x64xi32, #tpu.memory_space<vmem>>
        %dma_wait3A_321 = arith.constant 0 : i32
        %dma_wait3A_322 = arith.constant 0 : i32
        %dma_wait3A_323 = tpu.memref_slice %arg4[%arg0, %arg1, %add3A_314, %dma_wait3A_321, %dma_wait3A_322] : memref<2x16x20x16x64xi32, #tpu.memory_space<hbm>> -> memref<1x1x1x16x64xi32, #tpu.memory_space<hbm>>
        %dma_wait3A_324 = tpu.memref_squeeze %dma_wait3A_323 : memref<1x1x1x16x64xi32, #tpu.memory_space<hbm>> -> memref<16x64xi32, #tpu.memory_space<hbm>>
        %dma_wait3A_325 = arith.constant 0 : i32
        %dma_wait3A_326 = arith.constant 0 : i32
        %dma_wait3A_327 = tpu.memref_slice %arg8[%sub3A_316, %dma_wait3A_325, %dma_wait3A_326] : memref<2x16x64xi32, #tpu.memory_space<vmem>> -> memref<1x16x64xi32, #tpu.memory_space<vmem>>
        %dma_wait3A_328 = tpu.memref_squeeze %dma_wait3A_327 : memref<1x16x64xi32, #tpu.memory_space<vmem>> -> memref<16x64xi32, #tpu.memory_space<vmem>>
        %dma_wait3A_329 = arith.constant 0 : i32
        %dma_wait3A_330 = arith.constant 0 : i32
        %dma_wait3A_331 = tpu.memref_slice %arg4[%arg0, %arg1, %add3A_314, %dma_wait3A_329, %dma_wait3A_330] : memref<2x16x20x16x64xi32, #tpu.memory_space<hbm>> -> memref<1x1x1x16x64xi32, #tpu.memory_space<hbm>>
        %dma_wait3A_332 = tpu.memref_squeeze %dma_wait3A_331 : memref<1x1x1x16x64xi32, #tpu.memory_space<hbm>> -> memref<16x64xi32, #tpu.memory_space<hbm>>
        tpu.wait_dma2 semaphore(%arg19 : memref<!tpu.dma_semaphore, #tpu.memory_space<semaphore_mem>>) src(%dma_wait3A_332 : memref<16x64xi32, #tpu.memory_space<hbm>>) dst(%dma_wait3A_328 : memref<16x64xi32, #tpu.memory_space<vmem>>)
        %sub3A_333 = arith.constant 1 : i32
        %sub3A_334 = arith.subi %sub3A_333, %rem3A_48 : i32
        %dma_start3A_335 = arith.constant 0 : i32
        %dma_start3A_336 = arith.constant 0 : i32
        %dma_start3A_337 = tpu.memref_slice %arg7[%sub3A_334, %dma_start3A_335, %dma_start3A_336] : memref<2x16x64xi32, #tpu.memory_space<vmem>> -> memref<1x1x64xi32, #tpu.memory_space<vmem>>
        %dma_start3A_338 = tpu.memref_squeeze %dma_start3A_337 : memref<1x1x64xi32, #tpu.memory_space<vmem>> -> memref<64xi32, #tpu.memory_space<vmem>>
        %dma_start3A_339 = arith.constant 0 : i32
        %dma_start3A_340 = arith.constant 0 : i32
        %dma_start3A_341 = tpu.memref_slice %arg2[%dma_start3A_339, %dma_start3A_340] : memref<20000x128xf32, #tpu.memory_space<hbm>> -> memref<20000x128xf32, #tpu.memory_space<hbm>>
        tpu.enqueue_indirect_dma source(%dma_start3A_341 : memref<20000x128xf32, #tpu.memory_space<hbm>>) target(%arg9 : memref<64x128xf32, #tpu.memory_space<vmem>>) offsets(%dma_start3A_338 : memref<64xi32, #tpu.memory_space<vmem>>) semaphore(%arg14 : memref<!tpu.dma_semaphore, #tpu.memory_space<semaphore_mem>>)
      } else {
      }
      %dma_wait3A_249 = arith.constant 13 : i32
      %dma_wait3A_250 = arith.constant 0 : i32
      %dma_wait3A_251 = tpu.memref_slice %arg7[%rem3A_48, %dma_wait3A_249, %dma_wait3A_250] : memref<2x16x64xi32, #tpu.memory_space<vmem>> -> memref<1x1x64xi32, #tpu.memory_space<vmem>>
      %dma_wait3A_252 = tpu.memref_squeeze %dma_wait3A_251 : memref<1x1x64xi32, #tpu.memory_space<vmem>> -> memref<64xi32, #tpu.memory_space<vmem>>
      %dma_wait3A_253 = arith.constant 0 : i32
      %dma_wait3A_254 = arith.constant 0 : i32
      %dma_wait3A_255 = tpu.memref_slice %arg2[%dma_wait3A_253, %dma_wait3A_254] : memref<20000x128xf32, #tpu.memory_space<hbm>> -> memref<20000x128xf32, #tpu.memory_space<hbm>>
      tpu.wait_indirect_dma semaphore(%arg15 : memref<!tpu.dma_semaphore, #tpu.memory_space<semaphore_mem>>) src(%dma_wait3A_255 : memref<20000x128xf32, #tpu.memory_space<hbm>>) dst(%arg10 : memref<64x128xf32, #tpu.memory_space<vmem>>)
      %run_scoped3A_256 = arith.constant 13 : i32
      "tpu.region"() ({
        %run_scoped3A_294 = tpu.sem_alloc : memref<!tpu.dma_semaphore, #tpu.memory_space<semaphore_mem>>
        %dma_start3A_295 = arith.constant 0 : i32
        %dma_start3A_296 = tpu.memref_slice %arg8[%rem3A_48, %run_scoped3A_256, %dma_start3A_295] : memref<2x16x64xi32, #tpu.memory_space<vmem>> -> memref<1x1x64xi32, #tpu.memory_space<vmem>>
        %dma_start3A_297 = tpu.memref_squeeze %dma_start3A_296 : memref<1x1x64xi32, #tpu.memory_space<vmem>> -> memref<64xi32, #tpu.memory_space<vmem>>
        %dma_start3A_298 = arith.constant 0 : i32
        %dma_start3A_299 = arith.constant 0 : i32
        %dma_start3A_300 = tpu.memref_slice %arg13[%dma_start3A_298, %dma_start3A_299] : memref<10240x128xf32, #tpu.memory_space<vmem_shared>> -> memref<10240x128xf32, #tpu.memory_space<vmem_shared>>
        tpu.enqueue_indirect_dma source(%arg10 : memref<64x128xf32, #tpu.memory_space<vmem>>) target(%dma_start3A_300 : memref<10240x128xf32, #tpu.memory_space<vmem_shared>>) offsets(%dma_start3A_297 : memref<64xi32, #tpu.memory_space<vmem>>) semaphore(%run_scoped3A_294 : memref<!tpu.dma_semaphore, #tpu.memory_space<semaphore_mem>>) {add = true}
        %dma_wait3A_301 = arith.constant 0 : i32
        %dma_wait3A_302 = tpu.memref_slice %arg8[%rem3A_48, %run_scoped3A_256, %dma_wait3A_301] : memref<2x16x64xi32, #tpu.memory_space<vmem>> -> memref<1x1x64xi32, #tpu.memory_space<vmem>>
        %dma_wait3A_303 = tpu.memref_squeeze %dma_wait3A_302 : memref<1x1x64xi32, #tpu.memory_space<vmem>> -> memref<64xi32, #tpu.memory_space<vmem>>
        %dma_wait3A_304 = arith.constant 0 : i32
        %dma_wait3A_305 = arith.constant 0 : i32
        %dma_wait3A_306 = tpu.memref_slice %arg13[%dma_wait3A_304, %dma_wait3A_305] : memref<10240x128xf32, #tpu.memory_space<vmem_shared>> -> memref<10240x128xf32, #tpu.memory_space<vmem_shared>>
        tpu.wait_indirect_dma semaphore(%run_scoped3A_294 : memref<!tpu.dma_semaphore, #tpu.memory_space<semaphore_mem>>) src(%arg10 : memref<64x128xf32, #tpu.memory_space<vmem>>) dst(%dma_wait3A_306 : memref<10240x128xf32, #tpu.memory_space<vmem_shared>>)
        tpu.yield
      }) : () -> ()
      %add3A_257 = arith.constant 1 : i32
      %add3A_258 = arith.addi %scan3A_47, %add3A_257 : i32
      %lt3A_259 = arith.constant 20 : i32
      %lt3A_260 = arith.cmpi slt, %add3A_258, %lt3A_259 : i32
      %convert_element_type3A_261 = arith.extui %lt3A_260 : i1 to i32
      %cond3A_262 = arith.constant 0 : i32
      %cond3A_263 = arith.cmpi ne, %convert_element_type3A_261, %cond3A_262 : i32
      scf.if %cond3A_263 {
        %sub3A = arith.constant 1 : i32
        %sub3A_294 = arith.subi %sub3A, %rem3A_48 : i32
        %dma_start3A_295 = arith.constant 1 : i32
        %dma_start3A_296 = arith.constant 0 : i32
        %dma_start3A_297 = tpu.memref_slice %arg7[%sub3A_294, %dma_start3A_295, %dma_start3A_296] : memref<2x16x64xi32, #tpu.memory_space<vmem>> -> memref<1x1x64xi32, #tpu.memory_space<vmem>>
        %dma_start3A_298 = tpu.memref_squeeze %dma_start3A_297 : memref<1x1x64xi32, #tpu.memory_space<vmem>> -> memref<64xi32, #tpu.memory_space<vmem>>
        %dma_start3A_299 = arith.constant 0 : i32
        %dma_start3A_300 = arith.constant 0 : i32
        %dma_start3A_301 = tpu.memref_slice %arg2[%dma_start3A_299, %dma_start3A_300] : memref<20000x128xf32, #tpu.memory_space<hbm>> -> memref<20000x128xf32, #tpu.memory_space<hbm>>
        tpu.enqueue_indirect_dma source(%dma_start3A_301 : memref<20000x128xf32, #tpu.memory_space<hbm>>) target(%arg10 : memref<64x128xf32, #tpu.memory_space<vmem>>) offsets(%dma_start3A_298 : memref<64xi32, #tpu.memory_space<vmem>>) semaphore(%arg15 : memref<!tpu.dma_semaphore, #tpu.memory_space<semaphore_mem>>)
      } else {
      }
      %dma_wait3A_264 = arith.constant 14 : i32
      %dma_wait3A_265 = arith.constant 0 : i32
      %dma_wait3A_266 = tpu.memref_slice %arg7[%rem3A_48, %dma_wait3A_264, %dma_wait3A_265] : memref<2x16x64xi32, #tpu.memory_space<vmem>> -> memref<1x1x64xi32, #tpu.memory_space<vmem>>
      %dma_wait3A_267 = tpu.memref_squeeze %dma_wait3A_266 : memref<1x1x64xi32, #tpu.memory_space<vmem>> -> memref<64xi32, #tpu.memory_space<vmem>>
      %dma_wait3A_268 = arith.constant 0 : i32
      %dma_wait3A_269 = arith.constant 0 : i32
      %dma_wait3A_270 = tpu.memref_slice %arg2[%dma_wait3A_268, %dma_wait3A_269] : memref<20000x128xf32, #tpu.memory_space<hbm>> -> memref<20000x128xf32, #tpu.memory_space<hbm>>
      tpu.wait_indirect_dma semaphore(%arg16 : memref<!tpu.dma_semaphore, #tpu.memory_space<semaphore_mem>>) src(%dma_wait3A_270 : memref<20000x128xf32, #tpu.memory_space<hbm>>) dst(%arg11 : memref<64x128xf32, #tpu.memory_space<vmem>>)
      %run_scoped3A_271 = arith.constant 14 : i32
      "tpu.region"() ({
        %run_scoped3A_294 = tpu.sem_alloc : memref<!tpu.dma_semaphore, #tpu.memory_space<semaphore_mem>>
        %dma_start3A_295 = arith.constant 0 : i32
        %dma_start3A_296 = tpu.memref_slice %arg8[%rem3A_48, %run_scoped3A_271, %dma_start3A_295] : memref<2x16x64xi32, #tpu.memory_space<vmem>> -> memref<1x1x64xi32, #tpu.memory_space<vmem>>
        %dma_start3A_297 = tpu.memref_squeeze %dma_start3A_296 : memref<1x1x64xi32, #tpu.memory_space<vmem>> -> memref<64xi32, #tpu.memory_space<vmem>>
        %dma_start3A_298 = arith.constant 0 : i32
        %dma_start3A_299 = arith.constant 0 : i32
        %dma_start3A_300 = tpu.memref_slice %arg13[%dma_start3A_298, %dma_start3A_299] : memref<10240x128xf32, #tpu.memory_space<vmem_shared>> -> memref<10240x128xf32, #tpu.memory_space<vmem_shared>>
        tpu.enqueue_indirect_dma source(%arg11 : memref<64x128xf32, #tpu.memory_space<vmem>>) target(%dma_start3A_300 : memref<10240x128xf32, #tpu.memory_space<vmem_shared>>) offsets(%dma_start3A_297 : memref<64xi32, #tpu.memory_space<vmem>>) semaphore(%run_scoped3A_294 : memref<!tpu.dma_semaphore, #tpu.memory_space<semaphore_mem>>) {add = true}
        %dma_wait3A_301 = arith.constant 0 : i32
        %dma_wait3A_302 = tpu.memref_slice %arg8[%rem3A_48, %run_scoped3A_271, %dma_wait3A_301] : memref<2x16x64xi32, #tpu.memory_space<vmem>> -> memref<1x1x64xi32, #tpu.memory_space<vmem>>
        %dma_wait3A_303 = tpu.memref_squeeze %dma_wait3A_302 : memref<1x1x64xi32, #tpu.memory_space<vmem>> -> memref<64xi32, #tpu.memory_space<vmem>>
        %dma_wait3A_304 = arith.constant 0 : i32
        %dma_wait3A_305 = arith.constant 0 : i32
        %dma_wait3A_306 = tpu.memref_slice %arg13[%dma_wait3A_304, %dma_wait3A_305] : memref<10240x128xf32, #tpu.memory_space<vmem_shared>> -> memref<10240x128xf32, #tpu.memory_space<vmem_shared>>
        tpu.wait_indirect_dma semaphore(%run_scoped3A_294 : memref<!tpu.dma_semaphore, #tpu.memory_space<semaphore_mem>>) src(%arg11 : memref<64x128xf32, #tpu.memory_space<vmem>>) dst(%dma_wait3A_306 : memref<10240x128xf32, #tpu.memory_space<vmem_shared>>)
        tpu.yield
      }) : () -> ()
      %add3A_272 = arith.constant 1 : i32
      %add3A_273 = arith.addi %scan3A_47, %add3A_272 : i32
      %lt3A_274 = arith.constant 20 : i32
      %lt3A_275 = arith.cmpi slt, %add3A_273, %lt3A_274 : i32
      %convert_element_type3A_276 = arith.extui %lt3A_275 : i1 to i32
      %cond3A_277 = arith.constant 0 : i32
      %cond3A_278 = arith.cmpi ne, %convert_element_type3A_276, %cond3A_277 : i32
      scf.if %cond3A_278 {
        %sub3A = arith.constant 1 : i32
        %sub3A_294 = arith.subi %sub3A, %rem3A_48 : i32
        %dma_start3A_295 = arith.constant 2 : i32
        %dma_start3A_296 = arith.constant 0 : i32
        %dma_start3A_297 = tpu.memref_slice %arg7[%sub3A_294, %dma_start3A_295, %dma_start3A_296] : memref<2x16x64xi32, #tpu.memory_space<vmem>> -> memref<1x1x64xi32, #tpu.memory_space<vmem>>
        %dma_start3A_298 = tpu.memref_squeeze %dma_start3A_297 : memref<1x1x64xi32, #tpu.memory_space<vmem>> -> memref<64xi32, #tpu.memory_space<vmem>>
        %dma_start3A_299 = arith.constant 0 : i32
        %dma_start3A_300 = arith.constant 0 : i32
        %dma_start3A_301 = tpu.memref_slice %arg2[%dma_start3A_299, %dma_start3A_300] : memref<20000x128xf32, #tpu.memory_space<hbm>> -> memref<20000x128xf32, #tpu.memory_space<hbm>>
        tpu.enqueue_indirect_dma source(%dma_start3A_301 : memref<20000x128xf32, #tpu.memory_space<hbm>>) target(%arg11 : memref<64x128xf32, #tpu.memory_space<vmem>>) offsets(%dma_start3A_298 : memref<64xi32, #tpu.memory_space<vmem>>) semaphore(%arg16 : memref<!tpu.dma_semaphore, #tpu.memory_space<semaphore_mem>>)
      } else {
      }
      %dma_wait3A_279 = arith.constant 15 : i32
      %dma_wait3A_280 = arith.constant 0 : i32
      %dma_wait3A_281 = tpu.memref_slice %arg7[%rem3A_48, %dma_wait3A_279, %dma_wait3A_280] : memref<2x16x64xi32, #tpu.memory_space<vmem>> -> memref<1x1x64xi32, #tpu.memory_space<vmem>>
      %dma_wait3A_282 = tpu.memref_squeeze %dma_wait3A_281 : memref<1x1x64xi32, #tpu.memory_space<vmem>> -> memref<64xi32, #tpu.memory_space<vmem>>
      %dma_wait3A_283 = arith.constant 0 : i32
      %dma_wait3A_284 = arith.constant 0 : i32
      %dma_wait3A_285 = tpu.memref_slice %arg2[%dma_wait3A_283, %dma_wait3A_284] : memref<20000x128xf32, #tpu.memory_space<hbm>> -> memref<20000x128xf32, #tpu.memory_space<hbm>>
      tpu.wait_indirect_dma semaphore(%arg17 : memref<!tpu.dma_semaphore, #tpu.memory_space<semaphore_mem>>) src(%dma_wait3A_285 : memref<20000x128xf32, #tpu.memory_space<hbm>>) dst(%arg12 : memref<64x128xf32, #tpu.memory_space<vmem>>)
      %run_scoped3A_286 = arith.constant 15 : i32
      "tpu.region"() ({
        %run_scoped3A_294 = tpu.sem_alloc : memref<!tpu.dma_semaphore, #tpu.memory_space<semaphore_mem>>
        %dma_start3A_295 = arith.constant 0 : i32
        %dma_start3A_296 = tpu.memref_slice %arg8[%rem3A_48, %run_scoped3A_286, %dma_start3A_295] : memref<2x16x64xi32, #tpu.memory_space<vmem>> -> memref<1x1x64xi32, #tpu.memory_space<vmem>>
        %dma_start3A_297 = tpu.memref_squeeze %dma_start3A_296 : memref<1x1x64xi32, #tpu.memory_space<vmem>> -> memref<64xi32, #tpu.memory_space<vmem>>
        %dma_start3A_298 = arith.constant 0 : i32
        %dma_start3A_299 = arith.constant 0 : i32
        %dma_start3A_300 = tpu.memref_slice %arg13[%dma_start3A_298, %dma_start3A_299] : memref<10240x128xf32, #tpu.memory_space<vmem_shared>> -> memref<10240x128xf32, #tpu.memory_space<vmem_shared>>
        tpu.enqueue_indirect_dma source(%arg12 : memref<64x128xf32, #tpu.memory_space<vmem>>) target(%dma_start3A_300 : memref<10240x128xf32, #tpu.memory_space<vmem_shared>>) offsets(%dma_start3A_297 : memref<64xi32, #tpu.memory_space<vmem>>) semaphore(%run_scoped3A_294 : memref<!tpu.dma_semaphore, #tpu.memory_space<semaphore_mem>>) {add = true}
        %dma_wait3A_301 = arith.constant 0 : i32
        %dma_wait3A_302 = tpu.memref_slice %arg8[%rem3A_48, %run_scoped3A_286, %dma_wait3A_301] : memref<2x16x64xi32, #tpu.memory_space<vmem>> -> memref<1x1x64xi32, #tpu.memory_space<vmem>>
        %dma_wait3A_303 = tpu.memref_squeeze %dma_wait3A_302 : memref<1x1x64xi32, #tpu.memory_space<vmem>> -> memref<64xi32, #tpu.memory_space<vmem>>
        %dma_wait3A_304 = arith.constant 0 : i32
        %dma_wait3A_305 = arith.constant 0 : i32
        %dma_wait3A_306 = tpu.memref_slice %arg13[%dma_wait3A_304, %dma_wait3A_305] : memref<10240x128xf32, #tpu.memory_space<vmem_shared>> -> memref<10240x128xf32, #tpu.memory_space<vmem_shared>>
        tpu.wait_indirect_dma semaphore(%run_scoped3A_294 : memref<!tpu.dma_semaphore, #tpu.memory_space<semaphore_mem>>) src(%arg12 : memref<64x128xf32, #tpu.memory_space<vmem>>) dst(%dma_wait3A_306 : memref<10240x128xf32, #tpu.memory_space<vmem_shared>>)
        tpu.yield
      }) : () -> ()
      %add3A_287 = arith.constant 1 : i32
      %add3A_288 = arith.addi %scan3A_47, %add3A_287 : i32
      %lt3A_289 = arith.constant 20 : i32
      %lt3A_290 = arith.cmpi slt, %add3A_288, %lt3A_289 : i32
      %convert_element_type3A_291 = arith.extui %lt3A_290 : i1 to i32
      %cond3A_292 = arith.constant 0 : i32
      %cond3A_293 = arith.cmpi ne, %convert_element_type3A_291, %cond3A_292 : i32
      scf.if %cond3A_293 {
        %sub3A = arith.constant 1 : i32
        %sub3A_294 = arith.subi %sub3A, %rem3A_48 : i32
        %dma_start3A_295 = arith.constant 3 : i32
        %dma_start3A_296 = arith.constant 0 : i32
        %dma_start3A_297 = tpu.memref_slice %arg7[%sub3A_294, %dma_start3A_295, %dma_start3A_296] : memref<2x16x64xi32, #tpu.memory_space<vmem>> -> memref<1x1x64xi32, #tpu.memory_space<vmem>>
        %dma_start3A_298 = tpu.memref_squeeze %dma_start3A_297 : memref<1x1x64xi32, #tpu.memory_space<vmem>> -> memref<64xi32, #tpu.memory_space<vmem>>
        %dma_start3A_299 = arith.constant 0 : i32
        %dma_start3A_300 = arith.constant 0 : i32
        %dma_start3A_301 = tpu.memref_slice %arg2[%dma_start3A_299, %dma_start3A_300] : memref<20000x128xf32, #tpu.memory_space<hbm>> -> memref<20000x128xf32, #tpu.memory_space<hbm>>
        tpu.enqueue_indirect_dma source(%dma_start3A_301 : memref<20000x128xf32, #tpu.memory_space<hbm>>) target(%arg12 : memref<64x128xf32, #tpu.memory_space<vmem>>) offsets(%dma_start3A_298 : memref<64xi32, #tpu.memory_space<vmem>>) semaphore(%arg17 : memref<!tpu.dma_semaphore, #tpu.memory_space<semaphore_mem>>)
      } else {
      }
    }
    %scan3A_39 = arith.constant 20 : i32
    %barrier3A_40 = arith.constant 0 : index
    tpu.barrier barrier_id(%barrier3A_40)
    %lt3A = arith.constant 15 : i32
    %lt3A_41 = arith.cmpi slt, %arg1, %lt3A : i32
    %convert_element_type3A = arith.extui %lt3A_41 : i1 to i32
    %cond3A = arith.constant 0 : i32
    %cond3A_42 = arith.cmpi ne, %convert_element_type3A, %cond3A : i32
    scf.if %cond3A_42 {
      %mul3A_47 = arith.constant 624 : i32
      %mul3A_48 = arith.muli %arg1, %mul3A_47 : i32
      %mul3A_49 = arith.constant 10000 : i32
      %mul3A_50 = arith.muli %arg0, %mul3A_49 : i32
      %mul3A_51 = arith.constant 624 : i32
      %mul3A_52 = arith.muli %arg1, %mul3A_51 : i32
      %add3A = arith.addi %mul3A_50, %mul3A_52 : i32
      "tpu.region"() ({
        %run_scoped3A_53 = tpu.sem_alloc : memref<!tpu.dma_semaphore, #tpu.memory_space<semaphore_mem>>
        %dma_start3A_54 = arith.constant 0 : i32
        %dma_start3A_55 = tpu.memref_slice %arg6[%add3A, %dma_start3A_54] : memref<20000x128xf32, #tpu.memory_space<hbm>> -> memref<624x128xf32, #tpu.memory_space<hbm>>
        %dma_start3A_56 = arith.constant 0 : i32
        %dma_start3A_57 = tpu.memref_slice %arg13[%mul3A_48, %dma_start3A_56] : memref<10240x128xf32, #tpu.memory_space<vmem_shared>> -> memref<624x128xf32, #tpu.memory_space<vmem_shared>>
        tpu.enqueue_dma source(%dma_start3A_57 : memref<624x128xf32, #tpu.memory_space<vmem_shared>>) target(%dma_start3A_55 : memref<624x128xf32, #tpu.memory_space<hbm>>) target_semaphore(%run_scoped3A_53 : memref<!tpu.dma_semaphore, #tpu.memory_space<semaphore_mem>>)
        %dma_wait3A = arith.constant 0 : i32
        %dma_wait3A_58 = tpu.memref_slice %arg6[%add3A, %dma_wait3A] : memref<20000x128xf32, #tpu.memory_space<hbm>> -> memref<624x128xf32, #tpu.memory_space<hbm>>
        %dma_wait3A_59 = arith.constant 0 : i32
        %dma_wait3A_60 = tpu.memref_slice %arg13[%mul3A_48, %dma_wait3A_59] : memref<10240x128xf32, #tpu.memory_space<vmem_shared>> -> memref<624x128xf32, #tpu.memory_space<vmem_shared>>
        tpu.wait_dma2 semaphore(%run_scoped3A_53 : memref<!tpu.dma_semaphore, #tpu.memory_space<semaphore_mem>>) src(%dma_wait3A_60 : memref<624x128xf32, #tpu.memory_space<vmem_shared>>) dst(%dma_wait3A_58 : memref<624x128xf32, #tpu.memory_space<hbm>>)
        tpu.yield
      }) : () -> ()
    } else {
    }
    %eq3A = arith.constant 15 : i32
    %eq3A_43 = arith.cmpi eq, %arg1, %eq3A : i32
    %convert_element_type3A_44 = arith.extui %eq3A_43 : i1 to i32
    %cond3A_45 = arith.constant 0 : i32
    %cond3A_46 = arith.cmpi ne, %convert_element_type3A_44, %cond3A_45 : i32
    scf.if %cond3A_46 {
      %mul3A_47 = arith.constant 10000 : i32
      %mul3A_48 = arith.muli %arg0, %mul3A_47 : i32
      %add3A = arith.constant 9360 : i32
      %add3A_49 = arith.addi %mul3A_48, %add3A : i32
      "tpu.region"() ({
        %run_scoped3A_50 = tpu.sem_alloc : memref<!tpu.dma_semaphore, #tpu.memory_space<semaphore_mem>>
        %dma_start3A_51 = arith.constant 0 : i32
        %dma_start3A_52 = tpu.memref_slice %arg6[%add3A_49, %dma_start3A_51] : memref<20000x128xf32, #tpu.memory_space<hbm>> -> memref<640x128xf32, #tpu.memory_space<hbm>>
        %dma_start3A_53 = arith.constant 9360 : i32
        %dma_start3A_54 = arith.constant 0 : i32
        %dma_start3A_55 = tpu.memref_slice %arg13[%dma_start3A_53, %dma_start3A_54] : memref<10240x128xf32, #tpu.memory_space<vmem_shared>> -> memref<640x128xf32, #tpu.memory_space<vmem_shared>>
        tpu.enqueue_dma source(%dma_start3A_55 : memref<640x128xf32, #tpu.memory_space<vmem_shared>>) target(%dma_start3A_52 : memref<640x128xf32, #tpu.memory_space<hbm>>) target_semaphore(%run_scoped3A_50 : memref<!tpu.dma_semaphore, #tpu.memory_space<semaphore_mem>>)
        %dma_wait3A = arith.constant 0 : i32
        %dma_wait3A_56 = tpu.memref_slice %arg6[%add3A_49, %dma_wait3A] : memref<20000x128xf32, #tpu.memory_space<hbm>> -> memref<640x128xf32, #tpu.memory_space<hbm>>
        %dma_wait3A_57 = arith.constant 9360 : i32
        %dma_wait3A_58 = arith.constant 0 : i32
        %dma_wait3A_59 = tpu.memref_slice %arg13[%dma_wait3A_57, %dma_wait3A_58] : memref<10240x128xf32, #tpu.memory_space<vmem_shared>> -> memref<640x128xf32, #tpu.memory_space<vmem_shared>>
        tpu.wait_dma2 semaphore(%run_scoped3A_50 : memref<!tpu.dma_semaphore, #tpu.memory_space<semaphore_mem>>) src(%dma_wait3A_59 : memref<640x128xf32, #tpu.memory_space<vmem_shared>>) dst(%dma_wait3A_56 : memref<640x128xf32, #tpu.memory_space<hbm>>)
        tpu.yield
      }) : () -> ()
    } else {
    }
    return
  }
}

module attributes {stable_mosaic.version = 14 : i64} {
  func.func @_conv1_body(%arg0: i32, %arg1: i32, %arg2: memref<2000x128xf32, #tpu.memory_space<vmem>>, %arg3: memref<2000x128xf32, #tpu.memory_space<vmem>>, %arg4: memref<128x128xf32, #tpu.memory_space<vmem>>, %arg5: memref<1x128xf32, #tpu.memory_space<vmem>>, %arg6: memref<128x128xf32, #tpu.memory_space<vmem>>, %arg7: memref<1x128xf32, #tpu.memory_space<vmem>>, %arg8: memref<2000x128xf32, #tpu.memory_space<vmem>>) attributes {dimension_semantics = [#tpu.dimension_semantics<arbitrary>, #tpu.dimension_semantics<arbitrary>], iteration_bounds = array<i64: 2, 5>, scalar_prefetch = 0 : i64, scratch_operands = 0 : i64, tpu.core_type = #tpu.core_type<tc>, window_params = [{transform_indices = @transform_0, window_bounds = array<i64: 2000, 128>}, {transform_indices = @transform_1, window_bounds = array<i64: 2000, 128>}, {pipeline_mode = #tpu.pipeline_mode<synchronous>, transform_indices = @transform_2, window_bounds = array<i64: 128, 128>}, {pipeline_mode = #tpu.pipeline_mode<synchronous>, transform_indices = @transform_3, window_bounds = array<i64: 1, 128>}, {pipeline_mode = #tpu.pipeline_mode<synchronous>, transform_indices = @transform_4, window_bounds = array<i64: 128, 128>}, {pipeline_mode = #tpu.pipeline_mode<synchronous>, transform_indices = @transform_5, window_bounds = array<i64: 1, 128>}, {transform_indices = @transform_6, window_bounds = array<i64: 2000, 128>}]} {
    %get3A = arith.constant 0 : index
    %get3A_0 = arith.constant 0 : index
    %get3A_1 = vector.load %arg2[%get3A, %get3A_0] : memref<2000x128xf32, #tpu.memory_space<vmem>>, vector<2000x128xf32>
    %get3A_2 = arith.constant 0 : index
    %get3A_3 = arith.constant 0 : index
    %get3A_4 = vector.load %arg3[%get3A_2, %get3A_3] : memref<2000x128xf32, #tpu.memory_space<vmem>>, vector<2000x128xf32>
    %add3A = arith.addf %get3A_1, %get3A_4 : vector<2000x128xf32>
    %get3A_5 = arith.constant 0 : index
    %get3A_6 = arith.constant 0 : index
    %get3A_7 = vector.load %arg4[%get3A_5, %get3A_6] : memref<128x128xf32, #tpu.memory_space<vmem>>, vector<128x128xf32>
    %dot_general3A = arith.constant dense<0.000000e+00> : vector<2000x128xf32>
    %dot_general3A_8 = tpu.matmul %add3A, %get3A_7, %dot_general3A {dimension_numbers = #tpu.dot_dimension_numbers<[1], [0], [0], [1], [0, 0, 1, 1], [], []>, transpose_lhs_hint = false} : vector<2000x128xf32>, vector<128x128xf32>, vector<2000x128xf32> -> vector<2000x128xf32>
    %get3A_9 = arith.constant 0 : index
    %get3A_10 = arith.constant 0 : index
    %get3A_11 = vector.load %arg5[%get3A_9, %get3A_10] : memref<1x128xf32, #tpu.memory_space<vmem>>, vector<1x128xf32>
    %add3A_12 = vector.broadcast %get3A_11 : vector<1x128xf32> to vector<2000x128xf32>
    %add3A_13 = arith.addf %dot_general3A_8, %add3A_12 : vector<2000x128xf32>
    %max3A = arith.constant 0.000000e+00 : f32
    %max3A_14 = vector.broadcast %max3A : f32 to vector<2000x128xf32>
    %max3A_15 = arith.maximumf %add3A_13, %max3A_14 : vector<2000x128xf32>
    %get3A_16 = arith.constant 0 : index
    %get3A_17 = arith.constant 0 : index
    %get3A_18 = vector.load %arg6[%get3A_16, %get3A_17] : memref<128x128xf32, #tpu.memory_space<vmem>>, vector<128x128xf32>
    %dot_general3A_19 = arith.constant dense<0.000000e+00> : vector<2000x128xf32>
    %dot_general3A_20 = tpu.matmul %max3A_15, %get3A_18, %dot_general3A_19 {dimension_numbers = #tpu.dot_dimension_numbers<[1], [0], [0], [1], [0, 0, 1, 1], [], []>, transpose_lhs_hint = false} : vector<2000x128xf32>, vector<128x128xf32>, vector<2000x128xf32> -> vector<2000x128xf32>
    %get3A_21 = arith.constant 0 : index
    %get3A_22 = arith.constant 0 : index
    %get3A_23 = vector.load %arg7[%get3A_21, %get3A_22] : memref<1x128xf32, #tpu.memory_space<vmem>>, vector<1x128xf32>
    %add3A_24 = vector.broadcast %get3A_23 : vector<1x128xf32> to vector<2000x128xf32>
    %add3A_25 = arith.addf %dot_general3A_20, %add3A_24 : vector<2000x128xf32>
    %max3A_26 = arith.constant 0.000000e+00 : f32
    %max3A_27 = vector.broadcast %max3A_26 : f32 to vector<2000x128xf32>
    %max3A_28 = arith.maximumf %add3A_25, %max3A_27 : vector<2000x128xf32>
    %swap3A = arith.constant 0 : index
    %swap3A_29 = arith.constant 0 : index
    %swap3A_30 = vector.load %arg8[%swap3A, %swap3A_29] : memref<2000x128xf32, #tpu.memory_space<vmem>>, vector<2000x128xf32>
    tpu.vector_store %arg8[%swap3A, %swap3A_29], %max3A_28 {strides = array<i32>} : memref<2000x128xf32, #tpu.memory_space<vmem>>, vector<2000x128xf32>,
    return
  }
  func.func @transform_0(%arg0: i32, %arg1: i32) -> (i32, i32) {
    %c0_i32 = arith.constant 0 : i32
    %c0_i32_0 = arith.constant 0 : i32
    return %arg1, %c0_i32 : i32, i32
  }
  func.func @transform_1(%arg0: i32, %arg1: i32) -> (i32, i32) {
    %mul3A = arith.constant 5 : i32
    %mul3A_0 = arith.muli %arg0, %mul3A : i32
    %add3A = arith.addi %mul3A_0, %arg1 : i32
    %c0_i32 = arith.constant 0 : i32
    %c0_i32_1 = arith.constant 0 : i32
    return %add3A, %c0_i32 : i32, i32
  }
  func.func @transform_2(%arg0: i32, %arg1: i32) -> (i32, i32) {
    %c0_i32 = arith.constant 0 : i32
    %c0_i32_0 = arith.constant 0 : i32
    %c0_i32_1 = arith.constant 0 : i32
    return %c0_i32, %c0_i32_0 : i32, i32
  }
  func.func @transform_3(%arg0: i32, %arg1: i32) -> (i32, i32) {
    %c0_i32 = arith.constant 0 : i32
    %c0_i32_0 = arith.constant 0 : i32
    %c0_i32_1 = arith.constant 0 : i32
    return %c0_i32, %c0_i32_0 : i32, i32
  }
  func.func @transform_4(%arg0: i32, %arg1: i32) -> (i32, i32) {
    %c0_i32 = arith.constant 0 : i32
    %c0_i32_0 = arith.constant 0 : i32
    %c0_i32_1 = arith.constant 0 : i32
    return %c0_i32, %c0_i32_0 : i32, i32
  }
  func.func @transform_5(%arg0: i32, %arg1: i32) -> (i32, i32) {
    %c0_i32 = arith.constant 0 : i32
    %c0_i32_0 = arith.constant 0 : i32
    %c0_i32_1 = arith.constant 0 : i32
    return %c0_i32, %c0_i32_0 : i32, i32
  }
  func.func @transform_6(%arg0: i32, %arg1: i32) -> (i32, i32) {
    %mul3A = arith.constant 5 : i32
    %mul3A_0 = arith.muli %arg0, %mul3A : i32
    %add3A = arith.addi %mul3A_0, %arg1 : i32
    %c0_i32 = arith.constant 0 : i32
    %c0_i32_1 = arith.constant 0 : i32
    return %add3A, %c0_i32 : i32, i32
  }
}

module attributes {stable_mosaic.version = 14 : i64} {
  func.func @_head_body(%arg0: i32, %arg1: memref<2000x128xf32, #tpu.memory_space<vmem>>, %arg2: memref<2000x128xf32, #tpu.memory_space<vmem>>, %arg3: memref<2000x128xf32, #tpu.memory_space<vmem>>, %arg4: memref<2000x128xf32, #tpu.memory_space<vmem>>, %arg5: memref<128x128xf32, #tpu.memory_space<vmem>>, %arg6: memref<1x128xf32, #tpu.memory_space<vmem>>, %arg7: memref<128x128xf32, #tpu.memory_space<vmem>>, %arg8: memref<1x128xf32, #tpu.memory_space<vmem>>, %arg9: memref<128x16xf32, #tpu.memory_space<vmem>>, %arg10: memref<1x16xf32, #tpu.memory_space<vmem>>, %arg11: memref<1x16xf32, #tpu.memory_space<vmem>>, %arg12: memref<128x128xf32, #tpu.memory_space<vmem>>, %arg13: memref<1x128xf32, #tpu.memory_space<vmem>>, %arg14: memref<128x128xf32, #tpu.memory_space<vmem>>, %arg15: memref<1x128xf32, #tpu.memory_space<vmem>>, %arg16: memref<1x128xf32, #tpu.memory_space<vmem>>, %arg17: memref<1x128xf32, #tpu.memory_space<vmem>>, %arg18: memref<128x128xf32, #tpu.memory_space<vmem>>, %arg19: memref<1x128xf32, #tpu.memory_space<vmem>>, %arg20: memref<128x128xf32, #tpu.memory_space<vmem>>, %arg21: memref<1x128xf32, #tpu.memory_space<vmem>>, %arg22: memref<128x128xf32, #tpu.memory_space<vmem>>, %arg23: memref<1x128xf32, #tpu.memory_space<vmem>>, %arg24: memref<2000x128xf32, #tpu.memory_space<vmem>>, %arg25: memref<2000x128xf32, #tpu.memory_space<vmem>>, %arg26: memref<2000x128xf32, #tpu.memory_space<vmem>>, %arg27: memref<2000x128xf32, #tpu.memory_space<vmem>>, %arg28: memref<2000x128xf32, #tpu.memory_space<vmem>>, %arg29: memref<2000x128xf32, #tpu.memory_space<vmem>>) attributes {dimension_semantics = [#tpu.dimension_semantics<arbitrary>], iteration_bounds = array<i64: 5>, scalar_prefetch = 0 : i64, scratch_operands = 0 : i64, tpu.core_type = #tpu.core_type<tc>, window_params = [{transform_indices = @transform_0, window_bounds = array<i64: 2000, 128>}, {transform_indices = @transform_1, window_bounds = array<i64: 2000, 128>}, {transform_indices = @transform_2, window_bounds = array<i64: 2000, 128>}, {transform_indices = @transform_3, window_bounds = array<i64: 2000, 128>}, {pipeline_mode = #tpu.pipeline_mode<synchronous>, transform_indices = @transform_4, window_bounds = array<i64: 128, 128>}, {pipeline_mode = #tpu.pipeline_mode<synchronous>, transform_indices = @transform_5, window_bounds = array<i64: 1, 128>}, {pipeline_mode = #tpu.pipeline_mode<synchronous>, transform_indices = @transform_6, window_bounds = array<i64: 128, 128>}, {pipeline_mode = #tpu.pipeline_mode<synchronous>, transform_indices = @transform_7, window_bounds = array<i64: 1, 128>}, {pipeline_mode = #tpu.pipeline_mode<synchronous>, transform_indices = @transform_8, window_bounds = array<i64: 128, 16>}, {pipeline_mode = #tpu.pipeline_mode<synchronous>, transform_indices = @transform_9, window_bounds = array<i64: 1, 16>}, {pipeline_mode = #tpu.pipeline_mode<synchronous>, transform_indices = @transform_10, window_bounds = array<i64: 1, 16>}, {pipeline_mode = #tpu.pipeline_mode<synchronous>, transform_indices = @transform_11, window_bounds = array<i64: 128, 128>}, {pipeline_mode = #tpu.pipeline_mode<synchronous>, transform_indices = @transform_12, window_bounds = array<i64: 1, 128>}, {pipeline_mode = #tpu.pipeline_mode<synchronous>, transform_indices = @transform_13, window_bounds = array<i64: 128, 128>}, {pipeline_mode = #tpu.pipeline_mode<synchronous>, transform_indices = @transform_14, window_bounds = array<i64: 1, 128>}, {pipeline_mode = #tpu.pipeline_mode<synchronous>, transform_indices = @transform_15, window_bounds = array<i64: 1, 128>}, {pipeline_mode = #tpu.pipeline_mode<synchronous>, transform_indices = @transform_16, window_bounds = array<i64: 1, 128>}, {pipeline_mode = #tpu.pipeline_mode<synchronous>, transform_indices = @transform_17, window_bounds = array<i64: 128, 128>}, {pipeline_mode = #tpu.pipeline_mode<synchronous>, transform_indices = @transform_18, window_bounds = array<i64: 1, 128>}, {pipeline_mode = #tpu.pipeline_mode<synchronous>, transform_indices = @transform_19, window_bounds = array<i64: 128, 128>}, {pipeline_mode = #tpu.pipeline_mode<synchronous>, transform_indices = @transform_20, window_bounds = array<i64: 1, 128>}, {pipeline_mode = #tpu.pipeline_mode<synchronous>, transform_indices = @transform_21, window_bounds = array<i64: 128, 128>}, {pipeline_mode = #tpu.pipeline_mode<synchronous>, transform_indices = @transform_22, window_bounds = array<i64: 1, 128>}, {transform_indices = @transform_23, window_bounds = array<i64: 2000, 128>}, {transform_indices = @transform_24, window_bounds = array<i64: 2000, 128>}, {transform_indices = @transform_25, window_bounds = array<i64: 2000, 128>}, {transform_indices = @transform_26, window_bounds = array<i64: 2000, 128>}, {transform_indices = @transform_27, window_bounds = array<i64: 2000, 128>}, {transform_indices = @transform_28, window_bounds = array<i64: 2000, 128>}]} {
    %get3A = arith.constant 0 : index
    %get3A_0 = arith.constant 0 : index
    %get3A_1 = vector.load %arg1[%get3A, %get3A_0] : memref<2000x128xf32, #tpu.memory_space<vmem>>, vector<2000x128xf32>
    %get3A_2 = arith.constant 0 : index
    %get3A_3 = arith.constant 0 : index
    %get3A_4 = vector.load %arg3[%get3A_2, %get3A_3] : memref<2000x128xf32, #tpu.memory_space<vmem>>, vector<2000x128xf32>
    %add3A = arith.addf %get3A_1, %get3A_4 : vector<2000x128xf32>
    %get3A_5 = arith.constant 0 : index
    %get3A_6 = arith.constant 0 : index
    %get3A_7 = vector.load %arg5[%get3A_5, %get3A_6] : memref<128x128xf32, #tpu.memory_space<vmem>>, vector<128x128xf32>
    %dot_general3A = arith.constant dense<0.000000e+00> : vector<2000x128xf32>
    %dot_general3A_8 = tpu.matmul %add3A, %get3A_7, %dot_general3A {dimension_numbers = #tpu.dot_dimension_numbers<[1], [0], [0], [1], [0, 0, 1, 1], [], []>, transpose_lhs_hint = false} : vector<2000x128xf32>, vector<128x128xf32>, vector<2000x128xf32> -> vector<2000x128xf32>
    %get3A_9 = arith.constant 0 : index
    %get3A_10 = arith.constant 0 : index
    %get3A_11 = vector.load %arg6[%get3A_9, %get3A_10] : memref<1x128xf32, #tpu.memory_space<vmem>>, vector<1x128xf32>
    %add3A_12 = vector.broadcast %get3A_11 : vector<1x128xf32> to vector<2000x128xf32>
    %add3A_13 = arith.addf %dot_general3A_8, %add3A_12 : vector<2000x128xf32>
    %max3A = arith.constant 0.000000e+00 : f32
    %max3A_14 = vector.broadcast %max3A : f32 to vector<2000x128xf32>
    %max3A_15 = arith.maximumf %add3A_13, %max3A_14 : vector<2000x128xf32>
    %get3A_16 = arith.constant 0 : index
    %get3A_17 = arith.constant 0 : index
    %get3A_18 = vector.load %arg7[%get3A_16, %get3A_17] : memref<128x128xf32, #tpu.memory_space<vmem>>, vector<128x128xf32>
    %dot_general3A_19 = arith.constant dense<0.000000e+00> : vector<2000x128xf32>
    %dot_general3A_20 = tpu.matmul %max3A_15, %get3A_18, %dot_general3A_19 {dimension_numbers = #tpu.dot_dimension_numbers<[1], [0], [0], [1], [0, 0, 1, 1], [], []>, transpose_lhs_hint = false} : vector<2000x128xf32>, vector<128x128xf32>, vector<2000x128xf32> -> vector<2000x128xf32>
    %get3A_21 = arith.constant 0 : index
    %get3A_22 = arith.constant 0 : index
    %get3A_23 = vector.load %arg8[%get3A_21, %get3A_22] : memref<1x128xf32, #tpu.memory_space<vmem>>, vector<1x128xf32>
    %add3A_24 = vector.broadcast %get3A_23 : vector<1x128xf32> to vector<2000x128xf32>
    %add3A_25 = arith.addf %dot_general3A_20, %add3A_24 : vector<2000x128xf32>
    %get3A_26 = arith.constant 0 : index
    %get3A_27 = arith.constant 0 : index
    %get3A_28 = vector.load %arg2[%get3A_26, %get3A_27] : memref<2000x128xf32, #tpu.memory_space<vmem>>, vector<2000x128xf32>
    %get3A_29 = arith.constant 0 : index
    %get3A_30 = arith.constant 0 : index
    %get3A_31 = vector.load %arg4[%get3A_29, %get3A_30] : memref<2000x128xf32, #tpu.memory_space<vmem>>, vector<2000x128xf32>
    %add3A_32 = arith.addf %get3A_28, %get3A_31 : vector<2000x128xf32>
    %get3A_33 = arith.constant 0 : index
    %get3A_34 = arith.constant 0 : index
    %get3A_35 = vector.load %arg5[%get3A_33, %get3A_34] : memref<128x128xf32, #tpu.memory_space<vmem>>, vector<128x128xf32>
    %dot_general3A_36 = arith.constant dense<0.000000e+00> : vector<2000x128xf32>
    %dot_general3A_37 = tpu.matmul %add3A_32, %get3A_35, %dot_general3A_36 {dimension_numbers = #tpu.dot_dimension_numbers<[1], [0], [0], [1], [0, 0, 1, 1], [], []>, transpose_lhs_hint = false} : vector<2000x128xf32>, vector<128x128xf32>, vector<2000x128xf32> -> vector<2000x128xf32>
    %get3A_38 = arith.constant 0 : index
    %get3A_39 = arith.constant 0 : index
    %get3A_40 = vector.load %arg6[%get3A_38, %get3A_39] : memref<1x128xf32, #tpu.memory_space<vmem>>, vector<1x128xf32>
    %add3A_41 = vector.broadcast %get3A_40 : vector<1x128xf32> to vector<2000x128xf32>
    %add3A_42 = arith.addf %dot_general3A_37, %add3A_41 : vector<2000x128xf32>
    %max3A_43 = arith.constant 0.000000e+00 : f32
    %max3A_44 = vector.broadcast %max3A_43 : f32 to vector<2000x128xf32>
    %max3A_45 = arith.maximumf %add3A_42, %max3A_44 : vector<2000x128xf32>
    %get3A_46 = arith.constant 0 : index
    %get3A_47 = arith.constant 0 : index
    %get3A_48 = vector.load %arg7[%get3A_46, %get3A_47] : memref<128x128xf32, #tpu.memory_space<vmem>>, vector<128x128xf32>
    %dot_general3A_49 = arith.constant dense<0.000000e+00> : vector<2000x128xf32>
    %dot_general3A_50 = tpu.matmul %max3A_45, %get3A_48, %dot_general3A_49 {dimension_numbers = #tpu.dot_dimension_numbers<[1], [0], [0], [1], [0, 0, 1, 1], [], []>, transpose_lhs_hint = false} : vector<2000x128xf32>, vector<128x128xf32>, vector<2000x128xf32> -> vector<2000x128xf32>
    %get3A_51 = arith.constant 0 : index
    %get3A_52 = arith.constant 0 : index
    %get3A_53 = vector.load %arg8[%get3A_51, %get3A_52] : memref<1x128xf32, #tpu.memory_space<vmem>>, vector<1x128xf32>
    %add3A_54 = vector.broadcast %get3A_53 : vector<1x128xf32> to vector<2000x128xf32>
    %add3A_55 = arith.addf %dot_general3A_50, %add3A_54 : vector<2000x128xf32>
    %add3A_56 = arith.addf %add3A_25, %add3A_55 : vector<2000x128xf32>
    %mul3A = arith.constant 5.000000e-01 : f32
    %mul3A_57 = vector.broadcast %mul3A : f32 to vector<2000x128xf32>
    %mul3A_58 = arith.mulf %add3A_56, %mul3A_57 : vector<2000x128xf32>
    %get3A_59 = arith.constant 0 : index
    %get3A_60 = arith.constant 0 : index
    %get3A_61 = vector.load %arg9[%get3A_59, %get3A_60] : memref<128x16xf32, #tpu.memory_space<vmem>>, vector<128x16xf32>
    %dot_general3A_62 = arith.constant dense<0.000000e+00> : vector<2000x16xf32>
    %dot_general3A_63 = tpu.matmul %add3A_25, %get3A_61, %dot_general3A_62 {dimension_numbers = #tpu.dot_dimension_numbers<[1], [0], [0], [1], [0, 0, 1, 1], [], []>, transpose_lhs_hint = false} : vector<2000x128xf32>, vector<128x16xf32>, vector<2000x16xf32> -> vector<2000x16xf32>
    %get3A_64 = arith.constant 0 : index
    %get3A_65 = arith.constant 0 : index
    %get3A_66 = vector.load %arg10[%get3A_64, %get3A_65] : memref<1x16xf32, #tpu.memory_space<vmem>>, vector<1x16xf32>
    %add3A_67 = vector.broadcast %get3A_66 : vector<1x16xf32> to vector<2000x16xf32>
    %add3A_68 = arith.addf %dot_general3A_63, %add3A_67 : vector<2000x16xf32>
    %tanh3A = math.tanh %add3A_68 : vector<2000x16xf32>
    %get3A_69 = arith.constant 0 : index
    %get3A_70 = arith.constant 0 : index
    %get3A_71 = vector.load %arg11[%get3A_69, %get3A_70] : memref<1x16xf32, #tpu.memory_space<vmem>>, vector<1x16xf32>
    %mul3A_72 = vector.broadcast %get3A_71 : vector<1x16xf32> to vector<2000x16xf32>
    %mul3A_73 = arith.mulf %tanh3A, %mul3A_72 : vector<2000x16xf32>
    %reduce_sum3A = arith.constant dense<0.000000e+00> : vector<2000xf32>
    %reduce_sum3A_74 = vector.multi_reduction <add>, %mul3A_73, %reduce_sum3A [1] : vector<2000x16xf32> to vector<2000xf32>
    %broadcast_in_dim3A = vector.shape_cast %reduce_sum3A_74 : vector<2000xf32> to vector<2000x1xf32>
    %get3A_75 = arith.constant 0 : index
    %get3A_76 = arith.constant 0 : index
    %get3A_77 = vector.load %arg9[%get3A_75, %get3A_76] : memref<128x16xf32, #tpu.memory_space<vmem>>, vector<128x16xf32>
    %dot_general3A_78 = arith.constant dense<0.000000e+00> : vector<2000x16xf32>
    %dot_general3A_79 = tpu.matmul %mul3A_58, %get3A_77, %dot_general3A_78 {dimension_numbers = #tpu.dot_dimension_numbers<[1], [0], [0], [1], [0, 0, 1, 1], [], []>, transpose_lhs_hint = false} : vector<2000x128xf32>, vector<128x16xf32>, vector<2000x16xf32> -> vector<2000x16xf32>
    %get3A_80 = arith.constant 0 : index
    %get3A_81 = arith.constant 0 : index
    %get3A_82 = vector.load %arg10[%get3A_80, %get3A_81] : memref<1x16xf32, #tpu.memory_space<vmem>>, vector<1x16xf32>
    %add3A_83 = vector.broadcast %get3A_82 : vector<1x16xf32> to vector<2000x16xf32>
    %add3A_84 = arith.addf %dot_general3A_79, %add3A_83 : vector<2000x16xf32>
    %tanh3A_85 = math.tanh %add3A_84 : vector<2000x16xf32>
    %get3A_86 = arith.constant 0 : index
    %get3A_87 = arith.constant 0 : index
    %get3A_88 = vector.load %arg11[%get3A_86, %get3A_87] : memref<1x16xf32, #tpu.memory_space<vmem>>, vector<1x16xf32>
    %mul3A_89 = vector.broadcast %get3A_88 : vector<1x16xf32> to vector<2000x16xf32>
    %mul3A_90 = arith.mulf %tanh3A_85, %mul3A_89 : vector<2000x16xf32>
    %reduce_sum3A_91 = arith.constant dense<0.000000e+00> : vector<2000xf32>
    %reduce_sum3A_92 = vector.multi_reduction <add>, %mul3A_90, %reduce_sum3A_91 [1] : vector<2000x16xf32> to vector<2000xf32>
    %broadcast_in_dim3A_93 = vector.shape_cast %reduce_sum3A_92 : vector<2000xf32> to vector<2000x1xf32>
    %get3A_94 = arith.constant 0 : index
    %get3A_95 = arith.constant 0 : index
    %get3A_96 = vector.load %arg9[%get3A_94, %get3A_95] : memref<128x16xf32, #tpu.memory_space<vmem>>, vector<128x16xf32>
    %dot_general3A_97 = arith.constant dense<0.000000e+00> : vector<2000x16xf32>
    %dot_general3A_98 = tpu.matmul %add3A_55, %get3A_96, %dot_general3A_97 {dimension_numbers = #tpu.dot_dimension_numbers<[1], [0], [0], [1], [0, 0, 1, 1], [], []>, transpose_lhs_hint = false} : vector<2000x128xf32>, vector<128x16xf32>, vector<2000x16xf32> -> vector<2000x16xf32>
    %get3A_99 = arith.constant 0 : index
    %get3A_100 = arith.constant 0 : index
    %get3A_101 = vector.load %arg10[%get3A_99, %get3A_100] : memref<1x16xf32, #tpu.memory_space<vmem>>, vector<1x16xf32>
    %add3A_102 = vector.broadcast %get3A_101 : vector<1x16xf32> to vector<2000x16xf32>
    %add3A_103 = arith.addf %dot_general3A_98, %add3A_102 : vector<2000x16xf32>
    %tanh3A_104 = math.tanh %add3A_103 : vector<2000x16xf32>
    %get3A_105 = arith.constant 0 : index
    %get3A_106 = arith.constant 0 : index
    %get3A_107 = vector.load %arg11[%get3A_105, %get3A_106] : memref<1x16xf32, #tpu.memory_space<vmem>>, vector<1x16xf32>
    %mul3A_108 = vector.broadcast %get3A_107 : vector<1x16xf32> to vector<2000x16xf32>
    %mul3A_109 = arith.mulf %tanh3A_104, %mul3A_108 : vector<2000x16xf32>
    %reduce_sum3A_110 = arith.constant dense<0.000000e+00> : vector<2000xf32>
    %reduce_sum3A_111 = vector.multi_reduction <add>, %mul3A_109, %reduce_sum3A_110 [1] : vector<2000x16xf32> to vector<2000xf32>
    %broadcast_in_dim3A_112 = vector.shape_cast %reduce_sum3A_111 : vector<2000xf32> to vector<2000x1xf32>
    %max3A_113 = arith.maximumf %broadcast_in_dim3A, %broadcast_in_dim3A_93 : vector<2000x1xf32>
    %max3A_114 = arith.maximumf %max3A_113, %broadcast_in_dim3A_112 : vector<2000x1xf32>
    %sub3A = arith.subf %broadcast_in_dim3A, %max3A_114 : vector<2000x1xf32>
    %exp3A = math.exp %sub3A : vector<2000x1xf32>
    %sub3A_115 = arith.subf %broadcast_in_dim3A_93, %max3A_114 : vector<2000x1xf32>
    %exp3A_116 = math.exp %sub3A_115 : vector<2000x1xf32>
    %sub3A_117 = arith.subf %broadcast_in_dim3A_112, %max3A_114 : vector<2000x1xf32>
    %exp3A_118 = math.exp %sub3A_117 : vector<2000x1xf32>
    %mul3A_119 = vector.broadcast %exp3A : vector<2000x1xf32> to vector<2000x128xf32>
    %mul3A_120 = arith.mulf %mul3A_119, %add3A_25 : vector<2000x128xf32>
    %mul3A_121 = vector.broadcast %exp3A_116 : vector<2000x1xf32> to vector<2000x128xf32>
    %mul3A_122 = arith.mulf %mul3A_121, %mul3A_58 : vector<2000x128xf32>
    %add3A_123 = arith.addf %mul3A_120, %mul3A_122 : vector<2000x128xf32>
    %mul3A_124 = vector.broadcast %exp3A_118 : vector<2000x1xf32> to vector<2000x128xf32>
    %mul3A_125 = arith.mulf %mul3A_124, %add3A_55 : vector<2000x128xf32>
    %add3A_126 = arith.addf %add3A_123, %mul3A_125 : vector<2000x128xf32>
    %add3A_127 = arith.addf %exp3A, %exp3A_116 : vector<2000x1xf32>
    %add3A_128 = arith.addf %add3A_127, %exp3A_118 : vector<2000x1xf32>
    %div3A = vector.broadcast %add3A_128 : vector<2000x1xf32> to vector<2000x128xf32>
    %div3A_129 = arith.divf %add3A_126, %div3A : vector<2000x128xf32>
    %get3A_130 = arith.constant 0 : index
    %get3A_131 = arith.constant 0 : index
    %get3A_132 = vector.load %arg12[%get3A_130, %get3A_131] : memref<128x128xf32, #tpu.memory_space<vmem>>, vector<128x128xf32>
    %dot_general3A_133 = arith.constant dense<0.000000e+00> : vector<2000x128xf32>
    %dot_general3A_134 = tpu.matmul %div3A_129, %get3A_132, %dot_general3A_133 {dimension_numbers = #tpu.dot_dimension_numbers<[1], [0], [0], [1], [0, 0, 1, 1], [], []>, transpose_lhs_hint = false} : vector<2000x128xf32>, vector<128x128xf32>, vector<2000x128xf32> -> vector<2000x128xf32>
    %get3A_135 = arith.constant 0 : index
    %get3A_136 = arith.constant 0 : index
    %get3A_137 = vector.load %arg13[%get3A_135, %get3A_136] : memref<1x128xf32, #tpu.memory_space<vmem>>, vector<1x128xf32>
    %add3A_138 = vector.broadcast %get3A_137 : vector<1x128xf32> to vector<2000x128xf32>
    %add3A_139 = arith.addf %dot_general3A_134, %add3A_138 : vector<2000x128xf32>
    %swap3A = arith.constant 0 : index
    %swap3A_140 = arith.constant 0 : index
    %swap3A_141 = vector.load %arg24[%swap3A, %swap3A_140] : memref<2000x128xf32, #tpu.memory_space<vmem>>, vector<2000x128xf32>
    tpu.vector_store %arg24[%swap3A, %swap3A_140], %add3A_25 {strides = array<i32>} : memref<2000x128xf32, #tpu.memory_space<vmem>>, vector<2000x128xf32>,
    %swap3A_142 = arith.constant 0 : index
    %swap3A_143 = arith.constant 0 : index
    %swap3A_144 = vector.load %arg25[%swap3A_142, %swap3A_143] : memref<2000x128xf32, #tpu.memory_space<vmem>>, vector<2000x128xf32>
    tpu.vector_store %arg25[%swap3A_142, %swap3A_143], %add3A_55 {strides = array<i32>} : memref<2000x128xf32, #tpu.memory_space<vmem>>, vector<2000x128xf32>,
    %swap3A_145 = arith.constant 0 : index
    %swap3A_146 = arith.constant 0 : index
    %swap3A_147 = vector.load %arg26[%swap3A_145, %swap3A_146] : memref<2000x128xf32, #tpu.memory_space<vmem>>, vector<2000x128xf32>
    tpu.vector_store %arg26[%swap3A_145, %swap3A_146], %add3A_139 {strides = array<i32>} : memref<2000x128xf32, #tpu.memory_space<vmem>>, vector<2000x128xf32>,
    %get3A_148 = arith.constant 0 : index
    %get3A_149 = arith.constant 0 : index
    %get3A_150 = vector.load %arg14[%get3A_148, %get3A_149] : memref<128x128xf32, #tpu.memory_space<vmem>>, vector<128x128xf32>
    %dot_general3A_151 = arith.constant dense<0.000000e+00> : vector<2000x128xf32>
    %dot_general3A_152 = tpu.matmul %add3A_139, %get3A_150, %dot_general3A_151 {dimension_numbers = #tpu.dot_dimension_numbers<[1], [0], [0], [1], [0, 0, 1, 1], [], []>, transpose_lhs_hint = false} : vector<2000x128xf32>, vector<128x128xf32>, vector<2000x128xf32> -> vector<2000x128xf32>
    %get3A_153 = arith.constant 0 : index
    %get3A_154 = arith.constant 0 : index
    %get3A_155 = vector.load %arg15[%get3A_153, %get3A_154] : memref<1x128xf32, #tpu.memory_space<vmem>>, vector<1x128xf32>
    %add3A_156 = vector.broadcast %get3A_155 : vector<1x128xf32> to vector<2000x128xf32>
    %add3A_157 = arith.addf %dot_general3A_152, %add3A_156 : vector<2000x128xf32>
    %get3A_158 = arith.constant 0 : index
    %get3A_159 = arith.constant 0 : index
    %get3A_160 = vector.load %arg16[%get3A_158, %get3A_159] : memref<1x128xf32, #tpu.memory_space<vmem>>, vector<1x128xf32>
    %mul3A_161 = vector.broadcast %get3A_160 : vector<1x128xf32> to vector<2000x128xf32>
    %mul3A_162 = arith.mulf %add3A_157, %mul3A_161 : vector<2000x128xf32>
    %get3A_163 = arith.constant 0 : index
    %get3A_164 = arith.constant 0 : index
    %get3A_165 = vector.load %arg17[%get3A_163, %get3A_164] : memref<1x128xf32, #tpu.memory_space<vmem>>, vector<1x128xf32>
    %add3A_166 = vector.broadcast %get3A_165 : vector<1x128xf32> to vector<2000x128xf32>
    %add3A_167 = arith.addf %mul3A_162, %add3A_166 : vector<2000x128xf32>
    %max3A_168 = arith.constant 0.000000e+00 : f32
    %max3A_169 = vector.broadcast %max3A_168 : f32 to vector<2000x128xf32>
    %max3A_170 = arith.maximumf %add3A_167, %max3A_169 : vector<2000x128xf32>
    %get3A_171 = arith.constant 0 : index
    %get3A_172 = arith.constant 0 : index
    %get3A_173 = vector.load %arg18[%get3A_171, %get3A_172] : memref<128x128xf32, #tpu.memory_space<vmem>>, vector<128x128xf32>
    %dot_general3A_174 = arith.constant dense<0.000000e+00> : vector<2000x128xf32>
    %dot_general3A_175 = tpu.matmul %max3A_170, %get3A_173, %dot_general3A_174 {dimension_numbers = #tpu.dot_dimension_numbers<[1], [0], [0], [1], [0, 0, 1, 1], [], []>, transpose_lhs_hint = false} : vector<2000x128xf32>, vector<128x128xf32>, vector<2000x128xf32> -> vector<2000x128xf32>
    %get3A_176 = arith.constant 0 : index
    %get3A_177 = arith.constant 0 : index
    %get3A_178 = vector.load %arg19[%get3A_176, %get3A_177] : memref<1x128xf32, #tpu.memory_space<vmem>>, vector<1x128xf32>
    %add3A_179 = vector.broadcast %get3A_178 : vector<1x128xf32> to vector<2000x128xf32>
    %add3A_180 = arith.addf %dot_general3A_175, %add3A_179 : vector<2000x128xf32>
    %logistic3A = arith.negf %add3A_180 : vector<2000x128xf32>
    %logistic3A_181 = math.exp %logistic3A : vector<2000x128xf32>
    %logistic3A_182 = arith.constant 1.000000e+00 : f32
    %logistic3A_183 = vector.broadcast %logistic3A_182 : f32 to vector<2000x128xf32>
    %logistic3A_184 = arith.addf %logistic3A_183, %logistic3A_181 : vector<2000x128xf32>
    %logistic3A_185 = arith.divf %logistic3A_183, %logistic3A_184 : vector<2000x128xf32>
    %swap3A_186 = arith.constant 0 : index
    %swap3A_187 = arith.constant 0 : index
    %swap3A_188 = vector.load %arg27[%swap3A_186, %swap3A_187] : memref<2000x128xf32, #tpu.memory_space<vmem>>, vector<2000x128xf32>
    tpu.vector_store %arg27[%swap3A_186, %swap3A_187], %logistic3A_185 {strides = array<i32>} : memref<2000x128xf32, #tpu.memory_space<vmem>>, vector<2000x128xf32>,
    %get3A_189 = arith.constant 0 : index
    %get3A_190 = arith.constant 0 : index
    %get3A_191 = vector.load %arg20[%get3A_189, %get3A_190] : memref<128x128xf32, #tpu.memory_space<vmem>>, vector<128x128xf32>
    %dot_general3A_192 = arith.constant dense<0.000000e+00> : vector<2000x128xf32>
    %dot_general3A_193 = tpu.matmul %max3A_170, %get3A_191, %dot_general3A_192 {dimension_numbers = #tpu.dot_dimension_numbers<[1], [0], [0], [1], [0, 0, 1, 1], [], []>, transpose_lhs_hint = false} : vector<2000x128xf32>, vector<128x128xf32>, vector<2000x128xf32> -> vector<2000x128xf32>
    %get3A_194 = arith.constant 0 : index
    %get3A_195 = arith.constant 0 : index
    %get3A_196 = vector.load %arg21[%get3A_194, %get3A_195] : memref<1x128xf32, #tpu.memory_space<vmem>>, vector<1x128xf32>
    %add3A_197 = vector.broadcast %get3A_196 : vector<1x128xf32> to vector<2000x128xf32>
    %add3A_198 = arith.addf %dot_general3A_193, %add3A_197 : vector<2000x128xf32>
    %custom_jvp_call3A = arith.constant 0.000000e+00 : f32
    %max3A_199 = vector.broadcast %custom_jvp_call3A : f32 to vector<2000x128xf32>
    %max3A_200 = arith.maximumf %add3A_198, %max3A_199 : vector<2000x128xf32>
    %sub3A_201 = vector.broadcast %custom_jvp_call3A : f32 to vector<2000x128xf32>
    %sub3A_202 = arith.subf %add3A_198, %sub3A_201 : vector<2000x128xf32>
    %ne3A = arith.cmpf one, %sub3A_202, %sub3A_202 : vector<2000x128xf32>
    %add3A_203 = vector.broadcast %custom_jvp_call3A : f32 to vector<2000x128xf32>
    %add3A_204 = arith.addf %add3A_198, %add3A_203 : vector<2000x128xf32>
    %abs3A = math.absf %sub3A_202 : vector<2000x128xf32>
    %neg3A = arith.constant 0.000000e+00 : f32
    %neg3A_205 = vector.broadcast %neg3A : f32 to vector<2000x128xf32>
    %neg3A_206 = arith.subf %neg3A_205, %abs3A : vector<2000x128xf32>
    %exp3A_207 = math.exp %neg3A_206 : vector<2000x128xf32>
    %log1p3A = math.log1p %exp3A_207 : vector<2000x128xf32>
    %add3A_208 = arith.addf %max3A_200, %log1p3A : vector<2000x128xf32>
    %select_n3A = arith.select %ne3A, %add3A_204, %add3A_208 : vector<2000x128xi1>, vector<2000x128xf32>
    %jit3A = arith.constant 9.99999974E-5 : f32
    %jit3A_209 = arith.constant 1.000000e+04 : f32
    %max3A_210 = vector.broadcast %jit3A : f32 to vector<2000x128xf32>
    %max3A_211 = arith.maximumf %max3A_210, %select_n3A : vector<2000x128xf32>
    %min3A = vector.broadcast %jit3A_209 : f32 to vector<2000x128xf32>
    %min3A_212 = arith.minimumf %min3A, %max3A_211 : vector<2000x128xf32>
    %swap3A_213 = arith.constant 0 : index
    %swap3A_214 = arith.constant 0 : index
    %swap3A_215 = vector.load %arg28[%swap3A_213, %swap3A_214] : memref<2000x128xf32, #tpu.memory_space<vmem>>, vector<2000x128xf32>
    tpu.vector_store %arg28[%swap3A_213, %swap3A_214], %min3A_212 {strides = array<i32>} : memref<2000x128xf32, #tpu.memory_space<vmem>>, vector<2000x128xf32>,
    %get3A_216 = arith.constant 0 : index
    %get3A_217 = arith.constant 0 : index
    %get3A_218 = vector.load %arg22[%get3A_216, %get3A_217] : memref<128x128xf32, #tpu.memory_space<vmem>>, vector<128x128xf32>
    %dot_general3A_219 = arith.constant dense<0.000000e+00> : vector<2000x128xf32>
    %dot_general3A_220 = tpu.matmul %max3A_170, %get3A_218, %dot_general3A_219 {dimension_numbers = #tpu.dot_dimension_numbers<[1], [0], [0], [1], [0, 0, 1, 1], [], []>, transpose_lhs_hint = false} : vector<2000x128xf32>, vector<128x128xf32>, vector<2000x128xf32> -> vector<2000x128xf32>
    %get3A_221 = arith.constant 0 : index
    %get3A_222 = arith.constant 0 : index
    %get3A_223 = vector.load %arg23[%get3A_221, %get3A_222] : memref<1x128xf32, #tpu.memory_space<vmem>>, vector<1x128xf32>
    %add3A_224 = vector.broadcast %get3A_223 : vector<1x128xf32> to vector<2000x128xf32>
    %add3A_225 = arith.addf %dot_general3A_220, %add3A_224 : vector<2000x128xf32>
    %exp3A_226 = math.exp %add3A_225 : vector<2000x128xf32>
    %jit3A_227 = arith.constant 9.99999974E-6 : f32
    %jit3A_228 = arith.constant 1.000000e+06 : f32
    %max3A_229 = vector.broadcast %jit3A_227 : f32 to vector<2000x128xf32>
    %max3A_230 = arith.maximumf %max3A_229, %exp3A_226 : vector<2000x128xf32>
    %min3A_231 = vector.broadcast %jit3A_228 : f32 to vector<2000x128xf32>
    %min3A_232 = arith.minimumf %min3A_231, %max3A_230 : vector<2000x128xf32>
    %swap3A_233 = arith.constant 0 : index
    %swap3A_234 = arith.constant 0 : index
    %swap3A_235 = vector.load %arg29[%swap3A_233, %swap3A_234] : memref<2000x128xf32, #tpu.memory_space<vmem>>, vector<2000x128xf32>
    tpu.vector_store %arg29[%swap3A_233, %swap3A_234], %min3A_232 {strides = array<i32>} : memref<2000x128xf32, #tpu.memory_space<vmem>>, vector<2000x128xf32>,
    return
  }
  func.func @transform_0(%arg0: i32) -> (i32, i32) {
    %c0_i32 = arith.constant 0 : i32
    %c0_i32_0 = arith.constant 0 : i32
    return %arg0, %c0_i32 : i32, i32
  }
  func.func @transform_1(%arg0: i32) -> (i32, i32) {
    %add3A = arith.constant 5 : i32
    %add3A_0 = arith.addi %add3A, %arg0 : i32
    %c0_i32 = arith.constant 0 : i32
    %c0_i32_1 = arith.constant 0 : i32
    return %add3A_0, %c0_i32 : i32, i32
  }
  func.func @transform_2(%arg0: i32) -> (i32, i32) {
    %c0_i32 = arith.constant 0 : i32
    %c0_i32_0 = arith.constant 0 : i32
    return %arg0, %c0_i32 : i32, i32
  }
  func.func @transform_3(%arg0: i32) -> (i32, i32) {
    %add3A = arith.constant 5 : i32
    %add3A_0 = arith.addi %add3A, %arg0 : i32
    %c0_i32 = arith.constant 0 : i32
    %c0_i32_1 = arith.constant 0 : i32
    return %add3A_0, %c0_i32 : i32, i32
  }
  func.func @transform_4(%arg0: i32) -> (i32, i32) {
    %c0_i32 = arith.constant 0 : i32
    %c0_i32_0 = arith.constant 0 : i32
    %c0_i32_1 = arith.constant 0 : i32
    return %c0_i32, %c0_i32_0 : i32, i32
  }
  func.func @transform_5(%arg0: i32) -> (i32, i32) {
    %c0_i32 = arith.constant 0 : i32
    %c0_i32_0 = arith.constant 0 : i32
    %c0_i32_1 = arith.constant 0 : i32
    return %c0_i32, %c0_i32_0 : i32, i32
  }
  func.func @transform_6(%arg0: i32) -> (i32, i32) {
    %c0_i32 = arith.constant 0 : i32
    %c0_i32_0 = arith.constant 0 : i32
    %c0_i32_1 = arith.constant 0 : i32
    return %c0_i32, %c0_i32_0 : i32, i32
  }
  func.func @transform_7(%arg0: i32) -> (i32, i32) {
    %c0_i32 = arith.constant 0 : i32
    %c0_i32_0 = arith.constant 0 : i32
    %c0_i32_1 = arith.constant 0 : i32
    return %c0_i32, %c0_i32_0 : i32, i32
  }
  func.func @transform_8(%arg0: i32) -> (i32, i32) {
    %c0_i32 = arith.constant 0 : i32
    %c0_i32_0 = arith.constant 0 : i32
    %c0_i32_1 = arith.constant 0 : i32
    return %c0_i32, %c0_i32_0 : i32, i32
  }
  func.func @transform_9(%arg0: i32) -> (i32, i32) {
    %c0_i32 = arith.constant 0 : i32
    %c0_i32_0 = arith.constant 0 : i32
    %c0_i32_1 = arith.constant 0 : i32
    return %c0_i32, %c0_i32_0 : i32, i32
  }
  func.func @transform_10(%arg0: i32) -> (i32, i32) {
    %c0_i32 = arith.constant 0 : i32
    %c0_i32_0 = arith.constant 0 : i32
    %c0_i32_1 = arith.constant 0 : i32
    return %c0_i32, %c0_i32_0 : i32, i32
  }
  func.func @transform_11(%arg0: i32) -> (i32, i32) {
    %c0_i32 = arith.constant 0 : i32
    %c0_i32_0 = arith.constant 0 : i32
    %c0_i32_1 = arith.constant 0 : i32
    return %c0_i32, %c0_i32_0 : i32, i32
  }
  func.func @transform_12(%arg0: i32) -> (i32, i32) {
    %c0_i32 = arith.constant 0 : i32
    %c0_i32_0 = arith.constant 0 : i32
    %c0_i32_1 = arith.constant 0 : i32
    return %c0_i32, %c0_i32_0 : i32, i32
  }
  func.func @transform_13(%arg0: i32) -> (i32, i32) {
    %c0_i32 = arith.constant 0 : i32
    %c0_i32_0 = arith.constant 0 : i32
    %c0_i32_1 = arith.constant 0 : i32
    return %c0_i32, %c0_i32_0 : i32, i32
  }
  func.func @transform_14(%arg0: i32) -> (i32, i32) {
    %c0_i32 = arith.constant 0 : i32
    %c0_i32_0 = arith.constant 0 : i32
    %c0_i32_1 = arith.constant 0 : i32
    return %c0_i32, %c0_i32_0 : i32, i32
  }
  func.func @transform_15(%arg0: i32) -> (i32, i32) {
    %c0_i32 = arith.constant 0 : i32
    %c0_i32_0 = arith.constant 0 : i32
    %c0_i32_1 = arith.constant 0 : i32
    return %c0_i32, %c0_i32_0 : i32, i32
  }
  func.func @transform_16(%arg0: i32) -> (i32, i32) {
    %c0_i32 = arith.constant 0 : i32
    %c0_i32_0 = arith.constant 0 : i32
    %c0_i32_1 = arith.constant 0 : i32
    return %c0_i32, %c0_i32_0 : i32, i32
  }
  func.func @transform_17(%arg0: i32) -> (i32, i32) {
    %c0_i32 = arith.constant 0 : i32
    %c0_i32_0 = arith.constant 0 : i32
    %c0_i32_1 = arith.constant 0 : i32
    return %c0_i32, %c0_i32_0 : i32, i32
  }
  func.func @transform_18(%arg0: i32) -> (i32, i32) {
    %c0_i32 = arith.constant 0 : i32
    %c0_i32_0 = arith.constant 0 : i32
    %c0_i32_1 = arith.constant 0 : i32
    return %c0_i32, %c0_i32_0 : i32, i32
  }
  func.func @transform_19(%arg0: i32) -> (i32, i32) {
    %c0_i32 = arith.constant 0 : i32
    %c0_i32_0 = arith.constant 0 : i32
    %c0_i32_1 = arith.constant 0 : i32
    return %c0_i32, %c0_i32_0 : i32, i32
  }
  func.func @transform_20(%arg0: i32) -> (i32, i32) {
    %c0_i32 = arith.constant 0 : i32
    %c0_i32_0 = arith.constant 0 : i32
    %c0_i32_1 = arith.constant 0 : i32
    return %c0_i32, %c0_i32_0 : i32, i32
  }
  func.func @transform_21(%arg0: i32) -> (i32, i32) {
    %c0_i32 = arith.constant 0 : i32
    %c0_i32_0 = arith.constant 0 : i32
    %c0_i32_1 = arith.constant 0 : i32
    return %c0_i32, %c0_i32_0 : i32, i32
  }
  func.func @transform_22(%arg0: i32) -> (i32, i32) {
    %c0_i32 = arith.constant 0 : i32
    %c0_i32_0 = arith.constant 0 : i32
    %c0_i32_1 = arith.constant 0 : i32
    return %c0_i32, %c0_i32_0 : i32, i32
  }
  func.func @transform_23(%arg0: i32) -> (i32, i32) {
    %c0_i32 = arith.constant 0 : i32
    %c0_i32_0 = arith.constant 0 : i32
    return %arg0, %c0_i32 : i32, i32
  }
  func.func @transform_24(%arg0: i32) -> (i32, i32) {
    %c0_i32 = arith.constant 0 : i32
    %c0_i32_0 = arith.constant 0 : i32
    return %arg0, %c0_i32 : i32, i32
  }
  func.func @transform_25(%arg0: i32) -> (i32, i32) {
    %c0_i32 = arith.constant 0 : i32
    %c0_i32_0 = arith.constant 0 : i32
    return %arg0, %c0_i32 : i32, i32
  }
  func.func @transform_26(%arg0: i32) -> (i32, i32) {
    %c0_i32 = arith.constant 0 : i32
    %c0_i32_0 = arith.constant 0 : i32
    return %arg0, %c0_i32 : i32, i32
  }
  func.func @transform_27(%arg0: i32) -> (i32, i32) {
    %c0_i32 = arith.constant 0 : i32
    %c0_i32_0 = arith.constant 0 : i32
    return %arg0, %c0_i32 : i32, i32
  }
  func.func @transform_28(%arg0: i32) -> (i32, i32) {
    %c0_i32 = arith.constant 0 : i32
    %c0_i32_0 = arith.constant 0 : i32
    return %arg0, %c0_i32 : i32, i32
  }
}

</mosaic_0001>

<sc_bundles>
// kernel: kernel.6.cloned.1.call-start
scs
__scs_entry_jumppad:
0x0: {  	(pc) =	sbr.rel $0x88, $3  }
0x1: {  	(tag) =	ssettag $0x0;
	lr =	simm.s32 $0x1  }
0x2: {  	[smem:$0x3F87] =	sst lr;
	_ =	strace $0xD0000000  }
0x3: {  	_ = 	snop  }
0x4: {  	_ = 	snop  }
0x5: {  	_ = 	snop  }
0x6: {  	_ = 	snop  }
0x7: {  	_ = 	snop  }
__scs_overlays_trampoline_lowered:
0x8: {  	[smem:$0x3F96] =	sst s0  }
0x9: {  	[smem:$0x3F97] =	sst s1  }
0xa: {  	[smem:$0x3F98] =	sst s2  }
0xb: {  	[smem:$0x3F99] =	sst s3  }
0xc: {  	[smem:$0x3F9A] =	sst s4  }
0xd: {  	[smem:$0x3F9B] =	sst s5  }
0xe: {  	[smem:$0x3F9C] =	sst s6  }
0xf: {  	[smem:$0x3F9D] =	sst s7  }
0x10: {  	[smem:$0x3F9E] =	sst s8  }
0x11: {  	[smem:$0x3F9F] =	sst s9;
	s0 =	simm.s32 @!p0 $0x0  }
0x12: {  	s1 =	sld [smem:$0x3F85];
	s0 =	simm.s32 @p0 $0x1  }
0x13: {  	[smem:$0x3FA0] =	sst s0;
	s0 =	simm.s32 @!p1 $0x0  }
0x14: {  	s2 =	sld [smem:$0x3F84];
	s0 =	simm.s32 @p1 $0x1  }
0x15: {  	[smem:$0x3FA1] =	sst s0;
	s0 =	simm.s32 @!p2 $0x0  }
0x16: {  	s3 =	sld [smem:$0x3FDB];
	s0 =	simm.s32 @p2 $0x1  }
0x17: {  	s4 =	simm.s32 $0x1BF5;
	[smem:$0x3FA3] =	sst s0  }
0x18: {  	s0 =	sld [smem:$0x3F86];
	_ =	swait.ge [sflag:s4], $0x0  }
0x19: {  	s7 =	sld [smem:$0x3F87]  }
0x1a: {  	s8 =	sadd.s32 $0xFFFFE003, lr  }
0x1b: {  	s9 =	sadd.s32 $0xFFFFFEF7, lr;
	s5 =	simm.s32 $0xFFFFFFFF;
	p2 =	slt.u32 s8, $0xFFFFF086  }
0x1c: {  	p1 =	slt.u32 s9, $0xF7A;
	s5 =	simm.s32 @!p2 $0x0  }
0x1d: {  	s5 =	simm.s32 @p1 $0x1;
	p0 =	seq.s32 s7, s2  }
0x1e: {  	s7 =	smul.u32 @!p0 $0xF7A, s2;
	p2 =	seq.s32 @!p0 s5, $0x0  }
0x1f: {  	s9 =	smul.u32 $0xF7A, s1;
	s8 =	simm.s32 @!p0 $0x1BF5;
	p2 =	por !p2, p0  }
0x20: {  	[sflag:s8] =	ssyncset.s32 @!p0 $0xFFFFF086;
	s6 =	sadd.s32 @!p0 s3, s7;
	s7 =	simm.s32 @!p0 $0x108  }
0x21: {  	s3 =	sadd.s32 s3, s9;
	s6 =	sadd.s32 @!p0 $0x88, s6;
	s7 =	simm.s32 @p2 $0x1082  }
0x22: {  	[simem:s7], [sflag:s8] =	dma.local @!p0 [hbm:s6], $0xF7A  }
0x23: {  	s9 =	sor.u32 $0xD0000000, s2;
	s6 =	simm.s32 $0x108;
	_ =	swait.ge @!p0 [sflag:s8], $0x0  }
0x24: {  	s3 =	sadd.s32 $0x88, s3;
	s6 =	simm.s32 @!p1 $0x1082;
	[sflag:s4] =	ssyncset.s32 $0xFFFFF086  }
0x25: {  	[simem:s6], [sflag:s4] =	dma.local [hbm:s3], $0xF7A  }
0x26: {  	[smem:$0x3F87] =	sst s1;
	(tag) =	ssettag s2;
	_ =	strace s9  }
0x27: {  	s1 =	sld [smem:$0x3F97]  }
0x28: {  	s2 =	sld [smem:$0x3F98]  }
0x29: {  	s4 =	sld [smem:$0x3F9A]  }
0x2a: {  	p0 =	seq.s32 s5, $0x0;
	s5 =	sld [smem:$0x3F9B]  }
0x2b: {  	s6 =	sld [smem:$0x3F9C]  }
0x2c: {  	s7 =	sld [smem:$0x3F9D]  }
0x2d: {  	s3 =	simm.s32 $0x108;
	s8 =	sld [smem:$0x3F9E]  }
0x2e: {  	s3 =	simm.s32 @!p0 $0x1082;
	s9 =	sld [smem:$0x3F9F]  }
0x2f: {  	lr =	sadd.s32 s0, s3;
	s0 =	sld [smem:$0x3F96]  }
0x30: {  	s3 =	sld [smem:$0x3F99]  }
0x31: {  	[smem:$0x3FA2] =	sst s10  }
0x32: {  	s10 =	sld [smem:$0x3FA0];
	_ =	sdelay $0x3  }
0x33: {  	p0 =	seq.s32 s10, $0x1;
	s10 =	sld [smem:$0x3FA2];
	_ =	sdelay $0x3  }
0x34: {  	[smem:$0x3FA2] =	sst s10  }
0x35: {  	s10 =	sld [smem:$0x3FA1];
	_ =	sdelay $0x3  }
0x36: {  	p1 =	seq.s32 s10, $0x1;
	s10 =	sld [smem:$0x3FA2];
	_ =	sdelay $0x3  }
0x37: {  	[smem:$0x3FA2] =	sst s10  }
0x38: {  	s10 =	sld [smem:$0x3FA3]  }
0x39: {  	_ = 	snop;
	(pc) =	sbr.ind lr, $3  }
0x3a: {  	_ = 	snop  }
0x3b: {  	_ = 	snop  }
0x3c: {  	p2 =	seq.s32 s10, $0x1;
	s10 =	sld [smem:$0x3FA2]  }
0x3d: {  	_ =	shalt  }
0x3e: {  	_ =	shalt  }
0x3f: {  	_ =	shalt  }
0x40: {  	_ =	shalt  }
0x41: {  	_ =	shalt  }
0x42: {  	_ =	shalt  }
0x43: {  	_ =	shalt  }
0x44: {  	_ =	shalt  }
0x45: {  	_ =	shalt  }
0x46: {  	_ =	shalt  }
0x47: {  	_ =	shalt  }
0x48: {  	_ =	shalt  }
0x49: {  	_ =	shalt  }
0x4a: {  	_ =	shalt  }
0x4b: {  	_ =	shalt  }
0x4c: {  	_ =	shalt  }
0x4d: {  	_ =	shalt  }
0x4e: {  	_ =	shalt  }
0x4f: {  	_ =	shalt  }
0x50: {  	_ =	shalt  }
0x51: {  	_ =	shalt  }
0x52: {  	_ =	shalt  }
0x53: {  	_ =	shalt  }
0x54: {  	_ =	shalt  }
0x55: {  	_ =	shalt  }
0x56: {  	_ =	shalt  }
0x57: {  	_ =	shalt  }
0x58: {  	_ =	shalt  }
0x59: {  	_ =	shalt  }
0x5a: {  	_ =	shalt  }
0x5b: {  	_ =	shalt  }
0x5c: {  	_ =	shalt  }
0x5d: {  	_ =	shalt  }
0x5e: {  	_ =	shalt  }
0x5f: {  	_ =	shalt  }
0x60: {  	_ =	shalt  }
0x61: {  	_ =	shalt  }
0x62: {  	_ =	shalt  }
0x63: {  	_ =	shalt  }
0x64: {  	_ =	shalt  }
0x65: {  	_ =	shalt  }
0x66: {  	_ =	shalt  }
0x67: {  	_ =	shalt  }
0x68: {  	_ =	shalt  }
0x69: {  	_ =	shalt  }
0x6a: {  	_ =	shalt  }
0x6b: {  	_ =	shalt  }
0x6c: {  	_ =	shalt  }
0x6d: {  	_ =	shalt  }
0x6e: {  	_ =	shalt  }
0x6f: {  	_ =	shalt  }
0x70: {  	_ =	shalt  }
0x71: {  	_ =	shalt  }
0x72: {  	_ =	shalt  }
0x73: {  	_ =	shalt  }
0x74: {  	_ =	shalt  }
0x75: {  	_ =	shalt  }
0x76: {  	_ =	shalt  }
0x77: {  	_ =	shalt  }
0x78: {  	_ =	shalt  }
0x79: {  	_ =	shalt  }
0x7a: {  	_ =	shalt  }
0x7b: {  	_ =	shalt  }
0x7c: {  	_ =	shalt  }
0x7d: {  	_ =	shalt  }
0x7e: {  	_ =	shalt  }
0x7f: {  	_ =	shalt  }
0x80: {  	_ =	shalt  }
0x81: {  	_ =	shalt  }
0x82: {  	_ =	shalt  }
0x83: {  	_ =	shalt  }
0x84: {  	_ =	shalt  }
0x85: {  	_ =	shalt  }
0x86: {  	_ =	shalt  }
0x87: {  	_ =	shalt  }
.Lfunc_end0:
.L_simem_size_0:
called_computation_lowered:
.L_overlay_start_0:
0x88: {  	s2 =	sld [smem:$0x3FD9]  }
0x89: {  	s3 =	sld [smem:$0x3FFE];
	_ =	sdelay $0x1  }
0x8a: {  	s1 =	srdreg.scid  }
0x8b: {  	s0 =	sand.u32 $0x1, s1  }
0x8c: {  	s14 =	sshll.u32 s0, $0xA;
	s2 =	sadd.s32 s3, s2  }
0x8d: {  	s2 =	sadd.s32 s2, s14  }
0x8e: {  	[smem:$0x3FAE] =	sst s2  }
0x8f: {  	_ = 	snop  }
0x90: {  	s2 =	sld [smem:$0x3FD0];
	_ =	sdelay $0x2  }
0x91: {  	s4 =	simm.s32 $0xA;
	s5 =	simm.s32 $0x10;
	s15 =	sld [smem:$0x3FC9]  }
0x92: {  	[smem:s5], [sflag:s4] =	dma.local [hbm:s2], $0x1  }
0x93: {  	_ =	swait.eq [sflag:s4], $0x1  }
0x94: {  	[sflag:s4] =	ssyncset.done $0x0  }
0x95: {  	[sflag:s4] =	ssyncadd.s32 $0xFFFFFFFF  }
0x96: {  	s16 =	sld [smem:$0x15];
	(tm) =	ssettm $0x1  }
0x97: {  	s17 =	sld [smem:$0x3FFB];
	_ =	sdelay $0x3  }
0x98: {  	_ =	strace s17  }
0x99: {  	s4 =	sld [smem:$0x3FFC];
	_ =	sdelay $0x3  }
0x9a: {  	_ =	strace s4  }
0x9b: {  	s4 =	sld [smem:$0x3FFD];
	_ =	sdelay $0x3  }
0x9c: {  	_ =	strace s4  }
0x9d: {  	_ =	strace $0x8FFFFFFF  }
0x9e: {  	s18 =	sld [smem:$0x3FDB];
	_ =	sdelay $0x1  }
0x9f: {  	s19 =	simm.s32 $_scs_section_size  }
0xa0: {  	s6 =	simm.s32 $_size__tile_overlayer_lowered;
	s7 =	simm.s32 $_tile_overlayer_lowered  }
0xa1: {  	s22 =	simm.s32 $0x1BFF;
	s21 =	sshll.u32 s7, $0x1;
	s4 =	sadd.s32 s19, s18  }
0xa2: {  	s8 =	simm.s32 $0x0;
	s20 =	sshll.u32 s6, $0x1;
	s6 =	sadd.s32 s21, s4  }
0xa3: {  	[timem:s8], [sflag:s22] =	dma.local [hbm:s6], s20  }
0xa4: {  	_ =	swait.ge [sflag:s22], s20  }
0xa5: {  	s5 =	ssub.s32 $0x0, s20;
	[sflag:s22] =	ssyncset.done $0x0  }
0xa6: {  	[sflag:s22] =	ssyncadd.s32 s5;
	_ =	sdelay $0x1  }
0xa7: {  	s23 =	simm.s32 $0x1B8B  }
0xa8: {  	_ =	swait.ge [sflag:s23], $0x1  }
0xa9: {  	[sflag:s23] =	ssyncset.done $0x0  }
0xaa: {  	s25 =	simm.s32 $0x1B8E;
	s24 =	sld [smem:$0x3FFE];
	[sflag:s23] =	ssyncadd.s32 $0xFFFFFFFF  }
0xab: {  	s26 =	simm.s32 $execute0_lowered;
	[smem:$0x3FD2] =	sst s25  }
0xac: {  	s6 =	sshll.u32 s26, $0x1;
	_ =	strace $0x80000046;
	[dreg:$0x1] =	wrdreg $0xFFFFFFFF  }
0xad: {  	s28 =	simm.s32 $_size_execute0_lowered;
	s4 =	sadd.s32 s4, s6;
	[dreg:$0x0] =	wrdreg $0x0  }
0xae: {  	s6 =	sshll.u32 s28, $0x1;
	[dreg:$0x2] =	wrdreg s4  }
0xaf: {  	[dreg:$0x3] =	wrdreg s6  }
0xb0: {  	[dreg:$0x4] =	wrdreg $0xC0  }
0xb1: {  	_ =	task [dreg:s8], $0x5FFFF  }
0xb2: {  	[dreg:$0x1] =	wrdreg $0xFFFFFFFF  }
0xb3: {  	[dreg:$0x0] =	wrdreg $0x60  }
0xb4: {  	[dreg:$0x2] =	wrdreg s15  }
0xb5: {  	[dreg:$0x3] =	wrdreg s24  }
0xb6: {  	[dreg:$0x4] =	wrdreg s16  }
0xb7: {  	[dreg:$0x5] =	wrdreg $0xA0000  }
0xb8: {  	[dreg:$0x6] =	wrdreg $0x9  }
0xb9: {  	_ =	task.clear_ibuf [dreg:s8], $0x7FFFF;
	_ =	strace $0x90000046  }
0xba: {  	s29 =	simm.s32 $0x9;
	_ =	strace $0x80000048  }
0xbb: {  	_ =	swait.ge [sflag:s29], $0x1  }
0xbc: {  	[sflag:s29] =	ssyncadd.s32 $0xFFFFFFFF  }
0xbd: {  	_ =	strace $0x90000048  }
0xbe: {  	_ =	sfence  }
0xbf: {  	s30 =	sld [smem:$0x0];
	_ =	sdelay $0x2  }
0xc0: {  	s31 =	sshll.u32 s1, $0xD;
	s1 =	sshrl.u32 s1, $0x2  }
0xc1: {  	s3 =	sand.u32 $0x4000, s31;
	s1 =	sadd.s32 s1, s30  }
0xc2: {  	s0 =	sor.u32 s3, s0;
	s1 =	sshll.u32 s1, $0x11  }
0xc3: {  	s0 =	sor.u32 s1, s0  }
0xc4: {  	s0 =	sadd.s32 $0x8F2B, s0  }
0xc5: {  	[sflag:s0] =	ssyncadd.remote.s32 $0x1  }
0xc6: {  	_ =	sfence.sel $0xFFFF  }
0xc7: {  	[dreg:$0x0] =	wrdreg $0xFFFFFFFF;
	(pc) =	sbr.abs _section_cstart, $3  }
0xc8: {  	[dreg:$0x1] =	wrdreg $0xFFFFFFFF  }
0xc9: {  	_ =	task.clear_ibuf [dreg:s8], $0x2FFFF;
	_ =	strace $0x9FFFFFFF  }
0xca: {  	(tm) =	ssettm $0x7FFFFFFF  }
0xcb: {  	_ =	shalt  }
tec
execute0_lowered:
.L_overlay_start_1:
0x0: {  	(tag) =	ssettag $0x1  }
0x1: {  	s1 =	rddreg [dreg:$0x0]  }
0x2: {  	s0 =	rddreg [dreg:$0x1]  }
0x3: {  	s3 =	rddreg [dreg:$0x3]  }
0x4: {  	s5 =	simm.s32 $0x0;
	s2 =	srdreg.scid;
	s21 =	stileid.u32  }
0x5: {  	s17 =	simm.s32 $0x40;
	s18 =	simm.s32 $0x2000;
	s28 =	simm.s32 $0x1  }
0x6: {  	s29 =	simm.s32 $0x2;
	s30 =	simm.s32 $0x3;
	s6 =	smul.u32 $0x50000, s21  }
0x7: {  	s31 =	simm.s32 $0x4;
	[smem:$0x7FF] =	sst s5;
	s10 =	smul.u32 $0xA000, s21  }
0x8: {  	s4 =	sadd.s32 $0x2B200, s0;
	s2 =	sand.u32 $0x1, s2;
	s19 =	smul.u32 $0x4E000, s21  }
0x9: {  	s12 =	sadd.s32 $0x3200, s0;
	s0 =	sadd.s32 $0x53200, s0;
	s15 =	smul.u32 $0x2700, s21  }
0xa: {  	s20 =	sshll.u32 s21, $0x6;
	p0 =	seq.s32 s21, $0xF;
	s8 =	smul.u32 $0xA0000, s2  }
0xb: {  	_ =	strace $0x80000047;
	s7 =	ssub.s32 $0x2, s2;
	s14 =	smul.u32 $0x27100, s2  }
0xc: {  	s2 =	smul.u32 $0x138800, s2;
	s9 =	sshrl.u32 s7, $0x1;
	s6 =	sshrl.u32 s6, $0x2  }
0xd: {  	s11 =	ssub.s32 s7, s9;
	s13 =	sadd.s32 s6, s3;
	s10 =	sadd.s32 s10, s8  }
0xe: {  	s6 =	sor.u32 $0x1C07, s20;
	s9 =	sshrl.u32 s19, $0x2;
	s14 =	sadd.s32 s15, s14  }
0xf: {  	s2 =	sshrl.u32 s2, $0x3;
	s19 =	sadd.s32 $0x124800, s3;
	s15 =	simm.s32 $0x7  }
0x10: {  	s20 =	simm.s32 $0x4000;
	s8 =	sshrl.u32 s10, $0x3;
	s16 =	sadd.s32 s9, s3  }
0x11: {  	s24 =	sadd.s32 s0, s14;
	s0 =	sadd.s32 s0, s2;
	s25 =	sor.u32 $0x800, s10  }
0x12: {  	s11 =	smax.u32 s11, $0x1;
	s14 =	sshrl.u32 s13, $0x3;
	s22 =	sadd.s32 s4, s8  }
.Ltmp0:
0x13: {  	s23 =	sadd.s32 s12, s8;
	[dreg:$0x7] =	wrdreg s24;
	(pc) =	sbr.rel .LBB2_1-.Ltmp0, $4  }
0x14: {  	s0 =	sadd.s32 $0x24900, s0;
	s26 =	sshrl.u32 s25, $0x3;
	[dreg:$0x5] =	wrdreg s22  }
0x15: {  	s24 =	sshrl.u32 @p0 s19, $0x3;
	s25 =	sshrl.u32 @!p0 s16, $0x3;
	[dreg:$0x6] =	wrdreg s23  }
0x16: {  	[dreg:$0x8] =	wrdreg s0;
	s2 =	sadd.s32 s26, s12;
	s4 =	sadd.s32 s26, s4  }
0x17: {  	s22 =	simm.s32 $0x6000;
	s26 =	simm.s32 $0x8000;
	s0 =	simm.s32 $0x0  }
.LBB2_3:
0x18: {  	_ =	swait.ge [sflag:s31], $0x2000  }
0x19: {  	[sflag:s31] =	ssyncset.done $0x0  }
0x1a: {  	s7 =	sor.u32 $0x1000, s21;
	[sflag:s31] =	ssyncadd.s32 $0xFFFFE000  }
0x1b: {  	[spmem:s3] =	stream.indirect.scatter.add.f32 [tilespmem:s26], [sflag:$0x7], $0x80, s7, s17, $0xb8;
	[tilespmem:$0x1E000] =	vst v63  }
0x1c: {  	_ =	swait.ge [sflag:s15], $0x2000  }
0x1d: {  	[sflag:s15] =	ssyncset.done $0x0  }
0x1e: {  	[sflag:s15] =	ssyncadd.s32 $0xFFFFE000  }
.LBB2_5:
0x1f: {  	[bflag:$0x0] =	sbarrier.arrive $0xFFFF  }
0x20: {  	s7 =	rddreg [dreg:$0x8]  }
0x21: {  	[hbm:s7], [sflag:s6] =	dma.local @p0 [spmem:s24], $0x2800  }
0x22: {  	s7 =	simm.s32 @p0 $0x7  }
0x23: {  	_ =	swait.ge @p0 [sflag:s7], $0x2800  }
0x24: {  	s0 =	sadd.s32 $0x1, s0;
	[sflag:s7] =	ssyncset.done @p0 $0x0  }
0x25: {  	p1 =	sne.s32 s0, s11;
	[sflag:s7] =	ssyncadd.s32 @p0 $0xFFFFD800;
	s7 =	rddreg [dreg:$0x7]  }
0x26: {  	[hbm:s7], [sflag:s6] =	dma.local @!p0 [spmem:s25], $0x2700  }
.Ltmp1:
0x27: {  	_ = 	snop;
	(pc) =	sbr.rel @!p1 .LBB2_6-.Ltmp1, $4  }
0x28: {  	s7 =	simm.s32 @!p0 $0x7  }
0x29: {  	_ =	swait.ge @!p0 [sflag:s7], $0x2700  }
0x2a: {  	[sflag:s7] =	ssyncset.done @!p0 $0x0  }
0x2b: {  	[sflag:s7] =	ssyncadd.s32 @!p0 $0xFFFFD900  }
.LBB2_1:
0x2c: {  	s7 =	rddreg [dreg:$0x2]  }
0x2d: {  	[spmem:s14], [sflag:s6] =	dma.local [hbm:s7], $0x2800  }
0x2e: {  	_ =	swait.ge [sflag:s15], $0x2800  }
0x2f: {  	[sflag:s15] =	ssyncset.done $0x0  }
0x30: {  	s13 =	rddreg [dreg:$0x5];
	[sflag:s15] =	ssyncadd.s32 $0xFFFFD800  }
0x31: {  	[tilespmem:s5], [sflag:$0x7] =	stream.linear.gather [hbm4b:s13+s5], $0x800, $0x38;
	[tilespmem:$0x1E000] =	vst v63  }
0x32: {  	_ =	swait.ge [sflag:s15], $0x800  }
0x33: {  	[sflag:s15] =	ssyncset.done $0x0  }
0x34: {  	s8 =	simm.s32 $0x1000;
	s16 =	rddreg [dreg:$0x6];
	[sflag:s15] =	ssyncadd.s32 $0xFFFFF800  }
0x35: {  	[tilespmem:s8], [sflag:$0x7] =	stream.linear.gather [hbm4b:s16+s5], $0x800, $0x38;
	[tilespmem:$0x1E000] =	vst v63  }
0x36: {  	_ =	swait.ge [sflag:s15], $0x800  }
0x37: {  	[sflag:s15] =	ssyncset.done $0x0  }
0x38: {  	[sflag:s15] =	ssyncadd.s32 $0xFFFFF800  }
0x39: {  	[bflag:$0x0] =	sbarrier.arrive $0xFFFF  }
0x3a: {  	[tilespmem:s18], [sflag:$0x1] =	stream.indirect.gather [hbm4b:s1+s17], $0x80, s5, s17, $0xb8;
	[tilespmem:$0x1E000] =	vst v63  }
0x3b: {  	s19 =	simm.s32 $0x80  }
0x3c: {  	[tilespmem:s20], [sflag:$0x2] =	stream.indirect.gather [hbm4b:s1+s17], $0x80, s19, s17, $0xb8;
	[tilespmem:$0x1E000] =	vst v63  }
0x3d: {  	s21 =	simm.s32 $0x100;
	s23 =	simm.s32 $0x180  }
0x3e: {  	[tilespmem:s22], [sflag:$0x3] =	stream.indirect.gather [hbm4b:s1+s17], $0x80, s21, s17, $0xb8;
	[tilespmem:$0x1E000] =	vst v63  }
0x3f: {  	s12 =	smov.u32 s2;
	s13 =	smov.u32 s4;
	s16 =	simm.s32 $0x0  }
0x40: {  	[tilespmem:s26], [sflag:$0x4] =	stream.indirect.gather [hbm4b:s1+s17], $0x80, s23, s17, $0xb8;
	[tilespmem:$0x1E000] =	vst v63  }
.LBB2_2:
0x41: {  	p1 =	seq.s32 s16, $0x9800  }
0x42: {  	s19 =	sand.u32 @!p1 $0x800, s16  }
0x43: {  	s23 =	simm.s32 @!p1 $0x0;
	s21 =	sxor.u32 @!p1 $0x800, s19  }
0x44: {  	[tilespmem:s21], [sflag:$0x5] =	stream.linear.gather @!p1 [hbm4b:s13+s23], $0x800, $0x38;
	[tilespmem:$0x1E000] =	vst v63  }
0x45: {  	s21 =	sxor.u32 @!p1 $0x1800, s19  }
0x46: {  	[tilespmem:s21], [sflag:$0x6] =	stream.linear.gather @!p1 [hbm4b:s12+s23], $0x800, $0x38;
	[tilespmem:$0x1E000] =	vst v63  }
0x47: {  	_ =	swait.ge [sflag:s28], $0x2000  }
0x48: {  	s19 =	simm.s32 @p1 $0x800;
	[sflag:s28] =	ssyncset.done $0x0  }
0x49: {  	s10 =	sor.u32 $0x1000, s19;
	[sflag:s28] =	ssyncadd.s32 $0xFFFFE000  }
0x4a: {  	[spmem:s3] =	stream.indirect.scatter.add.f32 [tilespmem:s18], [sflag:$0x7], $0x80, s10, s17, $0xb8;
	[tilespmem:$0x1E000] =	vst v63  }
0x4b: {  	_ =	swait.ge [sflag:s15], $0x2000  }
0x4c: {  	[sflag:s15] =	ssyncset.done $0x0  }
0x4d: {  	s23 =	sor.u32 $0x200, s19;
	[sflag:s15] =	ssyncadd.s32 $0xFFFFE000  }
0x4e: {  	[tilespmem:s18], [sflag:$0x1] =	stream.indirect.gather [hbm4b:s1+s17], $0x80, s23, s17, $0xb8;
	[tilespmem:$0x1E000] =	vst v63  }
0x4f: {  	_ =	swait.ge [sflag:s29], $0x2000  }
0x50: {  	[sflag:s29] =	ssyncset.done $0x0  }
0x51: {  	s7 =	sadd.s32 $0x1080, s19;
	[sflag:s29] =	ssyncadd.s32 $0xFFFFE000  }
0x52: {  	[spmem:s3] =	stream.indirect.scatter.add.f32 [tilespmem:s20], [sflag:$0x7], $0x80, s7, s17, $0xb8;
	[tilespmem:$0x1E000] =	vst v63  }
0x53: {  	_ =	swait.ge [sflag:s15], $0x2000  }
0x54: {  	[sflag:s15] =	ssyncset.done $0x0  }
0x55: {  	s8 =	sor.u32 $0x280, s19;
	[sflag:s15] =	ssyncadd.s32 $0xFFFFE000  }
0x56: {  	[tilespmem:s20], [sflag:$0x2] =	stream.indirect.gather [hbm4b:s1+s17], $0x80, s8, s17, $0xb8;
	[tilespmem:$0x1E000] =	vst v63  }
0x57: {  	_ =	swait.ge [sflag:s30], $0x2000  }
0x58: {  	[sflag:s30] =	ssyncset.done $0x0  }
0x59: {  	s9 =	sadd.s32 $0x1100, s19;
	[sflag:s30] =	ssyncadd.s32 $0xFFFFE000  }
0x5a: {  	[spmem:s3] =	stream.indirect.scatter.add.f32 [tilespmem:s22], [sflag:$0x7], $0x80, s9, s17, $0xb8;
	[tilespmem:$0x1E000] =	vst v63  }
0x5b: {  	_ =	swait.ge [sflag:s15], $0x2000  }
0x5c: {  	[sflag:s15] =	ssyncset.done $0x0  }
0x5d: {  	s10 =	sor.u32 $0x300, s19;
	[sflag:s15] =	ssyncadd.s32 $0xFFFFE000  }
0x5e: {  	[tilespmem:s22], [sflag:$0x3] =	stream.indirect.gather [hbm4b:s1+s17], $0x80, s10, s17, $0xb8;
	[tilespmem:$0x1E000] =	vst v63  }
0x5f: {  	_ =	swait.ge [sflag:s31], $0x2000  }
0x60: {  	[sflag:s31] =	ssyncset.done $0x0  }
0x61: {  	s23 =	sadd.s32 $0x1180, s19;
	[sflag:s31] =	ssyncadd.s32 $0xFFFFE000  }
0x62: {  	[spmem:s3] =	stream.indirect.scatter.add.f32 [tilespmem:s26], [sflag:$0x7], $0x80, s23, s17, $0xb8;
	[tilespmem:$0x1E000] =	vst v63  }
0x63: {  	_ =	swait.ge [sflag:s15], $0x2000  }
0x64: {  	[sflag:s15] =	ssyncset.done $0x0  }
0x65: {  	s7 =	sor.u32 $0x380, s19;
	[sflag:s15] =	ssyncadd.s32 $0xFFFFE000  }
0x66: {  	[tilespmem:s26], [sflag:$0x4] =	stream.indirect.gather [hbm4b:s1+s17], $0x80, s7, s17, $0xb8;
	[tilespmem:$0x1E000] =	vst v63  }
0x67: {  	_ =	swait.ge [sflag:s28], $0x2000  }
0x68: {  	[sflag:s28] =	ssyncset.done $0x0  }
0x69: {  	s8 =	sor.u32 $0x1200, s19;
	[sflag:s28] =	ssyncadd.s32 $0xFFFFE000  }
0x6a: {  	[spmem:s3] =	stream.indirect.scatter.add.f32 [tilespmem:s18], [sflag:$0x7], $0x80, s8, s17, $0xb8;
	[tilespmem:$0x1E000] =	vst v63  }
0x6b: {  	_ =	swait.ge [sflag:s15], $0x2000  }
0x6c: {  	[sflag:s15] =	ssyncset.done $0x0  }
0x6d: {  	s9 =	sor.u32 $0x400, s19;
	[sflag:s15] =	ssyncadd.s32 $0xFFFFE000  }
0x6e: {  	[tilespmem:s18], [sflag:$0x1] =	stream.indirect.gather [hbm4b:s1+s17], $0x80, s9, s17, $0xb8;
	[tilespmem:$0x1E000] =	vst v63  }
0x6f: {  	_ =	swait.ge [sflag:s29], $0x2000  }
0x70: {  	[sflag:s29] =	ssyncset.done $0x0  }
0x71: {  	s10 =	sor.u32 $0x1280, s19;
	[sflag:s29] =	ssyncadd.s32 $0xFFFFE000  }
0x72: {  	[spmem:s3] =	stream.indirect.scatter.add.f32 [tilespmem:s20], [sflag:$0x7], $0x80, s10, s17, $0xb8;
	[tilespmem:$0x1E000] =	vst v63  }
0x73: {  	_ =	swait.ge [sflag:s15], $0x2000  }
0x74: {  	[sflag:s15] =	ssyncset.done $0x0  }
0x75: {  	s23 =	sor.u32 $0x480, s19;
	[sflag:s15] =	ssyncadd.s32 $0xFFFFE000  }
0x76: {  	[tilespmem:s20], [sflag:$0x2] =	stream.indirect.gather [hbm4b:s1+s17], $0x80, s23, s17, $0xb8;
	[tilespmem:$0x1E000] =	vst v63  }
0x77: {  	_ =	swait.ge [sflag:s30], $0x2000  }
0x78: {  	[sflag:s30] =	ssyncset.done $0x0  }
0x79: {  	s7 =	sor.u32 $0x1300, s19;
	[sflag:s30] =	ssyncadd.s32 $0xFFFFE000  }
0x7a: {  	[spmem:s3] =	stream.indirect.scatter.add.f32 [tilespmem:s22], [sflag:$0x7], $0x80, s7, s17, $0xb8;
	[tilespmem:$0x1E000] =	vst v63  }
0x7b: {  	_ =	swait.ge [sflag:s15], $0x2000  }
0x7c: {  	[sflag:s15] =	ssyncset.done $0x0  }
0x7d: {  	s8 =	sor.u32 $0x500, s19;
	[sflag:s15] =	ssyncadd.s32 $0xFFFFE000  }
0x7e: {  	[tilespmem:s22], [sflag:$0x3] =	stream.indirect.gather [hbm4b:s1+s17], $0x80, s8, s17, $0xb8;
	[tilespmem:$0x1E000] =	vst v63  }
0x7f: {  	_ =	swait.ge [sflag:s31], $0x2000  }
0x80: {  	[sflag:s31] =	ssyncset.done $0x0  }
0x81: {  	s9 =	sor.u32 $0x1380, s19;
	[sflag:s31] =	ssyncadd.s32 $0xFFFFE000  }
0x82: {  	[spmem:s3] =	stream.indirect.scatter.add.f32 [tilespmem:s26], [sflag:$0x7], $0x80, s9, s17, $0xb8;
	[tilespmem:$0x1E000] =	vst v63  }
0x83: {  	_ =	swait.ge [sflag:s15], $0x2000  }
0x84: {  	[sflag:s15] =	ssyncset.done $0x0  }
0x85: {  	s10 =	sor.u32 $0x580, s19;
	[sflag:s15] =	ssyncadd.s32 $0xFFFFE000  }
0x86: {  	[tilespmem:s26], [sflag:$0x4] =	stream.indirect.gather [hbm4b:s1+s17], $0x80, s10, s17, $0xb8;
	[tilespmem:$0x1E000] =	vst v63  }
0x87: {  	_ =	swait.ge [sflag:s28], $0x2000  }
0x88: {  	[sflag:s28] =	ssyncset.done $0x0  }
0x89: {  	s23 =	sor.u32 $0x1400, s19;
	[sflag:s28] =	ssyncadd.s32 $0xFFFFE000  }
0x8a: {  	[spmem:s3] =	stream.indirect.scatter.add.f32 [tilespmem:s18], [sflag:$0x7], $0x80, s23, s17, $0xb8;
	[tilespmem:$0x1E000] =	vst v63  }
0x8b: {  	_ =	swait.ge [sflag:s15], $0x2000  }
0x8c: {  	[sflag:s15] =	ssyncset.done $0x0  }
0x8d: {  	s7 =	sor.u32 $0x600, s19;
	[sflag:s15] =	ssyncadd.s32 $0xFFFFE000  }
0x8e: {  	[tilespmem:s18], [sflag:$0x1] =	stream.indirect.gather [hbm4b:s1+s17], $0x80, s7, s17, $0xb8;
	[tilespmem:$0x1E000] =	vst v63  }
0x8f: {  	_ =	swait.ge [sflag:s29], $0x2000  }
0x90: {  	[sflag:s29] =	ssyncset.done $0x0  }
0x91: {  	s8 =	sor.u32 $0x1480, s19;
	[sflag:s29] =	ssyncadd.s32 $0xFFFFE000  }
0x92: {  	[spmem:s3] =	stream.indirect.scatter.add.f32 [tilespmem:s20], [sflag:$0x7], $0x80, s8, s17, $0xb8;
	[tilespmem:$0x1E000] =	vst v63  }
0x93: {  	_ =	swait.ge [sflag:s15], $0x2000  }
0x94: {  	[sflag:s15] =	ssyncset.done $0x0  }
0x95: {  	s23 =	sor.u32 $0x680, s19;
	[sflag:s15] =	ssyncadd.s32 $0xFFFFE000  }
0x96: {  	[tilespmem:s20], [sflag:$0x2] =	stream.indirect.gather [hbm4b:s1+s17], $0x80, s23, s17, $0xb8;
	[tilespmem:$0x1E000] =	vst v63  }
0x97: {  	_ =	swait.ge [sflag:s30], $0x2000  }
0x98: {  	[sflag:s30] =	ssyncset.done $0x0  }
0x99: {  	s9 =	sor.u32 $0x1500, s19;
	[sflag:s30] =	ssyncadd.s32 $0xFFFFE000  }
0x9a: {  	[spmem:s3] =	stream.indirect.scatter.add.f32 [tilespmem:s22], [sflag:$0x7], $0x80, s9, s17, $0xb8;
	[tilespmem:$0x1E000] =	vst v63  }
0x9b: {  	_ =	swait.ge [sflag:s15], $0x2000  }
0x9c: {  	[sflag:s15] =	ssyncset.done $0x0  }
0x9d: {  	s7 =	sor.u32 $0x700, s19;
	[sflag:s15] =	ssyncadd.s32 $0xFFFFE000  }
0x9e: {  	[tilespmem:s22], [sflag:$0x3] =	stream.indirect.gather [hbm4b:s1+s17], $0x80, s7, s17, $0xb8;
	[tilespmem:$0x1E000] =	vst v63  }
0x9f: {  	_ =	swait.ge [sflag:s31], $0x2000  }
0xa0: {  	[sflag:s31] =	ssyncset.done $0x0  }
0xa1: {  	s10 =	sor.u32 $0x1580, s19;
	[sflag:s31] =	ssyncadd.s32 $0xFFFFE000  }
0xa2: {  	[spmem:s3] =	stream.indirect.scatter.add.f32 [tilespmem:s26], [sflag:$0x7], $0x80, s10, s17, $0xb8;
	[tilespmem:$0x1E000] =	vst v63  }
0xa3: {  	_ =	swait.ge [sflag:s15], $0x2000  }
0xa4: {  	[sflag:s15] =	ssyncset.done $0x0  }
0xa5: {  	s21 =	sor.u32 $0x780, s19;
	[sflag:s15] =	ssyncadd.s32 $0xFFFFE000  }
0xa6: {  	[tilespmem:s26], [sflag:$0x4] =	stream.indirect.gather [hbm4b:s1+s17], $0x80, s21, s17, $0xb8;
	[tilespmem:$0x1E000] =	vst v63  }
0xa7: {  	_ =	swait.ge [sflag:s28], $0x2000  }
0xa8: {  	[sflag:s28] =	ssyncset.done $0x0  }
0xa9: {  	s8 =	sor.u32 $0x1600, s19;
	[sflag:s28] =	ssyncadd.s32 $0xFFFFE000  }
0xaa: {  	[spmem:s3] =	stream.indirect.scatter.add.f32 [tilespmem:s18], [sflag:$0x7], $0x80, s8, s17, $0xb8;
	[tilespmem:$0x1E000] =	vst v63  }
0xab: {  	_ =	swait.ge [sflag:s15], $0x2000  }
0xac: {  	[sflag:s15] =	ssyncset.done $0x0  }
0xad: {  	s8 =	simm.s32 @p1 $0x2;
	[sflag:s15] =	ssyncadd.s32 $0xFFFFE000  }
0xae: {  	_ =	swait.ge @p1 [sflag:s8], $0x2000  }
0xaf: {  	s9 =	simm.s32 @p1 $0x40;
	[sflag:s8] =	ssyncset.done @p1 $0x0  }
0xb0: {  	s10 =	simm.s32 @p1 $0x4000;
	[sflag:s8] =	ssyncadd.s32 @p1 $0xFFFFE000;
	s8 =	sor.u32 @p1 $0x1000, s23  }
0xb1: {  	[spmem:s3] =	stream.indirect.scatter.add.f32 @p1 [tilespmem:s10], [sflag:$0x7], $0x80, s8, s9, $0xb8;
	[tilespmem:$0x1E000] =	vst v63  }
0xb2: {  	s8 =	simm.s32 @p1 $0x7  }
0xb3: {  	_ =	swait.ge @p1 [sflag:s8], $0x2000  }
0xb4: {  	[sflag:s8] =	ssyncset.done @p1 $0x0  }
0xb5: {  	[sflag:s8] =	ssyncadd.s32 @p1 $0xFFFFE000;
	s8 =	simm.s32 @!p1 $0x5  }
0xb6: {  	_ =	swait.ge @!p1 [sflag:s8], $0x800  }
0xb7: {  	[sflag:s8] =	ssyncset.done @!p1 $0x0  }
0xb8: {  	[sflag:s8] =	ssyncadd.s32 @!p1 $0xFFFFF800;
	s8 =	simm.s32 @!p1 $0x6  }
0xb9: {  	_ =	swait.ge @!p1 [sflag:s8], $0x800  }
0xba: {  	s9 =	simm.s32 @!p1 $0x40;
	[sflag:s8] =	ssyncset.done @!p1 $0x0  }
0xbb: {  	s10 =	simm.s32 @!p1 $0x2000;
	[sflag:s8] =	ssyncadd.s32 @!p1 $0xFFFFF800;
	s8 =	ssub.s32 @!p1 $0x800, s19  }
0xbc: {  	[tilespmem:s10], [sflag:$0x1] =	stream.indirect.gather @!p1 [hbm4b:s1+s9], $0x80, s8, s9, $0xb8;
	[tilespmem:$0x1E000] =	vst v63  }
0xbd: {  	s8 =	simm.s32 @!p1 $0x2  }
0xbe: {  	_ =	swait.ge @!p1 [sflag:s8], $0x2000  }
0xbf: {  	[sflag:s8] =	ssyncset.done @!p1 $0x0  }
0xc0: {  	s10 =	simm.s32 @!p1 $0x4000;
	[sflag:s8] =	ssyncadd.s32 @!p1 $0xFFFFE000;
	s8 =	sor.u32 @!p1 $0x1000, s23  }
0xc1: {  	[spmem:s3] =	stream.indirect.scatter.add.f32 @!p1 [tilespmem:s10], [sflag:$0x7], $0x80, s8, s9, $0xb8;
	[tilespmem:$0x1E000] =	vst v63  }
0xc2: {  	s8 =	simm.s32 @!p1 $0x7  }
0xc3: {  	_ =	swait.ge @!p1 [sflag:s8], $0x2000  }
0xc4: {  	[sflag:s8] =	ssyncset.done @!p1 $0x0  }
0xc5: {  	[sflag:s8] =	ssyncadd.s32 @!p1 $0xFFFFE000;
	s8 =	ssub.s32 @!p1 $0x880, s19  }
0xc6: {  	[tilespmem:s10], [sflag:$0x2] =	stream.indirect.gather @!p1 [hbm4b:s1+s9], $0x80, s8, s9, $0xb8;
	[tilespmem:$0x1E000] =	vst v63  }
0xc7: {  	_ =	swait.ge [sflag:s30], $0x2000  }
0xc8: {  	p1 =	sne.s32 s16, $0x9800;
	[sflag:s30] =	ssyncset.done $0x0  }
.Ltmp2:
0xc9: {  	s7 =	sor.u32 $0x1000, s7;
	[sflag:s30] =	ssyncadd.s32 $0xFFFFE000;
	(pc) =	sbr.rel @!p1 .LBB2_3-.Ltmp2, $4  }
0xca: {  	[spmem:s3] =	stream.indirect.scatter.add.f32 [tilespmem:s22], [sflag:$0x7], $0x80, s7, s17, $0xb8;
	[tilespmem:$0x1E000] =	vst v63  }
0xcb: {  	_ =	swait.ge [sflag:s15], $0x2000  }
0xcc: {  	[sflag:s15] =	ssyncset.done $0x0  }
0xcd: {  	[sflag:s15] =	ssyncadd.s32 $0xFFFFE000  }
0xce: {  	s7 =	ssub.s32 $0x900, s19  }
0xcf: {  	[tilespmem:s22], [sflag:$0x3] =	stream.indirect.gather [hbm4b:s1+s17], $0x80, s7, s17, $0xb8;
	[tilespmem:$0x1E000] =	vst v63  }
0xd0: {  	_ =	swait.ge [sflag:s31], $0x2000  }
0xd1: {  	s16 =	sadd.s32 $0x800, s16;
	[sflag:s31] =	ssyncset.done $0x0  }
0xd2: {  	s21 =	sor.u32 $0x1000, s21;
	p1 =	sne.s32 s16, $0xA000;
	[sflag:s31] =	ssyncadd.s32 $0xFFFFE000  }
0xd3: {  	[spmem:s3] =	stream.indirect.scatter.add.f32 [tilespmem:s26], [sflag:$0x7], $0x80, s21, s17, $0xb8;
	[tilespmem:$0x1E000] =	vst v63  }
.Ltmp3:
0xd4: {  	_ = 	snop;
	(pc) =	sbr.rel @p1 .LBB2_2-.Ltmp3, $4  }
.Ltmp4:
0xd5: {  	_ =	swait.ge [sflag:s15], $0x2000;
	(pc) =	sbr.rel @!p1 .LBB2_5-.Ltmp4, $4  }
0xd6: {  	s23 =	ssub.s32 $0x980, s19;
	[sflag:s15] =	ssyncset.done $0x0  }
0xd7: {  	s12 =	sadd.s32 $0x100, s12;
	s13 =	sadd.s32 $0x100, s13;
	[sflag:s15] =	ssyncadd.s32 $0xFFFFE000  }
0xd8: {  	[tilespmem:s26], [sflag:$0x4] =	stream.indirect.gather [hbm4b:s1+s17], $0x80, s23, s17, $0xb8;
	[tilespmem:$0x1E000] =	vst v63  }
0xd9: {  	_ = 	snop  }
.LBB2_6:
0xda: {  	_ =	sfence.sel $0x180000  }
0xdb: {  	[bflag:$0x0] =	sbarrier.arrive $0xFFFF  }
0xdc: {  	_ =	strace $0x90000047  }
0xdd: {  	s0 =	stileid.u32;
	[bflag:$0x2] =	sbarrier.arrive $0xFFFF  }
0xde: {  	p0 =	sne.s32 s0, $0x0;
	s0 =	rddreg [dreg:$0x4]  }
0xdf: {  	s0 =	sadd.s32 @!p0 $0x100000, s0  }
0xe0: {  	[sflag:s0] =	ssyncadd.tile.s32 @!p0 $0x1;
	_ =	shalt  }
.Lfunc_end2:
_tile_overlayer_lowered:
.L_overlay_start_2:
0xe1: {  	(tag) =	ssettag $0x2  }
0xe2: {  	s0 =	rddreg [dreg:$0x0];
	s2 =	stileid.u32  }
0xe3: {  	s1 =	rddreg [dreg:$0x1];
	p0 =	sne.s32 s2, $0x0  }
0xe4: {  	s3 =	rddreg [dreg:$0x2];
	[bflag:$0x3] =	sbarrier.arrive $0xFFFF;
	s2 =	simm.s32 @!p0 $0x1C07  }
0xe5: {  	[timem:s3], [sflag:s2] =	dma.local @!p0 [hbm:s0], s1  }
0xe6: {  	s0 =	simm.s32 @!p0 $0x7  }
0xe7: {  	_ =	swait.ge @!p0 [sflag:s0], s1  }
0xe8: {  	s1 =	ssub.s32 @!p0 $0x0, s1;
	[sflag:s0] =	ssyncset.done @!p0 $0x0  }
0xe9: {  	[sflag:s0] =	ssyncadd.s32 @!p0 s1  }
0xea: {  	[bflag:$0x3] =	sbarrier.arrive $0xFFFF  }
0xeb: {  	_ =	shalt  }

// kernel: kernel.9.cloned.1.call-start
scs
__scs_entry_jumppad:
0x0: {  	(pc) =	sbr.rel $0x88, $3  }
0x1: {  	(tag) =	ssettag $0x0;
	lr =	simm.s32 $0x1  }
0x2: {  	[smem:$0x3F87] =	sst lr;
	_ =	strace $0xD0000000  }
0x3: {  	_ = 	snop  }
0x4: {  	_ = 	snop  }
0x5: {  	_ = 	snop  }
0x6: {  	_ = 	snop  }
0x7: {  	_ = 	snop  }
__scs_overlays_trampoline_lowered:
0x8: {  	[smem:$0x3F96] =	sst s0  }
0x9: {  	[smem:$0x3F97] =	sst s1  }
0xa: {  	[smem:$0x3F98] =	sst s2  }
0xb: {  	[smem:$0x3F99] =	sst s3  }
0xc: {  	[smem:$0x3F9A] =	sst s4  }
0xd: {  	[smem:$0x3F9B] =	sst s5  }
0xe: {  	[smem:$0x3F9C] =	sst s6  }
0xf: {  	[smem:$0x3F9D] =	sst s7  }
0x10: {  	[smem:$0x3F9E] =	sst s8  }
0x11: {  	[smem:$0x3F9F] =	sst s9;
	s0 =	simm.s32 @!p0 $0x0  }
0x12: {  	s1 =	sld [smem:$0x3F85];
	s0 =	simm.s32 @p0 $0x1  }
0x13: {  	[smem:$0x3FA0] =	sst s0;
	s0 =	simm.s32 @!p1 $0x0  }
0x14: {  	s2 =	sld [smem:$0x3F84];
	s0 =	simm.s32 @p1 $0x1  }
0x15: {  	[smem:$0x3FA1] =	sst s0;
	s0 =	simm.s32 @!p2 $0x0  }
0x16: {  	s3 =	sld [smem:$0x3FDB];
	s0 =	simm.s32 @p2 $0x1  }
0x17: {  	s4 =	simm.s32 $0x1BF5;
	[smem:$0x3FA3] =	sst s0  }
0x18: {  	s0 =	sld [smem:$0x3F86];
	_ =	swait.ge [sflag:s4], $0x0  }
0x19: {  	s7 =	sld [smem:$0x3F87]  }
0x1a: {  	s8 =	sadd.s32 $0xFFFFE003, lr  }
0x1b: {  	s9 =	sadd.s32 $0xFFFFFEF7, lr;
	s5 =	simm.s32 $0xFFFFFFFF;
	p2 =	slt.u32 s8, $0xFFFFF086  }
0x1c: {  	p1 =	slt.u32 s9, $0xF7A;
	s5 =	simm.s32 @!p2 $0x0  }
0x1d: {  	s5 =	simm.s32 @p1 $0x1;
	p0 =	seq.s32 s7, s2  }
0x1e: {  	s7 =	smul.u32 @!p0 $0xF7A, s2;
	p2 =	seq.s32 @!p0 s5, $0x0  }
0x1f: {  	s9 =	smul.u32 $0xF7A, s1;
	s8 =	simm.s32 @!p0 $0x1BF5;
	p2 =	por !p2, p0  }
0x20: {  	[sflag:s8] =	ssyncset.s32 @!p0 $0xFFFFF086;
	s6 =	sadd.s32 @!p0 s3, s7;
	s7 =	simm.s32 @!p0 $0x108  }
0x21: {  	s3 =	sadd.s32 s3, s9;
	s6 =	sadd.s32 @!p0 $0x88, s6;
	s7 =	simm.s32 @p2 $0x1082  }
0x22: {  	[simem:s7], [sflag:s8] =	dma.local @!p0 [hbm:s6], $0xF7A  }
0x23: {  	s9 =	sor.u32 $0xD0000000, s2;
	s6 =	simm.s32 $0x108;
	_ =	swait.ge @!p0 [sflag:s8], $0x0  }
0x24: {  	s3 =	sadd.s32 $0x88, s3;
	s6 =	simm.s32 @!p1 $0x1082;
	[sflag:s4] =	ssyncset.s32 $0xFFFFF086  }
0x25: {  	[simem:s6], [sflag:s4] =	dma.local [hbm:s3], $0xF7A  }
0x26: {  	[smem:$0x3F87] =	sst s1;
	(tag) =	ssettag s2;
	_ =	strace s9  }
0x27: {  	s1 =	sld [smem:$0x3F97]  }
0x28: {  	s2 =	sld [smem:$0x3F98]  }
0x29: {  	s4 =	sld [smem:$0x3F9A]  }
0x2a: {  	p0 =	seq.s32 s5, $0x0;
	s5 =	sld [smem:$0x3F9B]  }
0x2b: {  	s6 =	sld [smem:$0x3F9C]  }
0x2c: {  	s7 =	sld [smem:$0x3F9D]  }
0x2d: {  	s3 =	simm.s32 $0x108;
	s8 =	sld [smem:$0x3F9E]  }
0x2e: {  	s3 =	simm.s32 @!p0 $0x1082;
	s9 =	sld [smem:$0x3F9F]  }
0x2f: {  	lr =	sadd.s32 s0, s3;
	s0 =	sld [smem:$0x3F96]  }
0x30: {  	s3 =	sld [smem:$0x3F99]  }
0x31: {  	[smem:$0x3FA2] =	sst s10  }
0x32: {  	s10 =	sld [smem:$0x3FA0];
	_ =	sdelay $0x3  }
0x33: {  	p0 =	seq.s32 s10, $0x1;
	s10 =	sld [smem:$0x3FA2];
	_ =	sdelay $0x3  }
0x34: {  	[smem:$0x3FA2] =	sst s10  }
0x35: {  	s10 =	sld [smem:$0x3FA1];
	_ =	sdelay $0x3  }
0x36: {  	p1 =	seq.s32 s10, $0x1;
	s10 =	sld [smem:$0x3FA2];
	_ =	sdelay $0x3  }
0x37: {  	[smem:$0x3FA2] =	sst s10  }
0x38: {  	s10 =	sld [smem:$0x3FA3]  }
0x39: {  	_ = 	snop;
	(pc) =	sbr.ind lr, $3  }
0x3a: {  	_ = 	snop  }
0x3b: {  	_ = 	snop  }
0x3c: {  	p2 =	seq.s32 s10, $0x1;
	s10 =	sld [smem:$0x3FA2]  }
0x3d: {  	_ =	shalt  }
0x3e: {  	_ =	shalt  }
0x3f: {  	_ =	shalt  }
0x40: {  	_ =	shalt  }
0x41: {  	_ =	shalt  }
0x42: {  	_ =	shalt  }
0x43: {  	_ =	shalt  }
0x44: {  	_ =	shalt  }
0x45: {  	_ =	shalt  }
0x46: {  	_ =	shalt  }
0x47: {  	_ =	shalt  }
0x48: {  	_ =	shalt  }
0x49: {  	_ =	shalt  }
0x4a: {  	_ =	shalt  }
0x4b: {  	_ =	shalt  }
0x4c: {  	_ =	shalt  }
0x4d: {  	_ =	shalt  }
0x4e: {  	_ =	shalt  }
0x4f: {  	_ =	shalt  }
0x50: {  	_ =	shalt  }
0x51: {  	_ =	shalt  }
0x52: {  	_ =	shalt  }
0x53: {  	_ =	shalt  }
0x54: {  	_ =	shalt  }
0x55: {  	_ =	shalt  }
0x56: {  	_ =	shalt  }
0x57: {  	_ =	shalt  }
0x58: {  	_ =	shalt  }
0x59: {  	_ =	shalt  }
0x5a: {  	_ =	shalt  }
0x5b: {  	_ =	shalt  }
0x5c: {  	_ =	shalt  }
0x5d: {  	_ =	shalt  }
0x5e: {  	_ =	shalt  }
0x5f: {  	_ =	shalt  }
0x60: {  	_ =	shalt  }
0x61: {  	_ =	shalt  }
0x62: {  	_ =	shalt  }
0x63: {  	_ =	shalt  }
0x64: {  	_ =	shalt  }
0x65: {  	_ =	shalt  }
0x66: {  	_ =	shalt  }
0x67: {  	_ =	shalt  }
0x68: {  	_ =	shalt  }
0x69: {  	_ =	shalt  }
0x6a: {  	_ =	shalt  }
0x6b: {  	_ =	shalt  }
0x6c: {  	_ =	shalt  }
0x6d: {  	_ =	shalt  }
0x6e: {  	_ =	shalt  }
0x6f: {  	_ =	shalt  }
0x70: {  	_ =	shalt  }
0x71: {  	_ =	shalt  }
0x72: {  	_ =	shalt  }
0x73: {  	_ =	shalt  }
0x74: {  	_ =	shalt  }
0x75: {  	_ =	shalt  }
0x76: {  	_ =	shalt  }
0x77: {  	_ =	shalt  }
0x78: {  	_ =	shalt  }
0x79: {  	_ =	shalt  }
0x7a: {  	_ =	shalt  }
0x7b: {  	_ =	shalt  }
0x7c: {  	_ =	shalt  }
0x7d: {  	_ =	shalt  }
0x7e: {  	_ =	shalt  }
0x7f: {  	_ =	shalt  }
0x80: {  	_ =	shalt  }
0x81: {  	_ =	shalt  }
0x82: {  	_ =	shalt  }
0x83: {  	_ =	shalt  }
0x84: {  	_ =	shalt  }
0x85: {  	_ =	shalt  }
0x86: {  	_ =	shalt  }
0x87: {  	_ =	shalt  }
.Lfunc_end0:
.L_simem_size_0:
called_computation.1_lowered:
.L_overlay_start_0:
0x88: {  	s2 =	sld [smem:$0x3FD9]  }
0x89: {  	s3 =	sld [smem:$0x3FFE];
	_ =	sdelay $0x1  }
0x8a: {  	s1 =	srdreg.scid  }
0x8b: {  	s0 =	sand.u32 $0x1, s1  }
0x8c: {  	s14 =	sshll.u32 s0, $0xA;
	s2 =	sadd.s32 s3, s2  }
0x8d: {  	s2 =	sadd.s32 s2, s14  }
0x8e: {  	[smem:$0x3FAE] =	sst s2  }
0x8f: {  	_ = 	snop  }
0x90: {  	s2 =	sld [smem:$0x3FD0];
	_ =	sdelay $0x2  }
0x91: {  	s15 =	simm.s32 $0xA;
	s4 =	simm.s32 $0x10  }
0x92: {  	[smem:s4], [sflag:s15] =	dma.local [hbm:s2], $0x1  }
0x93: {  	_ =	swait.eq [sflag:s15], $0x1  }
0x94: {  	[sflag:s15] =	ssyncset.done $0x0  }
0x95: {  	[sflag:s15] =	ssyncadd.s32 $0xFFFFFFFF  }
0x96: {  	s16 =	sld [smem:$0x15];
	(tm) =	ssettm $0x1  }
0x97: {  	s17 =	sld [smem:$0x3FFB];
	_ =	sdelay $0x3  }
0x98: {  	_ =	strace s17  }
0x99: {  	s3 =	sld [smem:$0x3FFC];
	_ =	sdelay $0x3  }
0x9a: {  	_ =	strace s3  }
0x9b: {  	s3 =	sld [smem:$0x3FFD];
	_ =	sdelay $0x3  }
0x9c: {  	_ =	strace s3  }
0x9d: {  	_ =	strace $0x8FFFFFFF  }
0x9e: {  	s18 =	sld [smem:$0x3FDB];
	_ =	sdelay $0x1  }
0x9f: {  	s19 =	simm.s32 $_scs_section_size  }
0xa0: {  	s5 =	simm.s32 $_size__tile_overlayer_lowered;
	s6 =	simm.s32 $_tile_overlayer_lowered  }
0xa1: {  	s22 =	simm.s32 $0x1BFF;
	s21 =	sshll.u32 s6, $0x1;
	s3 =	sadd.s32 s19, s18  }
0xa2: {  	s7 =	simm.s32 $0x0;
	s20 =	sshll.u32 s5, $0x1;
	s5 =	sadd.s32 s21, s3  }
0xa3: {  	[timem:s7], [sflag:s22] =	dma.local [hbm:s5], s20  }
0xa4: {  	_ =	swait.ge [sflag:s22], s20  }
0xa5: {  	s4 =	ssub.s32 $0x0, s20;
	[sflag:s22] =	ssyncset.done $0x0  }
0xa6: {  	[sflag:s22] =	ssyncadd.s32 s4;
	_ =	sdelay $0x1  }
0xa7: {  	s23 =	simm.s32 $0x1B8B  }
0xa8: {  	_ =	swait.ge [sflag:s23], $0x1  }
0xa9: {  	[sflag:s23] =	ssyncset.done $0x0  }
0xaa: {  	s25 =	simm.s32 $0x1B8E;
	s24 =	sld [smem:$0x3FFE];
	[sflag:s23] =	ssyncadd.s32 $0xFFFFFFFF  }
0xab: {  	s26 =	simm.s32 $execute0_lowered;
	[smem:$0x3FD2] =	sst s25  }
0xac: {  	s5 =	sshll.u32 s26, $0x1;
	_ =	strace $0x80000049;
	[dreg:$0x1] =	wrdreg $0xFFFFFFFF  }
0xad: {  	s28 =	simm.s32 $_size_execute0_lowered;
	s3 =	sadd.s32 s3, s5;
	[dreg:$0x0] =	wrdreg $0x0  }
0xae: {  	s5 =	sshll.u32 s28, $0x1;
	[dreg:$0x2] =	wrdreg s3  }
0xaf: {  	[dreg:$0x3] =	wrdreg s5  }
0xb0: {  	[dreg:$0x4] =	wrdreg $0xC0  }
0xb1: {  	_ =	task [dreg:s7], $0x5FFFF  }
0xb2: {  	[dreg:$0x1] =	wrdreg $0xFFFFFFFF  }
0xb3: {  	[dreg:$0x0] =	wrdreg $0x60  }
0xb4: {  	[dreg:$0x2] =	wrdreg s24  }
0xb5: {  	[dreg:$0x3] =	wrdreg s16  }
0xb6: {  	[dreg:$0x4] =	wrdreg $0xA0000  }
0xb7: {  	[dreg:$0x5] =	wrdreg $0x9  }
0xb8: {  	_ =	task.clear_ibuf [dreg:s7], $0x6FFFF;
	_ =	strace $0x90000049  }
0xb9: {  	s29 =	simm.s32 $0x9;
	_ =	strace $0x8000004B  }
0xba: {  	_ =	swait.ge [sflag:s29], $0x1  }
0xbb: {  	[sflag:s29] =	ssyncadd.s32 $0xFFFFFFFF  }
0xbc: {  	_ =	strace $0x9000004B  }
0xbd: {  	_ =	sfence  }
0xbe: {  	s30 =	sld [smem:$0x0];
	_ =	sdelay $0x2  }
0xbf: {  	s31 =	sshll.u32 s1, $0xD;
	s1 =	sshrl.u32 s1, $0x2  }
0xc0: {  	s3 =	sand.u32 $0x4000, s31;
	s1 =	sadd.s32 s1, s30  }
0xc1: {  	s0 =	sor.u32 s3, s0;
	s1 =	sshll.u32 s1, $0x11  }
0xc2: {  	s0 =	sor.u32 s1, s0  }
0xc3: {  	s0 =	sadd.s32 $0x8F2B, s0  }
0xc4: {  	[sflag:s0] =	ssyncadd.remote.s32 $0x1  }
0xc5: {  	_ =	sfence.sel $0xFFFF  }
0xc6: {  	[dreg:$0x0] =	wrdreg $0xFFFFFFFF;
	(pc) =	sbr.abs _section_cstart, $3  }
0xc7: {  	[dreg:$0x1] =	wrdreg $0xFFFFFFFF  }
0xc8: {  	_ =	task.clear_ibuf [dreg:s7], $0x2FFFF;
	_ =	strace $0x9FFFFFFF  }
0xc9: {  	(tm) =	ssettm $0x7FFFFFFF  }
tec
execute0_lowered:
.L_overlay_start_1:
0x0: {  	(tag) =	ssettag $0x1  }
0x1: {  	s0 =	rddreg [dreg:$0x0]  }
0x2: {  	s2 =	rddreg [dreg:$0x2];
	s3 =	simm.s32 $0x0  }
0x3: {  	s1 =	srdreg.scid;
	s21 =	stileid.u32;
	s17 =	simm.s32 $0x40  }
0x4: {  	s18 =	simm.s32 $0x2000;
	s28 =	simm.s32 $0x1;
	s29 =	simm.s32 $0x2  }
0x5: {  	s30 =	simm.s32 $0x3;
	s31 =	simm.s32 $0x4;
	s6 =	smul.u32 $0x50000, s21  }
0x6: {  	[smem:$0x7FF] =	sst s3;
	s5 =	sadd.s32 $0x2B200, s0;
	s10 =	smul.u32 $0xA000, s21  }
0x7: {  	s4 =	sadd.s32 $0xA1400, s0;
	s1 =	sand.u32 $0x1, s1;
	s19 =	smul.u32 $0x4E000, s21  }
0x8: {  	s12 =	sadd.s32 $0x3200, s0;
	s0 =	sadd.s32 $0xC9400, s0;
	s15 =	smul.u32 $0x2700, s21  }
0x9: {  	s20 =	sshll.u32 s21, $0x6;
	p0 =	seq.s32 s21, $0xF;
	s8 =	smul.u32 $0xA0000, s1  }
0xa: {  	_ =	strace $0x8000004A;
	s7 =	ssub.s32 $0x2, s1;
	s14 =	smul.u32 $0x27100, s1  }
0xb: {  	s1 =	smul.u32 $0x138800, s1;
	s9 =	sshrl.u32 s7, $0x1;
	s6 =	sshrl.u32 s6, $0x2  }
0xc: {  	s11 =	ssub.s32 s7, s9;
	s13 =	sadd.s32 s6, s2;
	s10 =	sadd.s32 s10, s8  }
0xd: {  	s6 =	sor.u32 $0x1C07, s20;
	s9 =	sshrl.u32 s19, $0x2;
	s14 =	sadd.s32 s15, s14  }
0xe: {  	s1 =	sshrl.u32 s1, $0x3;
	s19 =	sadd.s32 $0x124800, s2;
	s15 =	simm.s32 $0x7  }
0xf: {  	s20 =	simm.s32 $0x4000;
	s8 =	sshrl.u32 s10, $0x3;
	s16 =	sadd.s32 s9, s2  }
0x10: {  	s24 =	sadd.s32 s0, s14;
	s0 =	sadd.s32 s0, s1;
	s25 =	sor.u32 $0x800, s10  }
0x11: {  	s11 =	smax.u32 s11, $0x1;
	s14 =	sshrl.u32 s13, $0x3;
	s22 =	sadd.s32 s4, s8  }
.Ltmp0:
0x12: {  	s23 =	sadd.s32 s12, s8;
	[dreg:$0x6] =	wrdreg s24;
	(pc) =	sbr.rel .LBB2_1-.Ltmp0, $4  }
0x13: {  	s0 =	sadd.s32 $0x24900, s0;
	s26 =	sshrl.u32 s25, $0x3;
	[dreg:$0x4] =	wrdreg s22  }
0x14: {  	s24 =	sshrl.u32 @p0 s19, $0x3;
	s25 =	sshrl.u32 @!p0 s16, $0x3;
	[dreg:$0x5] =	wrdreg s23  }
0x15: {  	[dreg:$0x7] =	wrdreg s0;
	s1 =	sadd.s32 s26, s12;
	s4 =	sadd.s32 s26, s4  }
0x16: {  	s22 =	simm.s32 $0x6000;
	s26 =	simm.s32 $0x8000;
	s0 =	simm.s32 $0x0  }
.LBB2_3:
0x17: {  	_ =	swait.ge [sflag:s31], $0x2000  }
0x18: {  	[sflag:s31] =	ssyncset.done $0x0  }
0x19: {  	s7 =	sor.u32 $0x1000, s21;
	[sflag:s31] =	ssyncadd.s32 $0xFFFFE000  }
0x1a: {  	[spmem:s2] =	stream.indirect.scatter.add.f32 [tilespmem:s26], [sflag:$0x7], $0x80, s7, s17, $0xb8;
	[tilespmem:$0x1E000] =	vst v63  }
0x1b: {  	_ =	swait.ge [sflag:s15], $0x2000  }
0x1c: {  	[sflag:s15] =	ssyncset.done $0x0  }
0x1d: {  	[sflag:s15] =	ssyncadd.s32 $0xFFFFE000  }
.LBB2_5:
0x1e: {  	[bflag:$0x0] =	sbarrier.arrive $0xFFFF  }
0x1f: {  	s7 =	rddreg [dreg:$0x7]  }
0x20: {  	[hbm:s7], [sflag:s6] =	dma.local @p0 [spmem:s24], $0x2800  }
0x21: {  	s7 =	simm.s32 @p0 $0x7  }
0x22: {  	_ =	swait.ge @p0 [sflag:s7], $0x2800  }
0x23: {  	s0 =	sadd.s32 $0x1, s0;
	[sflag:s7] =	ssyncset.done @p0 $0x0  }
0x24: {  	p1 =	sne.s32 s0, s11;
	[sflag:s7] =	ssyncadd.s32 @p0 $0xFFFFD800;
	s7 =	rddreg [dreg:$0x6]  }
0x25: {  	[hbm:s7], [sflag:s6] =	dma.local @!p0 [spmem:s25], $0x2700  }
.Ltmp1:
0x26: {  	_ = 	snop;
	(pc) =	sbr.rel @!p1 .LBB2_6-.Ltmp1, $4  }
0x27: {  	s7 =	simm.s32 @!p0 $0x7  }
0x28: {  	_ =	swait.ge @!p0 [sflag:s7], $0x2700  }
0x29: {  	[sflag:s7] =	ssyncset.done @!p0 $0x0  }
0x2a: {  	[sflag:s7] =	ssyncadd.s32 @!p0 $0xFFFFD900  }
.LBB2_1:
0x2b: {  	s7 =	rddreg [dreg:$0x1]  }
0x2c: {  	[spmem:s14], [sflag:s6] =	dma.local [hbm:s7], $0x2800  }
0x2d: {  	_ =	swait.ge [sflag:s15], $0x2800  }
0x2e: {  	[sflag:s15] =	ssyncset.done $0x0  }
0x2f: {  	s13 =	rddreg [dreg:$0x4];
	[sflag:s15] =	ssyncadd.s32 $0xFFFFD800  }
0x30: {  	[tilespmem:s3], [sflag:$0x7] =	stream.linear.gather [hbm4b:s13+s3], $0x800, $0x38;
	[tilespmem:$0x1E000] =	vst v63  }
0x31: {  	_ =	swait.ge [sflag:s15], $0x800  }
0x32: {  	[sflag:s15] =	ssyncset.done $0x0  }
0x33: {  	s8 =	simm.s32 $0x1000;
	s16 =	rddreg [dreg:$0x5];
	[sflag:s15] =	ssyncadd.s32 $0xFFFFF800  }
0x34: {  	[tilespmem:s8], [sflag:$0x7] =	stream.linear.gather [hbm4b:s16+s3], $0x800, $0x38;
	[tilespmem:$0x1E000] =	vst v63  }
0x35: {  	_ =	swait.ge [sflag:s15], $0x800  }
0x36: {  	[sflag:s15] =	ssyncset.done $0x0  }
0x37: {  	[sflag:s15] =	ssyncadd.s32 $0xFFFFF800  }
0x38: {  	[bflag:$0x0] =	sbarrier.arrive $0xFFFF  }
0x39: {  	[tilespmem:s18], [sflag:$0x1] =	stream.indirect.gather [hbm4b:s5+s17], $0x80, s3, s17, $0xb8;
	[tilespmem:$0x1E000] =	vst v63  }
0x3a: {  	s19 =	simm.s32 $0x80  }
0x3b: {  	[tilespmem:s20], [sflag:$0x2] =	stream.indirect.gather [hbm4b:s5+s17], $0x80, s19, s17, $0xb8;
	[tilespmem:$0x1E000] =	vst v63  }
0x3c: {  	s21 =	simm.s32 $0x100;
	s23 =	simm.s32 $0x180  }
0x3d: {  	[tilespmem:s22], [sflag:$0x3] =	stream.indirect.gather [hbm4b:s5+s17], $0x80, s21, s17, $0xb8;
	[tilespmem:$0x1E000] =	vst v63  }
0x3e: {  	s12 =	smov.u32 s1;
	s13 =	smov.u32 s4;
	s16 =	simm.s32 $0x0  }
0x3f: {  	[tilespmem:s26], [sflag:$0x4] =	stream.indirect.gather [hbm4b:s5+s17], $0x80, s23, s17, $0xb8;
	[tilespmem:$0x1E000] =	vst v63  }
.LBB2_2:
0x40: {  	p1 =	seq.s32 s16, $0x9800  }
0x41: {  	s19 =	sand.u32 @!p1 $0x800, s16  }
0x42: {  	s23 =	simm.s32 @!p1 $0x0;
	s21 =	sxor.u32 @!p1 $0x800, s19  }
0x43: {  	[tilespmem:s21], [sflag:$0x5] =	stream.linear.gather @!p1 [hbm4b:s13+s23], $0x800, $0x38;
	[tilespmem:$0x1E000] =	vst v63  }
0x44: {  	s21 =	sxor.u32 @!p1 $0x1800, s19  }
0x45: {  	[tilespmem:s21], [sflag:$0x6] =	stream.linear.gather @!p1 [hbm4b:s12+s23], $0x800, $0x38;
	[tilespmem:$0x1E000] =	vst v63  }
0x46: {  	_ =	swait.ge [sflag:s28], $0x2000  }
0x47: {  	s19 =	simm.s32 @p1 $0x800;
	[sflag:s28] =	ssyncset.done $0x0  }
0x48: {  	s10 =	sor.u32 $0x1000, s19;
	[sflag:s28] =	ssyncadd.s32 $0xFFFFE000  }
0x49: {  	[spmem:s2] =	stream.indirect.scatter.add.f32 [tilespmem:s18], [sflag:$0x7], $0x80, s10, s17, $0xb8;
	[tilespmem:$0x1E000] =	vst v63  }
0x4a: {  	_ =	swait.ge [sflag:s15], $0x2000  }
0x4b: {  	[sflag:s15] =	ssyncset.done $0x0  }
0x4c: {  	s23 =	sor.u32 $0x200, s19;
	[sflag:s15] =	ssyncadd.s32 $0xFFFFE000  }
0x4d: {  	[tilespmem:s18], [sflag:$0x1] =	stream.indirect.gather [hbm4b:s5+s17], $0x80, s23, s17, $0xb8;
	[tilespmem:$0x1E000] =	vst v63  }
0x4e: {  	_ =	swait.ge [sflag:s29], $0x2000  }
0x4f: {  	[sflag:s29] =	ssyncset.done $0x0  }
0x50: {  	s7 =	sadd.s32 $0x1080, s19;
	[sflag:s29] =	ssyncadd.s32 $0xFFFFE000  }
0x51: {  	[spmem:s2] =	stream.indirect.scatter.add.f32 [tilespmem:s20], [sflag:$0x7], $0x80, s7, s17, $0xb8;
	[tilespmem:$0x1E000] =	vst v63  }
0x52: {  	_ =	swait.ge [sflag:s15], $0x2000  }
0x53: {  	[sflag:s15] =	ssyncset.done $0x0  }
0x54: {  	s8 =	sor.u32 $0x280, s19;
	[sflag:s15] =	ssyncadd.s32 $0xFFFFE000  }
0x55: {  	[tilespmem:s20], [sflag:$0x2] =	stream.indirect.gather [hbm4b:s5+s17], $0x80, s8, s17, $0xb8;
	[tilespmem:$0x1E000] =	vst v63  }
0x56: {  	_ =	swait.ge [sflag:s30], $0x2000  }
0x57: {  	[sflag:s30] =	ssyncset.done $0x0  }
0x58: {  	s9 =	sadd.s32 $0x1100, s19;
	[sflag:s30] =	ssyncadd.s32 $0xFFFFE000  }
0x59: {  	[spmem:s2] =	stream.indirect.scatter.add.f32 [tilespmem:s22], [sflag:$0x7], $0x80, s9, s17, $0xb8;
	[tilespmem:$0x1E000] =	vst v63  }
0x5a: {  	_ =	swait.ge [sflag:s15], $0x2000  }
0x5b: {  	[sflag:s15] =	ssyncset.done $0x0  }
0x5c: {  	s10 =	sor.u32 $0x300, s19;
	[sflag:s15] =	ssyncadd.s32 $0xFFFFE000  }
0x5d: {  	[tilespmem:s22], [sflag:$0x3] =	stream.indirect.gather [hbm4b:s5+s17], $0x80, s10, s17, $0xb8;
	[tilespmem:$0x1E000] =	vst v63  }
0x5e: {  	_ =	swait.ge [sflag:s31], $0x2000  }
0x5f: {  	[sflag:s31] =	ssyncset.done $0x0  }
0x60: {  	s23 =	sadd.s32 $0x1180, s19;
	[sflag:s31] =	ssyncadd.s32 $0xFFFFE000  }
0x61: {  	[spmem:s2] =	stream.indirect.scatter.add.f32 [tilespmem:s26], [sflag:$0x7], $0x80, s23, s17, $0xb8;
	[tilespmem:$0x1E000] =	vst v63  }
0x62: {  	_ =	swait.ge [sflag:s15], $0x2000  }
0x63: {  	[sflag:s15] =	ssyncset.done $0x0  }
0x64: {  	s7 =	sor.u32 $0x380, s19;
	[sflag:s15] =	ssyncadd.s32 $0xFFFFE000  }
0x65: {  	[tilespmem:s26], [sflag:$0x4] =	stream.indirect.gather [hbm4b:s5+s17], $0x80, s7, s17, $0xb8;
	[tilespmem:$0x1E000] =	vst v63  }
0x66: {  	_ =	swait.ge [sflag:s28], $0x2000  }
0x67: {  	[sflag:s28] =	ssyncset.done $0x0  }
0x68: {  	s8 =	sor.u32 $0x1200, s19;
	[sflag:s28] =	ssyncadd.s32 $0xFFFFE000  }
0x69: {  	[spmem:s2] =	stream.indirect.scatter.add.f32 [tilespmem:s18], [sflag:$0x7], $0x80, s8, s17, $0xb8;
	[tilespmem:$0x1E000] =	vst v63  }
0x6a: {  	_ =	swait.ge [sflag:s15], $0x2000  }
0x6b: {  	[sflag:s15] =	ssyncset.done $0x0  }
0x6c: {  	s9 =	sor.u32 $0x400, s19;
	[sflag:s15] =	ssyncadd.s32 $0xFFFFE000  }
0x6d: {  	[tilespmem:s18], [sflag:$0x1] =	stream.indirect.gather [hbm4b:s5+s17], $0x80, s9, s17, $0xb8;
	[tilespmem:$0x1E000] =	vst v63  }
0x6e: {  	_ =	swait.ge [sflag:s29], $0x2000  }
0x6f: {  	[sflag:s29] =	ssyncset.done $0x0  }
0x70: {  	s10 =	sor.u32 $0x1280, s19;
	[sflag:s29] =	ssyncadd.s32 $0xFFFFE000  }
0x71: {  	[spmem:s2] =	stream.indirect.scatter.add.f32 [tilespmem:s20], [sflag:$0x7], $0x80, s10, s17, $0xb8;
	[tilespmem:$0x1E000] =	vst v63  }
0x72: {  	_ =	swait.ge [sflag:s15], $0x2000  }
0x73: {  	[sflag:s15] =	ssyncset.done $0x0  }
0x74: {  	s23 =	sor.u32 $0x480, s19;
	[sflag:s15] =	ssyncadd.s32 $0xFFFFE000  }
0x75: {  	[tilespmem:s20], [sflag:$0x2] =	stream.indirect.gather [hbm4b:s5+s17], $0x80, s23, s17, $0xb8;
	[tilespmem:$0x1E000] =	vst v63  }
0x76: {  	_ =	swait.ge [sflag:s30], $0x2000  }
0x77: {  	[sflag:s30] =	ssyncset.done $0x0  }
0x78: {  	s7 =	sor.u32 $0x1300, s19;
	[sflag:s30] =	ssyncadd.s32 $0xFFFFE000  }
0x79: {  	[spmem:s2] =	stream.indirect.scatter.add.f32 [tilespmem:s22], [sflag:$0x7], $0x80, s7, s17, $0xb8;
	[tilespmem:$0x1E000] =	vst v63  }
0x7a: {  	_ =	swait.ge [sflag:s15], $0x2000  }
0x7b: {  	[sflag:s15] =	ssyncset.done $0x0  }
0x7c: {  	s8 =	sor.u32 $0x500, s19;
	[sflag:s15] =	ssyncadd.s32 $0xFFFFE000  }
0x7d: {  	[tilespmem:s22], [sflag:$0x3] =	stream.indirect.gather [hbm4b:s5+s17], $0x80, s8, s17, $0xb8;
	[tilespmem:$0x1E000] =	vst v63  }
0x7e: {  	_ =	swait.ge [sflag:s31], $0x2000  }
0x7f: {  	[sflag:s31] =	ssyncset.done $0x0  }
0x80: {  	s9 =	sor.u32 $0x1380, s19;
	[sflag:s31] =	ssyncadd.s32 $0xFFFFE000  }
0x81: {  	[spmem:s2] =	stream.indirect.scatter.add.f32 [tilespmem:s26], [sflag:$0x7], $0x80, s9, s17, $0xb8;
	[tilespmem:$0x1E000] =	vst v63  }
0x82: {  	_ =	swait.ge [sflag:s15], $0x2000  }
0x83: {  	[sflag:s15] =	ssyncset.done $0x0  }
0x84: {  	s10 =	sor.u32 $0x580, s19;
	[sflag:s15] =	ssyncadd.s32 $0xFFFFE000  }
0x85: {  	[tilespmem:s26], [sflag:$0x4] =	stream.indirect.gather [hbm4b:s5+s17], $0x80, s10, s17, $0xb8;
	[tilespmem:$0x1E000] =	vst v63  }
0x86: {  	_ =	swait.ge [sflag:s28], $0x2000  }
0x87: {  	[sflag:s28] =	ssyncset.done $0x0  }
0x88: {  	s23 =	sor.u32 $0x1400, s19;
	[sflag:s28] =	ssyncadd.s32 $0xFFFFE000  }
0x89: {  	[spmem:s2] =	stream.indirect.scatter.add.f32 [tilespmem:s18], [sflag:$0x7], $0x80, s23, s17, $0xb8;
	[tilespmem:$0x1E000] =	vst v63  }
0x8a: {  	_ =	swait.ge [sflag:s15], $0x2000  }
0x8b: {  	[sflag:s15] =	ssyncset.done $0x0  }
0x8c: {  	s7 =	sor.u32 $0x600, s19;
	[sflag:s15] =	ssyncadd.s32 $0xFFFFE000  }
0x8d: {  	[tilespmem:s18], [sflag:$0x1] =	stream.indirect.gather [hbm4b:s5+s17], $0x80, s7, s17, $0xb8;
	[tilespmem:$0x1E000] =	vst v63  }
0x8e: {  	_ =	swait.ge [sflag:s29], $0x2000  }
0x8f: {  	[sflag:s29] =	ssyncset.done $0x0  }
0x90: {  	s8 =	sor.u32 $0x1480, s19;
	[sflag:s29] =	ssyncadd.s32 $0xFFFFE000  }
0x91: {  	[spmem:s2] =	stream.indirect.scatter.add.f32 [tilespmem:s20], [sflag:$0x7], $0x80, s8, s17, $0xb8;
	[tilespmem:$0x1E000] =	vst v63  }
0x92: {  	_ =	swait.ge [sflag:s15], $0x2000  }
0x93: {  	[sflag:s15] =	ssyncset.done $0x0  }
0x94: {  	s23 =	sor.u32 $0x680, s19;
	[sflag:s15] =	ssyncadd.s32 $0xFFFFE000  }
0x95: {  	[tilespmem:s20], [sflag:$0x2] =	stream.indirect.gather [hbm4b:s5+s17], $0x80, s23, s17, $0xb8;
	[tilespmem:$0x1E000] =	vst v63  }
0x96: {  	_ =	swait.ge [sflag:s30], $0x2000  }
0x97: {  	[sflag:s30] =	ssyncset.done $0x0  }
0x98: {  	s9 =	sor.u32 $0x1500, s19;
	[sflag:s30] =	ssyncadd.s32 $0xFFFFE000  }
0x99: {  	[spmem:s2] =	stream.indirect.scatter.add.f32 [tilespmem:s22], [sflag:$0x7], $0x80, s9, s17, $0xb8;
	[tilespmem:$0x1E000] =	vst v63  }
0x9a: {  	_ =	swait.ge [sflag:s15], $0x2000  }
0x9b: {  	[sflag:s15] =	ssyncset.done $0x0  }
0x9c: {  	s7 =	sor.u32 $0x700, s19;
	[sflag:s15] =	ssyncadd.s32 $0xFFFFE000  }
0x9d: {  	[tilespmem:s22], [sflag:$0x3] =	stream.indirect.gather [hbm4b:s5+s17], $0x80, s7, s17, $0xb8;
	[tilespmem:$0x1E000] =	vst v63  }
0x9e: {  	_ =	swait.ge [sflag:s31], $0x2000  }
0x9f: {  	[sflag:s31] =	ssyncset.done $0x0  }
0xa0: {  	s10 =	sor.u32 $0x1580, s19;
	[sflag:s31] =	ssyncadd.s32 $0xFFFFE000  }
0xa1: {  	[spmem:s2] =	stream.indirect.scatter.add.f32 [tilespmem:s26], [sflag:$0x7], $0x80, s10, s17, $0xb8;
	[tilespmem:$0x1E000] =	vst v63  }
0xa2: {  	_ =	swait.ge [sflag:s15], $0x2000  }
0xa3: {  	[sflag:s15] =	ssyncset.done $0x0  }
0xa4: {  	s21 =	sor.u32 $0x780, s19;
	[sflag:s15] =	ssyncadd.s32 $0xFFFFE000  }
0xa5: {  	[tilespmem:s26], [sflag:$0x4] =	stream.indirect.gather [hbm4b:s5+s17], $0x80, s21, s17, $0xb8;
	[tilespmem:$0x1E000] =	vst v63  }
0xa6: {  	_ =	swait.ge [sflag:s28], $0x2000  }
0xa7: {  	[sflag:s28] =	ssyncset.done $0x0  }
0xa8: {  	s8 =	sor.u32 $0x1600, s19;
	[sflag:s28] =	ssyncadd.s32 $0xFFFFE000  }
0xa9: {  	[spmem:s2] =	stream.indirect.scatter.add.f32 [tilespmem:s18], [sflag:$0x7], $0x80, s8, s17, $0xb8;
	[tilespmem:$0x1E000] =	vst v63  }
0xaa: {  	_ =	swait.ge [sflag:s15], $0x2000  }
0xab: {  	[sflag:s15] =	ssyncset.done $0x0  }
0xac: {  	s8 =	simm.s32 @p1 $0x2;
	[sflag:s15] =	ssyncadd.s32 $0xFFFFE000  }
0xad: {  	_ =	swait.ge @p1 [sflag:s8], $0x2000  }
0xae: {  	s9 =	simm.s32 @p1 $0x40;
	[sflag:s8] =	ssyncset.done @p1 $0x0  }
0xaf: {  	s10 =	simm.s32 @p1 $0x4000;
	[sflag:s8] =	ssyncadd.s32 @p1 $0xFFFFE000;
	s8 =	sor.u32 @p1 $0x1000, s23  }
0xb0: {  	[spmem:s2] =	stream.indirect.scatter.add.f32 @p1 [tilespmem:s10], [sflag:$0x7], $0x80, s8, s9, $0xb8;
	[tilespmem:$0x1E000] =	vst v63  }
0xb1: {  	s8 =	simm.s32 @p1 $0x7  }
0xb2: {  	_ =	swait.ge @p1 [sflag:s8], $0x2000  }
0xb3: {  	[sflag:s8] =	ssyncset.done @p1 $0x0  }
0xb4: {  	[sflag:s8] =	ssyncadd.s32 @p1 $0xFFFFE000;
	s8 =	simm.s32 @!p1 $0x5  }
0xb5: {  	_ =	swait.ge @!p1 [sflag:s8], $0x800  }
0xb6: {  	[sflag:s8] =	ssyncset.done @!p1 $0x0  }
0xb7: {  	[sflag:s8] =	ssyncadd.s32 @!p1 $0xFFFFF800;
	s8 =	simm.s32 @!p1 $0x6  }
0xb8: {  	_ =	swait.ge @!p1 [sflag:s8], $0x800  }
0xb9: {  	s9 =	simm.s32 @!p1 $0x40;
	[sflag:s8] =	ssyncset.done @!p1 $0x0  }
0xba: {  	s10 =	simm.s32 @!p1 $0x2000;
	[sflag:s8] =	ssyncadd.s32 @!p1 $0xFFFFF800;
	s8 =	ssub.s32 @!p1 $0x800, s19  }
0xbb: {  	[tilespmem:s10], [sflag:$0x1] =	stream.indirect.gather @!p1 [hbm4b:s5+s9], $0x80, s8, s9, $0xb8;
	[tilespmem:$0x1E000] =	vst v63  }
0xbc: {  	s8 =	simm.s32 @!p1 $0x2  }
0xbd: {  	_ =	swait.ge @!p1 [sflag:s8], $0x2000  }
0xbe: {  	[sflag:s8] =	ssyncset.done @!p1 $0x0  }
0xbf: {  	s10 =	simm.s32 @!p1 $0x4000;
	[sflag:s8] =	ssyncadd.s32 @!p1 $0xFFFFE000;
	s8 =	sor.u32 @!p1 $0x1000, s23  }
0xc0: {  	[spmem:s2] =	stream.indirect.scatter.add.f32 @!p1 [tilespmem:s10], [sflag:$0x7], $0x80, s8, s9, $0xb8;
	[tilespmem:$0x1E000] =	vst v63  }
0xc1: {  	s8 =	simm.s32 @!p1 $0x7  }
0xc2: {  	_ =	swait.ge @!p1 [sflag:s8], $0x2000  }
0xc3: {  	[sflag:s8] =	ssyncset.done @!p1 $0x0  }
0xc4: {  	[sflag:s8] =	ssyncadd.s32 @!p1 $0xFFFFE000;
	s8 =	ssub.s32 @!p1 $0x880, s19  }
0xc5: {  	[tilespmem:s10], [sflag:$0x2] =	stream.indirect.gather @!p1 [hbm4b:s5+s9], $0x80, s8, s9, $0xb8;
	[tilespmem:$0x1E000] =	vst v63  }
0xc6: {  	_ =	swait.ge [sflag:s30], $0x2000  }
0xc7: {  	p1 =	sne.s32 s16, $0x9800;
	[sflag:s30] =	ssyncset.done $0x0  }
.Ltmp2:
0xc8: {  	s7 =	sor.u32 $0x1000, s7;
	[sflag:s30] =	ssyncadd.s32 $0xFFFFE000;
	(pc) =	sbr.rel @!p1 .LBB2_3-.Ltmp2, $4  }
0xc9: {  	[spmem:s2] =	stream.indirect.scatter.add.f32 [tilespmem:s22], [sflag:$0x7], $0x80, s7, s17, $0xb8;
	[tilespmem:$0x1E000] =	vst v63  }
0xca: {  	_ =	swait.ge [sflag:s15], $0x2000  }
0xcb: {  	[sflag:s15] =	ssyncset.done $0x0  }
0xcc: {  	[sflag:s15] =	ssyncadd.s32 $0xFFFFE000  }
0xcd: {  	s7 =	ssub.s32 $0x900, s19  }
0xce: {  	[tilespmem:s22], [sflag:$0x3] =	stream.indirect.gather [hbm4b:s5+s17], $0x80, s7, s17, $0xb8;
	[tilespmem:$0x1E000] =	vst v63  }
0xcf: {  	_ =	swait.ge [sflag:s31], $0x2000  }
0xd0: {  	s16 =	sadd.s32 $0x800, s16;
	[sflag:s31] =	ssyncset.done $0x0  }
0xd1: {  	s21 =	sor.u32 $0x1000, s21;
	p1 =	sne.s32 s16, $0xA000;
	[sflag:s31] =	ssyncadd.s32 $0xFFFFE000  }
0xd2: {  	[spmem:s2] =	stream.indirect.scatter.add.f32 [tilespmem:s26], [sflag:$0x7], $0x80, s21, s17, $0xb8;
	[tilespmem:$0x1E000] =	vst v63  }
.Ltmp3:
0xd3: {  	_ = 	snop;
	(pc) =	sbr.rel @p1 .LBB2_2-.Ltmp3, $4  }
.Ltmp4:
0xd4: {  	_ =	swait.ge [sflag:s15], $0x2000;
	(pc) =	sbr.rel @!p1 .LBB2_5-.Ltmp4, $4  }
0xd5: {  	s23 =	ssub.s32 $0x980, s19;
	[sflag:s15] =	ssyncset.done $0x0  }
0xd6: {  	s12 =	sadd.s32 $0x100, s12;
	s13 =	sadd.s32 $0x100, s13;
	[sflag:s15] =	ssyncadd.s32 $0xFFFFE000  }
0xd7: {  	[tilespmem:s26], [sflag:$0x4] =	stream.indirect.gather [hbm4b:s5+s17], $0x80, s23, s17, $0xb8;
	[tilespmem:$0x1E000] =	vst v63  }
0xd8: {  	_ = 	snop  }
.LBB2_6:
0xd9: {  	_ =	sfence.sel $0x180000  }
0xda: {  	[bflag:$0x0] =	sbarrier.arrive $0xFFFF  }
0xdb: {  	_ =	strace $0x9000004A  }
0xdc: {  	s0 =	stileid.u32;
	[bflag:$0x2] =	sbarrier.arrive $0xFFFF  }
0xdd: {  	p0 =	sne.s32 s0, $0x0;
	s0 =	rddreg [dreg:$0x3]  }
0xde: {  	s0 =	sadd.s32 @!p0 $0x100000, s0  }
0xdf: {  	[sflag:s0] =	ssyncadd.tile.s32 @!p0 $0x1;
	_ =	shalt  }
.Lfunc_end2:
_tile_overlayer_lowered:
.L_overlay_start_2:
0xe0: {  	(tag) =	ssettag $0x2  }
0xe1: {  	s0 =	rddreg [dreg:$0x0];
	s2 =	stileid.u32  }
0xe2: {  	s1 =	rddreg [dreg:$0x1];
	p0 =	sne.s32 s2, $0x0  }
0xe3: {  	s3 =	rddreg [dreg:$0x2];
	[bflag:$0x3] =	sbarrier.arrive $0xFFFF;
	s2 =	simm.s32 @!p0 $0x1C07  }
0xe4: {  	[timem:s3], [sflag:s2] =	dma.local @!p0 [hbm:s0], s1  }
0xe5: {  	s0 =	simm.s32 @!p0 $0x7  }
0xe6: {  	_ =	swait.ge @!p0 [sflag:s0], s1  }
0xe7: {  	s1 =	ssub.s32 @!p0 $0x0, s1;
	[sflag:s0] =	ssyncset.done @!p0 $0x0  }
0xe8: {  	[sflag:s0] =	ssyncadd.s32 @!p0 s1  }
0xe9: {  	[bflag:$0x3] =	sbarrier.arrive $0xFFFF  }
0xea: {  	_ =	shalt  }

</sc_bundles>
